<compile_context>
chip_gen: v7x
topology: tpu7x:2x2x1
jax: 0.10.2.dev20260603
libtpu: 0.0.44.dev20260713+nightly
codegen_flags: <defaults>
</compile_context>

<pallas_src>
import jax
import jax.numpy as jnp
from jax import lax
from jax.experimental import pallas as pl
from jax.experimental.pallas import tpu as pltpu
from jax.experimental.pallas import tpu_sc as plsc

N = 10000
D = 128
E = 320000

NC = 2
NS = 16
L = 16
NW = NC * NS

CHUNK = 80
NWIN = 2
WCH = 63
CHUNKS_PER_TILE = NWIN * WCH
E_PAD = NW * CHUNKS_PER_TILE * CHUNK
N_ACC = 10112
ROWS_PER_TILE = N_ACC // NS

_SC_PARAMS = pltpu.CompilerParams(needs_layout_passes=False)
_MESH = dict(core_axis_name="c", subcore_axis_name="s")


def _sc_counts_body(dst_hbm, counts_hbm, dst_a, dst_b, counts_v,
                    sem_a, sem_b):
    c = lax.axis_index("c")
    s = lax.axis_index("s")

    bufs = ((dst_a, sem_a), (dst_b, sem_b))
    pltpu.async_copy(dst_hbm.at[c, s, 0], dst_a, sem_a)

    zeros16 = jnp.zeros((L,), jnp.float32)

    def _zero(i, carry):
        counts_v[pl.ds(i * L, L)] = zeros16
        return carry
    lax.fori_loop(0, N_ACC // L, _zero, 0)

    ones16 = jnp.ones((L,), jnp.float32)
    gpc = CHUNK // L

    for w in range(NWIN):
        buf, sem = bufs[w % 2]
        pltpu.make_async_copy(dst_hbm.at[c, s, 0], buf, sem).wait()
        if w + 1 < NWIN:
            nbuf, nsem = bufs[(w + 1) % 2]
            pltpu.async_copy(dst_hbm.at[c, s, w + 1], nbuf, nsem)

        def _count(g, carry):
            idx = buf[g // gpc, pl.ds((g % gpc) * L, L)]
            plsc.addupdate_scatter(counts_v, [idx], ones16)
            return carry
        lax.fori_loop(0, WCH * gpc, _count, 0)

    wid = s * NC + c
    pltpu.sync_copy(counts_v, counts_hbm.at[wid])


_sc_counts = pl.kernel(
    _sc_counts_body,
    out_type=jax.ShapeDtypeStruct((NW, N_ACC), jnp.float32),
    mesh=plsc.VectorSubcoreMesh(**_MESH),
    scratch_types=(
        pltpu.VMEM((WCH, CHUNK), jnp.int32),
        pltpu.VMEM((WCH, CHUNK), jnp.int32),
        pltpu.VMEM((N_ACC,), jnp.float32),
        pltpu.SemaphoreType.DMA,
        pltpu.SemaphoreType.DMA,
    ),
    compiler_params=_SC_PARAMS,
    name="sage_sc_counts",
)


def _sc_aggregate_body(h_hbm, src_hbm, dst_hbm, partial_hbm,
                       acc_sh, src_v, dst_v, rows_a, rows_b, rows_c,
                       sem_a, sem_b, sem_c):
    c = lax.axis_index("c")
    s = lax.axis_index("s")

    def _gather(j, buf, sem):
        pltpu.async_copy(h_hbm.at[src_v.at[j]], buf, sem)

    def _gather_wait(buf, sem):
        pltpu.make_async_copy(h_hbm.at[src_v.at[0]], buf, sem).wait()

    def _scatter(j, buf):
        pltpu.sync_copy(buf, acc_sh.at[dst_v.at[j]], add=True)

    bufs = ((rows_a, sem_a), (rows_b, sem_b), (rows_c, sem_c))
    DEPTH = len(bufs)

    pltpu.sync_copy(src_hbm.at[c, s, 0], src_v)
    pltpu.sync_copy(dst_hbm.at[c, s, 0], dst_v)
    for k, (buf, sem) in enumerate(bufs[:DEPTH - 1]):
        _gather(k, buf, sem)

    zeros16 = jnp.zeros((L,), jnp.float32)

    def _zero_row(i, carry):
        for k in range(D // L):
            rows_c[i, pl.ds(k * L, L)] = zeros16
        return carry
    lax.fori_loop(0, CHUNK, _zero_row, 0)
    base = s * ROWS_PER_TILE
    for t in range(ROWS_PER_TILE // CHUNK):
        pltpu.sync_copy(rows_c, acc_sh.at[pl.ds(base + t * CHUNK, CHUNK)])
    rem = ROWS_PER_TILE % CHUNK
    pltpu.sync_copy(
        rows_c.at[pl.ds(0, rem)],
        acc_sh.at[pl.ds(base + ROWS_PER_TILE - rem, rem)])

    plsc.subcore_barrier()

    def _round(i, carry):
        j0 = DEPTH * i
        for k in range(DEPTH):
            pbuf, psem = bufs[(k - 1) % DEPTH]
            _gather(jnp.minimum(j0 + k + DEPTH - 1, WCH - 1), pbuf, psem)
            buf, sem = bufs[k]
            _gather_wait(buf, sem)
            _scatter(j0 + k, buf)
        return carry

    for w in range(NWIN):
        if w > 0:
            pltpu.sync_copy(src_hbm.at[c, s, w], src_v)
            pltpu.sync_copy(dst_hbm.at[c, s, w], dst_v)
            for k, (buf, sem) in enumerate(bufs[:DEPTH - 1]):
                _gather(k, buf, sem)
        lax.fori_loop(0, WCH // DEPTH, _round, 0)
        for buf, sem in bufs[:DEPTH - 1]:
            _gather_wait(buf, sem)

    plsc.subcore_barrier()
    pltpu.sync_copy(acc_sh.at[pl.ds(base, ROWS_PER_TILE)],
                    partial_hbm.at[c].at[pl.ds(base, ROWS_PER_TILE)])


_sc_aggregate = pl.kernel(
    _sc_aggregate_body,
    out_type=jax.ShapeDtypeStruct((NC, N_ACC, D), jnp.float32),
    mesh=plsc.VectorSubcoreMesh(**_MESH),
    scratch_types=(
        pltpu.VMEM_SHARED((N_ACC, D), jnp.float32),
        pltpu.VMEM((WCH, CHUNK), jnp.int32),
        pltpu.VMEM((WCH, CHUNK), jnp.int32),
        pltpu.VMEM((CHUNK, D), jnp.float32),
        pltpu.VMEM((CHUNK, D), jnp.float32),
        pltpu.VMEM((CHUNK, D), jnp.float32),
        pltpu.SemaphoreType.DMA,
        pltpu.SemaphoreType.DMA,
        pltpu.SemaphoreType.DMA,
    ),
    compiler_params=_SC_PARAMS,
    name="sage_sc_aggregate",
)


def _tc_invcnt_body(cnt_ref, o_ref):
    cnt = jnp.sum(cnt_ref[...], axis=0)
    o_ref[...] = (1.0 / jnp.maximum(cnt, 1.0)).reshape(N_ACC, 1)


def _tc_invcnt(counts_p):
    return pl.pallas_call(
        _tc_invcnt_body,
        out_shape=jax.ShapeDtypeStruct((N_ACC, 1), jnp.float32),
    )(counts_p)


def _tc_dense_body(p_ref, inv_ref, h_ref, wl_ref, wr_ref, b_ref, o_ref):
    inv = inv_ref[...].reshape(_BR)
    mean = (p_ref[0] + p_ref[1]) * inv[:, None]
    acc = jnp.dot(mean, wl_ref[...], preferred_element_type=jnp.float32)
    acc = acc + jnp.dot(h_ref[...], wr_ref[...],
                        preferred_element_type=jnp.float32)
    acc = acc + b_ref[...]
    o_ref[...] = jnp.maximum(acc, 0.0)


_BR = 2000


def _tc_dense(partial, inv_c, h, wl, wr, b):
    return pl.pallas_call(
        _tc_dense_body,
        grid=(N // _BR,),
        in_specs=[
            pl.BlockSpec((NC, _BR, D), lambda r: (0, r, 0)),
            pl.BlockSpec((_BR, 1), lambda r: (r, 0)),
            pl.BlockSpec((_BR, D), lambda r: (r, 0)),
            pl.BlockSpec((D, D), lambda r: (0, 0)),
            pl.BlockSpec((D, D), lambda r: (0, 0)),
            pl.BlockSpec((1, D), lambda r: (0, 0)),
        ],
        out_specs=pl.BlockSpec((_BR, D), lambda r: (r, 0)),
        out_shape=jax.ShapeDtypeStruct((N, D), jnp.float32),
    )(partial, inv_c, h, wl, wr, b)


def kernel(x, edge_index, W1_l, W1_r, b1, W2_l, W2_r, b2):
    src = edge_index[0].astype(jnp.int32)
    dst = edge_index[1].astype(jnp.int32)
    pad_k = jnp.arange(E_PAD - E, dtype=jnp.int32)
    src_p = jnp.concatenate(
        [src, pad_k % N]
    ).reshape(NC, NS, NWIN, WCH, CHUNK)
    dst_p = jnp.concatenate(
        [dst, N + pad_k % (N_ACC - N)]
    ).reshape(NC, NS, NWIN, WCH, CHUNK)

    b1_ = b1.reshape(1, D)
    b2_ = b2.reshape(1, D)

    counts_p = _sc_counts(dst_p)
    inv_c = _tc_invcnt(counts_p)
    partial1 = _sc_aggregate(x, src_p, dst_p)
    h1 = _tc_dense(partial1, inv_c, x, W1_l, W1_r, b1_)

    partial2 = _sc_aggregate(h1, src_p, dst_p)
    return _tc_dense(partial2, inv_c, h1, W2_l, W2_r, b2_)

# --- scband reference (transcript-rebuilt; emitter-appended) ---
"""Pipeline reference for scband-encoder-87282325390064 (READ-ONLY COPY).

The authoritative reference and input builder live on the scoring server;
editing this copy changes nothing except your own understanding.
"""

import jax, jax.numpy as jnp
import numpy as np

N_NODES = 10000
N_EDGES = 320000
D_IN = 128
D_HID = 128

def setup_inputs(seed: int = 0) -> dict:
    key = jax.random.key(seed)
    ks = jax.random.split(key, 9)
    x = jax.random.normal(ks[0], (N_NODES, D_IN), dtype=jnp.float32)
    edge_index = jax.random.randint(ks[1], (2, N_EDGES), 0, N_NODES, dtype=jnp.int64)
    s1 = 1.0 / np.sqrt(D_IN)
    s2 = 1.0 / np.sqrt(D_HID)
    W1_l = jax.random.uniform(ks[2], (D_IN, D_HID), jnp.float32, -s1, s1)
    W1_r = jax.random.uniform(ks[3], (D_IN, D_HID), jnp.float32, -s1, s1)
    b1 = jax.random.uniform(ks[4], (D_HID,), jnp.float32, -s1, s1)
    W2_l = jax.random.uniform(ks[5], (D_HID, D_HID), jnp.float32, -s2, s2)
    W2_r = jax.random.uniform(ks[6], (D_HID, D_HID), jnp.float32, -s2, s2)
    b2 = jax.random.uniform(ks[7], (D_HID,), jnp.float32, -s2, s2)
    return {"x": x, "edge_index": edge_index, "W1_l": W1_l, "W1_r": W1_r, "b1": b1, "W2_l": W2_l, "W2_r": W2_r, "b2": b2}

def _sage_conv(h, src, dst, n_nodes, Wl, Wr, b):
    # message: gather source-node features along edges
    msgs = jnp.take(h, src, axis=0)
    # mean aggregation over incoming edges at dst
    summed = jax.ops.segment_sum(msgs, dst, num_segments=n_nodes)
    counts = jax.ops.segment_sum(jnp.ones((src.shape[0],), h.dtype), dst, num_segments=n_nodes)
    mean = summed / jnp.clip(counts, 1.0, None)[:, None]
    # SAGEConv: lin_l(aggregated) + lin_r(root)
    return mean @ Wl + h @ Wr + b

def reference(x, edge_index, W1_l, W1_r, b1, W2_l, W2_r, b2):
    src = edge_index[0]
    dst = edge_index[1]
    n = x.shape[0]
    h = jax.nn.relu(_sage_conv(x, src, dst, n, W1_l, W1_r, b1))
    # dropout is identity in eval mode
    h = jax.nn.relu(_sage_conv(h, src, dst, n, W2_l, W2_r, b2))
    return h

if __name__ == "__main__":
    import jax
    _d = setup_inputs()
    print(jax.jit(kernel)(*tuple(_d.values())))

</pallas_src>

<mosaic_0001>
#map = affine_map<(d0, d1) -> (0, 0)>
#map1 = affine_map<(d0, d1) -> (0, 0, 0, 0, 0)>
#map2 = affine_map<(d0, d1) -> (0, 0, 0)>
module attributes {stable_mosaic.version = 14 : i64} {
  func.func @sage_sc_aggregate(%arg0: i32, %arg1: i32, %arg2: memref<10000x128xf32, #tpu.memory_space<hbm>>, %arg3: memref<2x16x2x63x80xi32, #tpu.memory_space<hbm>>, %arg4: memref<2x16x2x63x80xi32, #tpu.memory_space<hbm>>, %arg5: memref<2x10112x128xf32, #tpu.memory_space<hbm>>, %arg6: memref<10112x128xf32, #tpu.memory_space<vmem_shared>>, %arg7: memref<63x80xi32, #tpu.memory_space<vmem>>, %arg8: memref<63x80xi32, #tpu.memory_space<vmem>>, %arg9: memref<80x128xf32, #tpu.memory_space<vmem>>, %arg10: memref<80x128xf32, #tpu.memory_space<vmem>>, %arg11: memref<80x128xf32, #tpu.memory_space<vmem>>, %arg12: memref<!tpu.dma_semaphore, #tpu.memory_space<semaphore_mem>>, %arg13: memref<!tpu.dma_semaphore, #tpu.memory_space<semaphore_mem>>, %arg14: memref<!tpu.dma_semaphore, #tpu.memory_space<semaphore_mem>>) attributes {dimension_semantics = [#tpu.dimension_semantics<core_parallel>, #tpu.dimension_semantics<subcore_parallel>], iteration_bounds = array<i64: 2, 16>, scalar_prefetch = 0 : i64, scratch_operands = 9 : i64, tpu.core_type = #tpu.core_type<sc_vector_subcore>, window_params = [{transform_indices = #map}, {transform_indices = #map1}, {transform_indices = #map1}, {transform_indices = #map2}]} {
    %run_scoped3A = arith.constant 0 : i32
    "tpu.region"() ({
      %run_scoped3A_93 = tpu.sem_alloc : memref<!tpu.dma_semaphore, #tpu.memory_space<semaphore_mem>>
      %dma_start3A_94 = arith.constant 0 : i32
      %dma_start3A_95 = arith.constant 0 : i32
      %dma_start3A_96 = tpu.memref_slice %arg3[%arg0, %arg1, %run_scoped3A, %dma_start3A_94, %dma_start3A_95] : memref<2x16x2x63x80xi32, #tpu.memory_space<hbm>> -> memref<1x1x1x63x80xi32, #tpu.memory_space<hbm>>
      %dma_start3A_97 = tpu.memref_squeeze %dma_start3A_96 : memref<1x1x1x63x80xi32, #tpu.memory_space<hbm>> -> memref<63x80xi32, #tpu.memory_space<hbm>>
      %dma_start3A_98 = arith.constant 0 : i32
      %dma_start3A_99 = arith.constant 0 : i32
      %dma_start3A_100 = tpu.memref_slice %arg3[%arg0, %arg1, %run_scoped3A, %dma_start3A_98, %dma_start3A_99] : memref<2x16x2x63x80xi32, #tpu.memory_space<hbm>> -> memref<1x1x1x63x80xi32, #tpu.memory_space<hbm>>
      %dma_start3A_101 = tpu.memref_squeeze %dma_start3A_100 : memref<1x1x1x63x80xi32, #tpu.memory_space<hbm>> -> memref<63x80xi32, #tpu.memory_space<hbm>>
      tpu.enqueue_dma source(%dma_start3A_101 : memref<63x80xi32, #tpu.memory_space<hbm>>) target(%arg7 : memref<63x80xi32, #tpu.memory_space<vmem>>) target_semaphore(%run_scoped3A_93 : memref<!tpu.dma_semaphore, #tpu.memory_space<semaphore_mem>>)
      %dma_wait3A_102 = arith.constant 0 : i32
      %dma_wait3A_103 = arith.constant 0 : i32
      %dma_wait3A_104 = tpu.memref_slice %arg3[%arg0, %arg1, %run_scoped3A, %dma_wait3A_102, %dma_wait3A_103] : memref<2x16x2x63x80xi32, #tpu.memory_space<hbm>> -> memref<1x1x1x63x80xi32, #tpu.memory_space<hbm>>
      %dma_wait3A_105 = tpu.memref_squeeze %dma_wait3A_104 : memref<1x1x1x63x80xi32, #tpu.memory_space<hbm>> -> memref<63x80xi32, #tpu.memory_space<hbm>>
      %dma_wait3A_106 = arith.constant 0 : i32
      %dma_wait3A_107 = arith.constant 0 : i32
      %dma_wait3A_108 = tpu.memref_slice %arg3[%arg0, %arg1, %run_scoped3A, %dma_wait3A_106, %dma_wait3A_107] : memref<2x16x2x63x80xi32, #tpu.memory_space<hbm>> -> memref<1x1x1x63x80xi32, #tpu.memory_space<hbm>>
      %dma_wait3A_109 = tpu.memref_squeeze %dma_wait3A_108 : memref<1x1x1x63x80xi32, #tpu.memory_space<hbm>> -> memref<63x80xi32, #tpu.memory_space<hbm>>
      tpu.wait_dma2 semaphore(%run_scoped3A_93 : memref<!tpu.dma_semaphore, #tpu.memory_space<semaphore_mem>>) src(%dma_wait3A_109 : memref<63x80xi32, #tpu.memory_space<hbm>>) dst(%arg7 : memref<63x80xi32, #tpu.memory_space<vmem>>)
      tpu.yield
    }) : () -> ()
    %run_scoped3A_0 = arith.constant 0 : i32
    "tpu.region"() ({
      %run_scoped3A_93 = tpu.sem_alloc : memref<!tpu.dma_semaphore, #tpu.memory_space<semaphore_mem>>
      %dma_start3A_94 = arith.constant 0 : i32
      %dma_start3A_95 = arith.constant 0 : i32
      %dma_start3A_96 = tpu.memref_slice %arg4[%arg0, %arg1, %run_scoped3A_0, %dma_start3A_94, %dma_start3A_95] : memref<2x16x2x63x80xi32, #tpu.memory_space<hbm>> -> memref<1x1x1x63x80xi32, #tpu.memory_space<hbm>>
      %dma_start3A_97 = tpu.memref_squeeze %dma_start3A_96 : memref<1x1x1x63x80xi32, #tpu.memory_space<hbm>> -> memref<63x80xi32, #tpu.memory_space<hbm>>
      %dma_start3A_98 = arith.constant 0 : i32
      %dma_start3A_99 = arith.constant 0 : i32
      %dma_start3A_100 = tpu.memref_slice %arg4[%arg0, %arg1, %run_scoped3A_0, %dma_start3A_98, %dma_start3A_99] : memref<2x16x2x63x80xi32, #tpu.memory_space<hbm>> -> memref<1x1x1x63x80xi32, #tpu.memory_space<hbm>>
      %dma_start3A_101 = tpu.memref_squeeze %dma_start3A_100 : memref<1x1x1x63x80xi32, #tpu.memory_space<hbm>> -> memref<63x80xi32, #tpu.memory_space<hbm>>
      tpu.enqueue_dma source(%dma_start3A_101 : memref<63x80xi32, #tpu.memory_space<hbm>>) target(%arg8 : memref<63x80xi32, #tpu.memory_space<vmem>>) target_semaphore(%run_scoped3A_93 : memref<!tpu.dma_semaphore, #tpu.memory_space<semaphore_mem>>)
      %dma_wait3A_102 = arith.constant 0 : i32
      %dma_wait3A_103 = arith.constant 0 : i32
      %dma_wait3A_104 = tpu.memref_slice %arg4[%arg0, %arg1, %run_scoped3A_0, %dma_wait3A_102, %dma_wait3A_103] : memref<2x16x2x63x80xi32, #tpu.memory_space<hbm>> -> memref<1x1x1x63x80xi32, #tpu.memory_space<hbm>>
      %dma_wait3A_105 = tpu.memref_squeeze %dma_wait3A_104 : memref<1x1x1x63x80xi32, #tpu.memory_space<hbm>> -> memref<63x80xi32, #tpu.memory_space<hbm>>
      %dma_wait3A_106 = arith.constant 0 : i32
      %dma_wait3A_107 = arith.constant 0 : i32
      %dma_wait3A_108 = tpu.memref_slice %arg4[%arg0, %arg1, %run_scoped3A_0, %dma_wait3A_106, %dma_wait3A_107] : memref<2x16x2x63x80xi32, #tpu.memory_space<hbm>> -> memref<1x1x1x63x80xi32, #tpu.memory_space<hbm>>
      %dma_wait3A_109 = tpu.memref_squeeze %dma_wait3A_108 : memref<1x1x1x63x80xi32, #tpu.memory_space<hbm>> -> memref<63x80xi32, #tpu.memory_space<hbm>>
      tpu.wait_dma2 semaphore(%run_scoped3A_93 : memref<!tpu.dma_semaphore, #tpu.memory_space<semaphore_mem>>) src(%dma_wait3A_109 : memref<63x80xi32, #tpu.memory_space<hbm>>) dst(%arg8 : memref<63x80xi32, #tpu.memory_space<vmem>>)
      tpu.yield
    }) : () -> ()
    %dma_start3A = arith.constant 0 : i32
    %dma_start3A_1 = arith.constant 0 : i32
    %dma_start3A_2 = tpu.memref_slice %arg7[%dma_start3A, %dma_start3A_1] : memref<63x80xi32, #tpu.memory_space<vmem>> -> memref<1x80xi32, #tpu.memory_space<vmem>>
    %dma_start3A_3 = tpu.memref_squeeze %dma_start3A_2 : memref<1x80xi32, #tpu.memory_space<vmem>> -> memref<80xi32, #tpu.memory_space<vmem>>
    %dma_start3A_4 = arith.constant 0 : i32
    %dma_start3A_5 = arith.constant 0 : i32
    %dma_start3A_6 = tpu.memref_slice %arg2[%dma_start3A_4, %dma_start3A_5] : memref<10000x128xf32, #tpu.memory_space<hbm>> -> memref<10000x128xf32, #tpu.memory_space<hbm>>
    tpu.enqueue_indirect_dma source(%dma_start3A_6 : memref<10000x128xf32, #tpu.memory_space<hbm>>) target(%arg9 : memref<80x128xf32, #tpu.memory_space<vmem>>) offsets(%dma_start3A_3 : memref<80xi32, #tpu.memory_space<vmem>>) semaphore(%arg12 : memref<!tpu.dma_semaphore, #tpu.memory_space<semaphore_mem>>)
    %dma_start3A_7 = arith.constant 1 : i32
    %dma_start3A_8 = arith.constant 0 : i32
    %dma_start3A_9 = tpu.memref_slice %arg7[%dma_start3A_7, %dma_start3A_8] : memref<63x80xi32, #tpu.memory_space<vmem>> -> memref<1x80xi32, #tpu.memory_space<vmem>>
    %dma_start3A_10 = tpu.memref_squeeze %dma_start3A_9 : memref<1x80xi32, #tpu.memory_space<vmem>> -> memref<80xi32, #tpu.memory_space<vmem>>
    %dma_start3A_11 = arith.constant 0 : i32
    %dma_start3A_12 = arith.constant 0 : i32
    %dma_start3A_13 = tpu.memref_slice %arg2[%dma_start3A_11, %dma_start3A_12] : memref<10000x128xf32, #tpu.memory_space<hbm>> -> memref<10000x128xf32, #tpu.memory_space<hbm>>
    tpu.enqueue_indirect_dma source(%dma_start3A_13 : memref<10000x128xf32, #tpu.memory_space<hbm>>) target(%arg10 : memref<80x128xf32, #tpu.memory_space<vmem>>) offsets(%dma_start3A_10 : memref<80xi32, #tpu.memory_space<vmem>>) semaphore(%arg13 : memref<!tpu.dma_semaphore, #tpu.memory_space<semaphore_mem>>)
    %broadcast_in_dim3A = arith.constant 0.000000e+00 : f32
    %broadcast_in_dim3A_14 = vector.broadcast %broadcast_in_dim3A : f32 to vector<16xf32>
    %scan3A = arith.constant 0 : i32
    %scan3A_15 = arith.constant 0 : i32
    %scan3A_16 = arith.constant 80 : i32
    %scan3A_17 = arith.addi %scan3A_15, %scan3A_16 : i32
    %scan3A_18 = arith.constant 1 : i32
    scf.for %scan3A_93 = %scan3A_15 to %scan3A_17 step %scan3A_18  : i32 {
      %swap3A = arith.index_cast %scan3A_93 : i32 to index
      %swap3A_94 = arith.constant 0 : index
      %swap3A_95 = tpu.vector_load %arg11[%swap3A, %swap3A_94] {strides = array<i32>} : memref<80x128xf32, #tpu.memory_space<vmem>>, vector<16xf32>,
      tpu.vector_store %arg11[%swap3A, %swap3A_94], %broadcast_in_dim3A_14 {strides = array<i32>} : memref<80x128xf32, #tpu.memory_space<vmem>>, vector<16xf32>,
      %swap3A_96 = arith.index_cast %scan3A_93 : i32 to index
      %swap3A_97 = arith.constant 16 : index
      %swap3A_98 = tpu.vector_load %arg11[%swap3A_96, %swap3A_97] {strides = array<i32>} : memref<80x128xf32, #tpu.memory_space<vmem>>, vector<16xf32>,
      tpu.vector_store %arg11[%swap3A_96, %swap3A_97], %broadcast_in_dim3A_14 {strides = array<i32>} : memref<80x128xf32, #tpu.memory_space<vmem>>, vector<16xf32>,
      %swap3A_99 = arith.index_cast %scan3A_93 : i32 to index
      %swap3A_100 = arith.constant 32 : index
      %swap3A_101 = tpu.vector_load %arg11[%swap3A_99, %swap3A_100] {strides = array<i32>} : memref<80x128xf32, #tpu.memory_space<vmem>>, vector<16xf32>,
      tpu.vector_store %arg11[%swap3A_99, %swap3A_100], %broadcast_in_dim3A_14 {strides = array<i32>} : memref<80x128xf32, #tpu.memory_space<vmem>>, vector<16xf32>,
      %swap3A_102 = arith.index_cast %scan3A_93 : i32 to index
      %swap3A_103 = arith.constant 48 : index
      %swap3A_104 = tpu.vector_load %arg11[%swap3A_102, %swap3A_103] {strides = array<i32>} : memref<80x128xf32, #tpu.memory_space<vmem>>, vector<16xf32>,
      tpu.vector_store %arg11[%swap3A_102, %swap3A_103], %broadcast_in_dim3A_14 {strides = array<i32>} : memref<80x128xf32, #tpu.memory_space<vmem>>, vector<16xf32>,
      %swap3A_105 = arith.index_cast %scan3A_93 : i32 to index
      %swap3A_106 = arith.constant 64 : index
      %swap3A_107 = tpu.vector_load %arg11[%swap3A_105, %swap3A_106] {strides = array<i32>} : memref<80x128xf32, #tpu.memory_space<vmem>>, vector<16xf32>,
      tpu.vector_store %arg11[%swap3A_105, %swap3A_106], %broadcast_in_dim3A_14 {strides = array<i32>} : memref<80x128xf32, #tpu.memory_space<vmem>>, vector<16xf32>,
      %swap3A_108 = arith.index_cast %scan3A_93 : i32 to index
      %swap3A_109 = arith.constant 80 : index
      %swap3A_110 = tpu.vector_load %arg11[%swap3A_108, %swap3A_109] {strides = array<i32>} : memref<80x128xf32, #tpu.memory_space<vmem>>, vector<16xf32>,
      tpu.vector_store %arg11[%swap3A_108, %swap3A_109], %broadcast_in_dim3A_14 {strides = array<i32>} : memref<80x128xf32, #tpu.memory_space<vmem>>, vector<16xf32>,
      %swap3A_111 = arith.index_cast %scan3A_93 : i32 to index
      %swap3A_112 = arith.constant 96 : index
      %swap3A_113 = tpu.vector_load %arg11[%swap3A_111, %swap3A_112] {strides = array<i32>} : memref<80x128xf32, #tpu.memory_space<vmem>>, vector<16xf32>,
      tpu.vector_store %arg11[%swap3A_111, %swap3A_112], %broadcast_in_dim3A_14 {strides = array<i32>} : memref<80x128xf32, #tpu.memory_space<vmem>>, vector<16xf32>,
      %swap3A_114 = arith.index_cast %scan3A_93 : i32 to index
      %swap3A_115 = arith.constant 112 : index
      %swap3A_116 = tpu.vector_load %arg11[%swap3A_114, %swap3A_115] {strides = array<i32>} : memref<80x128xf32, #tpu.memory_space<vmem>>, vector<16xf32>,
      tpu.vector_store %arg11[%swap3A_114, %swap3A_115], %broadcast_in_dim3A_14 {strides = array<i32>} : memref<80x128xf32, #tpu.memory_space<vmem>>, vector<16xf32>,
    }
    %scan3A_19 = arith.constant 80 : i32
    %mul3A = arith.constant 632 : i32
    %mul3A_20 = arith.muli %arg1, %mul3A : i32
    %add3A = arith.constant 0 : i32
    %add3A_21 = arith.addi %mul3A_20, %add3A : i32
    "tpu.region"() ({
      %run_scoped3A_93 = tpu.sem_alloc : memref<!tpu.dma_semaphore, #tpu.memory_space<semaphore_mem>>
      %dma_start3A_94 = arith.constant 0 : i32
      %dma_start3A_95 = tpu.memref_slice %arg6[%add3A_21, %dma_start3A_94] : memref<10112x128xf32, #tpu.memory_space<vmem_shared>> -> memref<80x128xf32, #tpu.memory_space<vmem_shared>>
      %dma_start3A_96 = arith.constant 0 : i32
      %dma_start3A_97 = tpu.memref_slice %arg6[%add3A_21, %dma_start3A_96] : memref<10112x128xf32, #tpu.memory_space<vmem_shared>> -> memref<80x128xf32, #tpu.memory_space<vmem_shared>>
      tpu.enqueue_dma source(%arg11 : memref<80x128xf32, #tpu.memory_space<vmem>>) target(%dma_start3A_97 : memref<80x128xf32, #tpu.memory_space<vmem_shared>>) target_semaphore(%run_scoped3A_93 : memref<!tpu.dma_semaphore, #tpu.memory_space<semaphore_mem>>)
      %dma_wait3A_98 = arith.constant 0 : i32
      %dma_wait3A_99 = tpu.memref_slice %arg6[%add3A_21, %dma_wait3A_98] : memref<10112x128xf32, #tpu.memory_space<vmem_shared>> -> memref<80x128xf32, #tpu.memory_space<vmem_shared>>
      %dma_wait3A_100 = arith.constant 0 : i32
      %dma_wait3A_101 = tpu.memref_slice %arg6[%add3A_21, %dma_wait3A_100] : memref<10112x128xf32, #tpu.memory_space<vmem_shared>> -> memref<80x128xf32, #tpu.memory_space<vmem_shared>>
      tpu.wait_dma2 semaphore(%run_scoped3A_93 : memref<!tpu.dma_semaphore, #tpu.memory_space<semaphore_mem>>) src(%arg11 : memref<80x128xf32, #tpu.memory_space<vmem>>) dst(%dma_wait3A_101 : memref<80x128xf32, #tpu.memory_space<vmem_shared>>)
      tpu.yield
    }) : () -> ()
    %add3A_22 = arith.constant 80 : i32
    %add3A_23 = arith.addi %mul3A_20, %add3A_22 : i32
    "tpu.region"() ({
      %run_scoped3A_93 = tpu.sem_alloc : memref<!tpu.dma_semaphore, #tpu.memory_space<semaphore_mem>>
      %dma_start3A_94 = arith.constant 0 : i32
      %dma_start3A_95 = tpu.memref_slice %arg6[%add3A_23, %dma_start3A_94] : memref<10112x128xf32, #tpu.memory_space<vmem_shared>> -> memref<80x128xf32, #tpu.memory_space<vmem_shared>>
      %dma_start3A_96 = arith.constant 0 : i32
      %dma_start3A_97 = tpu.memref_slice %arg6[%add3A_23, %dma_start3A_96] : memref<10112x128xf32, #tpu.memory_space<vmem_shared>> -> memref<80x128xf32, #tpu.memory_space<vmem_shared>>
      tpu.enqueue_dma source(%arg11 : memref<80x128xf32, #tpu.memory_space<vmem>>) target(%dma_start3A_97 : memref<80x128xf32, #tpu.memory_space<vmem_shared>>) target_semaphore(%run_scoped3A_93 : memref<!tpu.dma_semaphore, #tpu.memory_space<semaphore_mem>>)
      %dma_wait3A_98 = arith.constant 0 : i32
      %dma_wait3A_99 = tpu.memref_slice %arg6[%add3A_23, %dma_wait3A_98] : memref<10112x128xf32, #tpu.memory_space<vmem_shared>> -> memref<80x128xf32, #tpu.memory_space<vmem_shared>>
      %dma_wait3A_100 = arith.constant 0 : i32
      %dma_wait3A_101 = tpu.memref_slice %arg6[%add3A_23, %dma_wait3A_100] : memref<10112x128xf32, #tpu.memory_space<vmem_shared>> -> memref<80x128xf32, #tpu.memory_space<vmem_shared>>
      tpu.wait_dma2 semaphore(%run_scoped3A_93 : memref<!tpu.dma_semaphore, #tpu.memory_space<semaphore_mem>>) src(%arg11 : memref<80x128xf32, #tpu.memory_space<vmem>>) dst(%dma_wait3A_101 : memref<80x128xf32, #tpu.memory_space<vmem_shared>>)
      tpu.yield
    }) : () -> ()
    %add3A_24 = arith.constant 160 : i32
    %add3A_25 = arith.addi %mul3A_20, %add3A_24 : i32
    "tpu.region"() ({
      %run_scoped3A_93 = tpu.sem_alloc : memref<!tpu.dma_semaphore, #tpu.memory_space<semaphore_mem>>
      %dma_start3A_94 = arith.constant 0 : i32
      %dma_start3A_95 = tpu.memref_slice %arg6[%add3A_25, %dma_start3A_94] : memref<10112x128xf32, #tpu.memory_space<vmem_shared>> -> memref<80x128xf32, #tpu.memory_space<vmem_shared>>
      %dma_start3A_96 = arith.constant 0 : i32
      %dma_start3A_97 = tpu.memref_slice %arg6[%add3A_25, %dma_start3A_96] : memref<10112x128xf32, #tpu.memory_space<vmem_shared>> -> memref<80x128xf32, #tpu.memory_space<vmem_shared>>
      tpu.enqueue_dma source(%arg11 : memref<80x128xf32, #tpu.memory_space<vmem>>) target(%dma_start3A_97 : memref<80x128xf32, #tpu.memory_space<vmem_shared>>) target_semaphore(%run_scoped3A_93 : memref<!tpu.dma_semaphore, #tpu.memory_space<semaphore_mem>>)
      %dma_wait3A_98 = arith.constant 0 : i32
      %dma_wait3A_99 = tpu.memref_slice %arg6[%add3A_25, %dma_wait3A_98] : memref<10112x128xf32, #tpu.memory_space<vmem_shared>> -> memref<80x128xf32, #tpu.memory_space<vmem_shared>>
      %dma_wait3A_100 = arith.constant 0 : i32
      %dma_wait3A_101 = tpu.memref_slice %arg6[%add3A_25, %dma_wait3A_100] : memref<10112x128xf32, #tpu.memory_space<vmem_shared>> -> memref<80x128xf32, #tpu.memory_space<vmem_shared>>
      tpu.wait_dma2 semaphore(%run_scoped3A_93 : memref<!tpu.dma_semaphore, #tpu.memory_space<semaphore_mem>>) src(%arg11 : memref<80x128xf32, #tpu.memory_space<vmem>>) dst(%dma_wait3A_101 : memref<80x128xf32, #tpu.memory_space<vmem_shared>>)
      tpu.yield
    }) : () -> ()
    %add3A_26 = arith.constant 240 : i32
    %add3A_27 = arith.addi %mul3A_20, %add3A_26 : i32
    "tpu.region"() ({
      %run_scoped3A_93 = tpu.sem_alloc : memref<!tpu.dma_semaphore, #tpu.memory_space<semaphore_mem>>
      %dma_start3A_94 = arith.constant 0 : i32
      %dma_start3A_95 = tpu.memref_slice %arg6[%add3A_27, %dma_start3A_94] : memref<10112x128xf32, #tpu.memory_space<vmem_shared>> -> memref<80x128xf32, #tpu.memory_space<vmem_shared>>
      %dma_start3A_96 = arith.constant 0 : i32
      %dma_start3A_97 = tpu.memref_slice %arg6[%add3A_27, %dma_start3A_96] : memref<10112x128xf32, #tpu.memory_space<vmem_shared>> -> memref<80x128xf32, #tpu.memory_space<vmem_shared>>
      tpu.enqueue_dma source(%arg11 : memref<80x128xf32, #tpu.memory_space<vmem>>) target(%dma_start3A_97 : memref<80x128xf32, #tpu.memory_space<vmem_shared>>) target_semaphore(%run_scoped3A_93 : memref<!tpu.dma_semaphore, #tpu.memory_space<semaphore_mem>>)
      %dma_wait3A_98 = arith.constant 0 : i32
      %dma_wait3A_99 = tpu.memref_slice %arg6[%add3A_27, %dma_wait3A_98] : memref<10112x128xf32, #tpu.memory_space<vmem_shared>> -> memref<80x128xf32, #tpu.memory_space<vmem_shared>>
      %dma_wait3A_100 = arith.constant 0 : i32
      %dma_wait3A_101 = tpu.memref_slice %arg6[%add3A_27, %dma_wait3A_100] : memref<10112x128xf32, #tpu.memory_space<vmem_shared>> -> memref<80x128xf32, #tpu.memory_space<vmem_shared>>
      tpu.wait_dma2 semaphore(%run_scoped3A_93 : memref<!tpu.dma_semaphore, #tpu.memory_space<semaphore_mem>>) src(%arg11 : memref<80x128xf32, #tpu.memory_space<vmem>>) dst(%dma_wait3A_101 : memref<80x128xf32, #tpu.memory_space<vmem_shared>>)
      tpu.yield
    }) : () -> ()
    %add3A_28 = arith.constant 320 : i32
    %add3A_29 = arith.addi %mul3A_20, %add3A_28 : i32
    "tpu.region"() ({
      %run_scoped3A_93 = tpu.sem_alloc : memref<!tpu.dma_semaphore, #tpu.memory_space<semaphore_mem>>
      %dma_start3A_94 = arith.constant 0 : i32
      %dma_start3A_95 = tpu.memref_slice %arg6[%add3A_29, %dma_start3A_94] : memref<10112x128xf32, #tpu.memory_space<vmem_shared>> -> memref<80x128xf32, #tpu.memory_space<vmem_shared>>
      %dma_start3A_96 = arith.constant 0 : i32
      %dma_start3A_97 = tpu.memref_slice %arg6[%add3A_29, %dma_start3A_96] : memref<10112x128xf32, #tpu.memory_space<vmem_shared>> -> memref<80x128xf32, #tpu.memory_space<vmem_shared>>
      tpu.enqueue_dma source(%arg11 : memref<80x128xf32, #tpu.memory_space<vmem>>) target(%dma_start3A_97 : memref<80x128xf32, #tpu.memory_space<vmem_shared>>) target_semaphore(%run_scoped3A_93 : memref<!tpu.dma_semaphore, #tpu.memory_space<semaphore_mem>>)
      %dma_wait3A_98 = arith.constant 0 : i32
      %dma_wait3A_99 = tpu.memref_slice %arg6[%add3A_29, %dma_wait3A_98] : memref<10112x128xf32, #tpu.memory_space<vmem_shared>> -> memref<80x128xf32, #tpu.memory_space<vmem_shared>>
      %dma_wait3A_100 = arith.constant 0 : i32
      %dma_wait3A_101 = tpu.memref_slice %arg6[%add3A_29, %dma_wait3A_100] : memref<10112x128xf32, #tpu.memory_space<vmem_shared>> -> memref<80x128xf32, #tpu.memory_space<vmem_shared>>
      tpu.wait_dma2 semaphore(%run_scoped3A_93 : memref<!tpu.dma_semaphore, #tpu.memory_space<semaphore_mem>>) src(%arg11 : memref<80x128xf32, #tpu.memory_space<vmem>>) dst(%dma_wait3A_101 : memref<80x128xf32, #tpu.memory_space<vmem_shared>>)
      tpu.yield
    }) : () -> ()
    %add3A_30 = arith.constant 400 : i32
    %add3A_31 = arith.addi %mul3A_20, %add3A_30 : i32
    "tpu.region"() ({
      %run_scoped3A_93 = tpu.sem_alloc : memref<!tpu.dma_semaphore, #tpu.memory_space<semaphore_mem>>
      %dma_start3A_94 = arith.constant 0 : i32
      %dma_start3A_95 = tpu.memref_slice %arg6[%add3A_31, %dma_start3A_94] : memref<10112x128xf32, #tpu.memory_space<vmem_shared>> -> memref<80x128xf32, #tpu.memory_space<vmem_shared>>
      %dma_start3A_96 = arith.constant 0 : i32
      %dma_start3A_97 = tpu.memref_slice %arg6[%add3A_31, %dma_start3A_96] : memref<10112x128xf32, #tpu.memory_space<vmem_shared>> -> memref<80x128xf32, #tpu.memory_space<vmem_shared>>
      tpu.enqueue_dma source(%arg11 : memref<80x128xf32, #tpu.memory_space<vmem>>) target(%dma_start3A_97 : memref<80x128xf32, #tpu.memory_space<vmem_shared>>) target_semaphore(%run_scoped3A_93 : memref<!tpu.dma_semaphore, #tpu.memory_space<semaphore_mem>>)
      %dma_wait3A_98 = arith.constant 0 : i32
      %dma_wait3A_99 = tpu.memref_slice %arg6[%add3A_31, %dma_wait3A_98] : memref<10112x128xf32, #tpu.memory_space<vmem_shared>> -> memref<80x128xf32, #tpu.memory_space<vmem_shared>>
      %dma_wait3A_100 = arith.constant 0 : i32
      %dma_wait3A_101 = tpu.memref_slice %arg6[%add3A_31, %dma_wait3A_100] : memref<10112x128xf32, #tpu.memory_space<vmem_shared>> -> memref<80x128xf32, #tpu.memory_space<vmem_shared>>
      tpu.wait_dma2 semaphore(%run_scoped3A_93 : memref<!tpu.dma_semaphore, #tpu.memory_space<semaphore_mem>>) src(%arg11 : memref<80x128xf32, #tpu.memory_space<vmem>>) dst(%dma_wait3A_101 : memref<80x128xf32, #tpu.memory_space<vmem_shared>>)
      tpu.yield
    }) : () -> ()
    %add3A_32 = arith.constant 480 : i32
    %add3A_33 = arith.addi %mul3A_20, %add3A_32 : i32
    "tpu.region"() ({
      %run_scoped3A_93 = tpu.sem_alloc : memref<!tpu.dma_semaphore, #tpu.memory_space<semaphore_mem>>
      %dma_start3A_94 = arith.constant 0 : i32
      %dma_start3A_95 = tpu.memref_slice %arg6[%add3A_33, %dma_start3A_94] : memref<10112x128xf32, #tpu.memory_space<vmem_shared>> -> memref<80x128xf32, #tpu.memory_space<vmem_shared>>
      %dma_start3A_96 = arith.constant 0 : i32
      %dma_start3A_97 = tpu.memref_slice %arg6[%add3A_33, %dma_start3A_96] : memref<10112x128xf32, #tpu.memory_space<vmem_shared>> -> memref<80x128xf32, #tpu.memory_space<vmem_shared>>
      tpu.enqueue_dma source(%arg11 : memref<80x128xf32, #tpu.memory_space<vmem>>) target(%dma_start3A_97 : memref<80x128xf32, #tpu.memory_space<vmem_shared>>) target_semaphore(%run_scoped3A_93 : memref<!tpu.dma_semaphore, #tpu.memory_space<semaphore_mem>>)
      %dma_wait3A_98 = arith.constant 0 : i32
      %dma_wait3A_99 = tpu.memref_slice %arg6[%add3A_33, %dma_wait3A_98] : memref<10112x128xf32, #tpu.memory_space<vmem_shared>> -> memref<80x128xf32, #tpu.memory_space<vmem_shared>>
      %dma_wait3A_100 = arith.constant 0 : i32
      %dma_wait3A_101 = tpu.memref_slice %arg6[%add3A_33, %dma_wait3A_100] : memref<10112x128xf32, #tpu.memory_space<vmem_shared>> -> memref<80x128xf32, #tpu.memory_space<vmem_shared>>
      tpu.wait_dma2 semaphore(%run_scoped3A_93 : memref<!tpu.dma_semaphore, #tpu.memory_space<semaphore_mem>>) src(%arg11 : memref<80x128xf32, #tpu.memory_space<vmem>>) dst(%dma_wait3A_101 : memref<80x128xf32, #tpu.memory_space<vmem_shared>>)
      tpu.yield
    }) : () -> ()
    %add3A_34 = arith.constant 632 : i32
    %add3A_35 = arith.addi %mul3A_20, %add3A_34 : i32
    %sub3A = arith.constant 72 : i32
    %sub3A_36 = arith.subi %add3A_35, %sub3A : i32
    "tpu.region"() ({
      %run_scoped3A_93 = tpu.sem_alloc : memref<!tpu.dma_semaphore, #tpu.memory_space<semaphore_mem>>
      %dma_start3A_94 = arith.constant 0 : i32
      %dma_start3A_95 = arith.constant 0 : i32
      %dma_start3A_96 = tpu.memref_slice %arg11[%dma_start3A_94, %dma_start3A_95] : memref<80x128xf32, #tpu.memory_space<vmem>> -> memref<72x128xf32, #tpu.memory_space<vmem>>
      %dma_start3A_97 = arith.constant 0 : i32
      %dma_start3A_98 = tpu.memref_slice %arg6[%sub3A_36, %dma_start3A_97] : memref<10112x128xf32, #tpu.memory_space<vmem_shared>> -> memref<72x128xf32, #tpu.memory_space<vmem_shared>>
      %dma_start3A_99 = arith.constant 0 : i32
      %dma_start3A_100 = tpu.memref_slice %arg6[%sub3A_36, %dma_start3A_99] : memref<10112x128xf32, #tpu.memory_space<vmem_shared>> -> memref<72x128xf32, #tpu.memory_space<vmem_shared>>
      %dma_start3A_101 = arith.constant 0 : i32
      %dma_start3A_102 = arith.constant 0 : i32
      %dma_start3A_103 = tpu.memref_slice %arg11[%dma_start3A_101, %dma_start3A_102] : memref<80x128xf32, #tpu.memory_space<vmem>> -> memref<72x128xf32, #tpu.memory_space<vmem>>
      tpu.enqueue_dma source(%dma_start3A_103 : memref<72x128xf32, #tpu.memory_space<vmem>>) target(%dma_start3A_100 : memref<72x128xf32, #tpu.memory_space<vmem_shared>>) target_semaphore(%run_scoped3A_93 : memref<!tpu.dma_semaphore, #tpu.memory_space<semaphore_mem>>)
      %dma_wait3A_104 = arith.constant 0 : i32
      %dma_wait3A_105 = arith.constant 0 : i32
      %dma_wait3A_106 = tpu.memref_slice %arg11[%dma_wait3A_104, %dma_wait3A_105] : memref<80x128xf32, #tpu.memory_space<vmem>> -> memref<72x128xf32, #tpu.memory_space<vmem>>
      %dma_wait3A_107 = arith.constant 0 : i32
      %dma_wait3A_108 = tpu.memref_slice %arg6[%sub3A_36, %dma_wait3A_107] : memref<10112x128xf32, #tpu.memory_space<vmem_shared>> -> memref<72x128xf32, #tpu.memory_space<vmem_shared>>
      %dma_wait3A_109 = arith.constant 0 : i32
      %dma_wait3A_110 = tpu.memref_slice %arg6[%sub3A_36, %dma_wait3A_109] : memref<10112x128xf32, #tpu.memory_space<vmem_shared>> -> memref<72x128xf32, #tpu.memory_space<vmem_shared>>
      %dma_wait3A_111 = arith.constant 0 : i32
      %dma_wait3A_112 = arith.constant 0 : i32
      %dma_wait3A_113 = tpu.memref_slice %arg11[%dma_wait3A_111, %dma_wait3A_112] : memref<80x128xf32, #tpu.memory_space<vmem>> -> memref<72x128xf32, #tpu.memory_space<vmem>>
      tpu.wait_dma2 semaphore(%run_scoped3A_93 : memref<!tpu.dma_semaphore, #tpu.memory_space<semaphore_mem>>) src(%dma_wait3A_113 : memref<72x128xf32, #tpu.memory_space<vmem>>) dst(%dma_wait3A_110 : memref<72x128xf32, #tpu.memory_space<vmem_shared>>)
      tpu.yield
    }) : () -> ()
    %barrier3A = arith.constant 0 : index
    tpu.barrier barrier_id(%barrier3A)
    %scan3A_37 = arith.constant 0 : i32
    %scan3A_38 = arith.constant 0 : i32
    %scan3A_39 = arith.constant 21 : i32
    %scan3A_40 = arith.addi %scan3A_38, %scan3A_39 : i32
    %scan3A_41 = arith.constant 1 : i32
    scf.for %scan3A_93 = %scan3A_38 to %scan3A_40 step %scan3A_41  : i32 {
      %mul3A_94 = arith.constant 3 : i32
      %mul3A_95 = arith.muli %mul3A_94, %scan3A_93 : i32
      %add3A_96 = arith.constant 0 : i32
      %add3A_97 = arith.addi %mul3A_95, %add3A_96 : i32
      %add3A_98 = arith.constant 3 : i32
      %add3A_99 = arith.addi %add3A_97, %add3A_98 : i32
      %sub3A_100 = arith.constant 1 : i32
      %sub3A_101 = arith.subi %add3A_99, %sub3A_100 : i32
      %min3A = arith.constant 62 : i32
      %min3A_102 = arith.minsi %sub3A_101, %min3A : i32
      %dma_start3A_103 = arith.constant 0 : i32
      %dma_start3A_104 = tpu.memref_slice %arg7[%min3A_102, %dma_start3A_103] : memref<63x80xi32, #tpu.memory_space<vmem>> -> memref<1x80xi32, #tpu.memory_space<vmem>>
      %dma_start3A_105 = tpu.memref_squeeze %dma_start3A_104 : memref<1x80xi32, #tpu.memory_space<vmem>> -> memref<80xi32, #tpu.memory_space<vmem>>
      %dma_start3A_106 = arith.constant 0 : i32
      %dma_start3A_107 = arith.constant 0 : i32
      %dma_start3A_108 = tpu.memref_slice %arg2[%dma_start3A_106, %dma_start3A_107] : memref<10000x128xf32, #tpu.memory_space<hbm>> -> memref<10000x128xf32, #tpu.memory_space<hbm>>
      tpu.enqueue_indirect_dma source(%dma_start3A_108 : memref<10000x128xf32, #tpu.memory_space<hbm>>) target(%arg11 : memref<80x128xf32, #tpu.memory_space<vmem>>) offsets(%dma_start3A_105 : memref<80xi32, #tpu.memory_space<vmem>>) semaphore(%arg14 : memref<!tpu.dma_semaphore, #tpu.memory_space<semaphore_mem>>)
      %dma_wait3A_109 = arith.constant 0 : i32
      %dma_wait3A_110 = arith.constant 0 : i32
      %dma_wait3A_111 = tpu.memref_slice %arg7[%dma_wait3A_109, %dma_wait3A_110] : memref<63x80xi32, #tpu.memory_space<vmem>> -> memref<1x80xi32, #tpu.memory_space<vmem>>
      %dma_wait3A_112 = tpu.memref_squeeze %dma_wait3A_111 : memref<1x80xi32, #tpu.memory_space<vmem>> -> memref<80xi32, #tpu.memory_space<vmem>>
      %dma_wait3A_113 = arith.constant 0 : i32
      %dma_wait3A_114 = arith.constant 0 : i32
      %dma_wait3A_115 = tpu.memref_slice %arg2[%dma_wait3A_113, %dma_wait3A_114] : memref<10000x128xf32, #tpu.memory_space<hbm>> -> memref<10000x128xf32, #tpu.memory_space<hbm>>
      tpu.wait_indirect_dma semaphore(%arg12 : memref<!tpu.dma_semaphore, #tpu.memory_space<semaphore_mem>>) src(%dma_wait3A_115 : memref<10000x128xf32, #tpu.memory_space<hbm>>) dst(%arg9 : memref<80x128xf32, #tpu.memory_space<vmem>>)
      %add3A_116 = arith.constant 0 : i32
      %add3A_117 = arith.addi %mul3A_95, %add3A_116 : i32
      "tpu.region"() ({
        %run_scoped3A_164 = tpu.sem_alloc : memref<!tpu.dma_semaphore, #tpu.memory_space<semaphore_mem>>
        %dma_start3A_165 = arith.constant 0 : i32
        %dma_start3A_166 = tpu.memref_slice %arg8[%add3A_117, %dma_start3A_165] : memref<63x80xi32, #tpu.memory_space<vmem>> -> memref<1x80xi32, #tpu.memory_space<vmem>>
        %dma_start3A_167 = tpu.memref_squeeze %dma_start3A_166 : memref<1x80xi32, #tpu.memory_space<vmem>> -> memref<80xi32, #tpu.memory_space<vmem>>
        %dma_start3A_168 = arith.constant 0 : i32
        %dma_start3A_169 = arith.constant 0 : i32
        %dma_start3A_170 = tpu.memref_slice %arg6[%dma_start3A_168, %dma_start3A_169] : memref<10112x128xf32, #tpu.memory_space<vmem_shared>> -> memref<10112x128xf32, #tpu.memory_space<vmem_shared>>
        tpu.enqueue_indirect_dma source(%arg9 : memref<80x128xf32, #tpu.memory_space<vmem>>) target(%dma_start3A_170 : memref<10112x128xf32, #tpu.memory_space<vmem_shared>>) offsets(%dma_start3A_167 : memref<80xi32, #tpu.memory_space<vmem>>) semaphore(%run_scoped3A_164 : memref<!tpu.dma_semaphore, #tpu.memory_space<semaphore_mem>>) {add = true}
        %dma_wait3A_171 = arith.constant 0 : i32
        %dma_wait3A_172 = tpu.memref_slice %arg8[%add3A_117, %dma_wait3A_171] : memref<63x80xi32, #tpu.memory_space<vmem>> -> memref<1x80xi32, #tpu.memory_space<vmem>>
        %dma_wait3A_173 = tpu.memref_squeeze %dma_wait3A_172 : memref<1x80xi32, #tpu.memory_space<vmem>> -> memref<80xi32, #tpu.memory_space<vmem>>
        %dma_wait3A_174 = arith.constant 0 : i32
        %dma_wait3A_175 = arith.constant 0 : i32
        %dma_wait3A_176 = tpu.memref_slice %arg6[%dma_wait3A_174, %dma_wait3A_175] : memref<10112x128xf32, #tpu.memory_space<vmem_shared>> -> memref<10112x128xf32, #tpu.memory_space<vmem_shared>>
        tpu.wait_indirect_dma semaphore(%run_scoped3A_164 : memref<!tpu.dma_semaphore, #tpu.memory_space<semaphore_mem>>) src(%arg9 : memref<80x128xf32, #tpu.memory_space<vmem>>) dst(%dma_wait3A_176 : memref<10112x128xf32, #tpu.memory_space<vmem_shared>>)
        tpu.yield
      }) : () -> ()
      %add3A_118 = arith.constant 1 : i32
      %add3A_119 = arith.addi %mul3A_95, %add3A_118 : i32
      %add3A_120 = arith.constant 3 : i32
      %add3A_121 = arith.addi %add3A_119, %add3A_120 : i32
      %sub3A_122 = arith.constant 1 : i32
      %sub3A_123 = arith.subi %add3A_121, %sub3A_122 : i32
      %min3A_124 = arith.constant 62 : i32
      %min3A_125 = arith.minsi %sub3A_123, %min3A_124 : i32
      %dma_start3A_126 = arith.constant 0 : i32
      %dma_start3A_127 = tpu.memref_slice %arg7[%min3A_125, %dma_start3A_126] : memref<63x80xi32, #tpu.memory_space<vmem>> -> memref<1x80xi32, #tpu.memory_space<vmem>>
      %dma_start3A_128 = tpu.memref_squeeze %dma_start3A_127 : memref<1x80xi32, #tpu.memory_space<vmem>> -> memref<80xi32, #tpu.memory_space<vmem>>
      %dma_start3A_129 = arith.constant 0 : i32
      %dma_start3A_130 = arith.constant 0 : i32
      %dma_start3A_131 = tpu.memref_slice %arg2[%dma_start3A_129, %dma_start3A_130] : memref<10000x128xf32, #tpu.memory_space<hbm>> -> memref<10000x128xf32, #tpu.memory_space<hbm>>
      tpu.enqueue_indirect_dma source(%dma_start3A_131 : memref<10000x128xf32, #tpu.memory_space<hbm>>) target(%arg9 : memref<80x128xf32, #tpu.memory_space<vmem>>) offsets(%dma_start3A_128 : memref<80xi32, #tpu.memory_space<vmem>>) semaphore(%arg12 : memref<!tpu.dma_semaphore, #tpu.memory_space<semaphore_mem>>)
      %dma_wait3A_132 = arith.constant 0 : i32
      %dma_wait3A_133 = arith.constant 0 : i32
      %dma_wait3A_134 = tpu.memref_slice %arg7[%dma_wait3A_132, %dma_wait3A_133] : memref<63x80xi32, #tpu.memory_space<vmem>> -> memref<1x80xi32, #tpu.memory_space<vmem>>
      %dma_wait3A_135 = tpu.memref_squeeze %dma_wait3A_134 : memref<1x80xi32, #tpu.memory_space<vmem>> -> memref<80xi32, #tpu.memory_space<vmem>>
      %dma_wait3A_136 = arith.constant 0 : i32
      %dma_wait3A_137 = arith.constant 0 : i32
      %dma_wait3A_138 = tpu.memref_slice %arg2[%dma_wait3A_136, %dma_wait3A_137] : memref<10000x128xf32, #tpu.memory_space<hbm>> -> memref<10000x128xf32, #tpu.memory_space<hbm>>
      tpu.wait_indirect_dma semaphore(%arg13 : memref<!tpu.dma_semaphore, #tpu.memory_space<semaphore_mem>>) src(%dma_wait3A_138 : memref<10000x128xf32, #tpu.memory_space<hbm>>) dst(%arg10 : memref<80x128xf32, #tpu.memory_space<vmem>>)
      %add3A_139 = arith.constant 1 : i32
      %add3A_140 = arith.addi %mul3A_95, %add3A_139 : i32
      "tpu.region"() ({
        %run_scoped3A_164 = tpu.sem_alloc : memref<!tpu.dma_semaphore, #tpu.memory_space<semaphore_mem>>
        %dma_start3A_165 = arith.constant 0 : i32
        %dma_start3A_166 = tpu.memref_slice %arg8[%add3A_140, %dma_start3A_165] : memref<63x80xi32, #tpu.memory_space<vmem>> -> memref<1x80xi32, #tpu.memory_space<vmem>>
        %dma_start3A_167 = tpu.memref_squeeze %dma_start3A_166 : memref<1x80xi32, #tpu.memory_space<vmem>> -> memref<80xi32, #tpu.memory_space<vmem>>
        %dma_start3A_168 = arith.constant 0 : i32
        %dma_start3A_169 = arith.constant 0 : i32
        %dma_start3A_170 = tpu.memref_slice %arg6[%dma_start3A_168, %dma_start3A_169] : memref<10112x128xf32, #tpu.memory_space<vmem_shared>> -> memref<10112x128xf32, #tpu.memory_space<vmem_shared>>
        tpu.enqueue_indirect_dma source(%arg10 : memref<80x128xf32, #tpu.memory_space<vmem>>) target(%dma_start3A_170 : memref<10112x128xf32, #tpu.memory_space<vmem_shared>>) offsets(%dma_start3A_167 : memref<80xi32, #tpu.memory_space<vmem>>) semaphore(%run_scoped3A_164 : memref<!tpu.dma_semaphore, #tpu.memory_space<semaphore_mem>>) {add = true}
        %dma_wait3A_171 = arith.constant 0 : i32
        %dma_wait3A_172 = tpu.memref_slice %arg8[%add3A_140, %dma_wait3A_171] : memref<63x80xi32, #tpu.memory_space<vmem>> -> memref<1x80xi32, #tpu.memory_space<vmem>>
        %dma_wait3A_173 = tpu.memref_squeeze %dma_wait3A_172 : memref<1x80xi32, #tpu.memory_space<vmem>> -> memref<80xi32, #tpu.memory_space<vmem>>
        %dma_wait3A_174 = arith.constant 0 : i32
        %dma_wait3A_175 = arith.constant 0 : i32
        %dma_wait3A_176 = tpu.memref_slice %arg6[%dma_wait3A_174, %dma_wait3A_175] : memref<10112x128xf32, #tpu.memory_space<vmem_shared>> -> memref<10112x128xf32, #tpu.memory_space<vmem_shared>>
        tpu.wait_indirect_dma semaphore(%run_scoped3A_164 : memref<!tpu.dma_semaphore, #tpu.memory_space<semaphore_mem>>) src(%arg10 : memref<80x128xf32, #tpu.memory_space<vmem>>) dst(%dma_wait3A_176 : memref<10112x128xf32, #tpu.memory_space<vmem_shared>>)
        tpu.yield
      }) : () -> ()
      %add3A_141 = arith.constant 2 : i32
      %add3A_142 = arith.addi %mul3A_95, %add3A_141 : i32
      %add3A_143 = arith.constant 3 : i32
      %add3A_144 = arith.addi %add3A_142, %add3A_143 : i32
      %sub3A_145 = arith.constant 1 : i32
      %sub3A_146 = arith.subi %add3A_144, %sub3A_145 : i32
      %min3A_147 = arith.constant 62 : i32
      %min3A_148 = arith.minsi %sub3A_146, %min3A_147 : i32
      %dma_start3A_149 = arith.constant 0 : i32
      %dma_start3A_150 = tpu.memref_slice %arg7[%min3A_148, %dma_start3A_149] : memref<63x80xi32, #tpu.memory_space<vmem>> -> memref<1x80xi32, #tpu.memory_space<vmem>>
      %dma_start3A_151 = tpu.memref_squeeze %dma_start3A_150 : memref<1x80xi32, #tpu.memory_space<vmem>> -> memref<80xi32, #tpu.memory_space<vmem>>
      %dma_start3A_152 = arith.constant 0 : i32
      %dma_start3A_153 = arith.constant 0 : i32
      %dma_start3A_154 = tpu.memref_slice %arg2[%dma_start3A_152, %dma_start3A_153] : memref<10000x128xf32, #tpu.memory_space<hbm>> -> memref<10000x128xf32, #tpu.memory_space<hbm>>
      tpu.enqueue_indirect_dma source(%dma_start3A_154 : memref<10000x128xf32, #tpu.memory_space<hbm>>) target(%arg10 : memref<80x128xf32, #tpu.memory_space<vmem>>) offsets(%dma_start3A_151 : memref<80xi32, #tpu.memory_space<vmem>>) semaphore(%arg13 : memref<!tpu.dma_semaphore, #tpu.memory_space<semaphore_mem>>)
      %dma_wait3A_155 = arith.constant 0 : i32
      %dma_wait3A_156 = arith.constant 0 : i32
      %dma_wait3A_157 = tpu.memref_slice %arg7[%dma_wait3A_155, %dma_wait3A_156] : memref<63x80xi32, #tpu.memory_space<vmem>> -> memref<1x80xi32, #tpu.memory_space<vmem>>
      %dma_wait3A_158 = tpu.memref_squeeze %dma_wait3A_157 : memref<1x80xi32, #tpu.memory_space<vmem>> -> memref<80xi32, #tpu.memory_space<vmem>>
      %dma_wait3A_159 = arith.constant 0 : i32
      %dma_wait3A_160 = arith.constant 0 : i32
      %dma_wait3A_161 = tpu.memref_slice %arg2[%dma_wait3A_159, %dma_wait3A_160] : memref<10000x128xf32, #tpu.memory_space<hbm>> -> memref<10000x128xf32, #tpu.memory_space<hbm>>
      tpu.wait_indirect_dma semaphore(%arg14 : memref<!tpu.dma_semaphore, #tpu.memory_space<semaphore_mem>>) src(%dma_wait3A_161 : memref<10000x128xf32, #tpu.memory_space<hbm>>) dst(%arg11 : memref<80x128xf32, #tpu.memory_space<vmem>>)
      %add3A_162 = arith.constant 2 : i32
      %add3A_163 = arith.addi %mul3A_95, %add3A_162 : i32
      "tpu.region"() ({
        %run_scoped3A_164 = tpu.sem_alloc : memref<!tpu.dma_semaphore, #tpu.memory_space<semaphore_mem>>
        %dma_start3A_165 = arith.constant 0 : i32
        %dma_start3A_166 = tpu.memref_slice %arg8[%add3A_163, %dma_start3A_165] : memref<63x80xi32, #tpu.memory_space<vmem>> -> memref<1x80xi32, #tpu.memory_space<vmem>>
        %dma_start3A_167 = tpu.memref_squeeze %dma_start3A_166 : memref<1x80xi32, #tpu.memory_space<vmem>> -> memref<80xi32, #tpu.memory_space<vmem>>
        %dma_start3A_168 = arith.constant 0 : i32
        %dma_start3A_169 = arith.constant 0 : i32
        %dma_start3A_170 = tpu.memref_slice %arg6[%dma_start3A_168, %dma_start3A_169] : memref<10112x128xf32, #tpu.memory_space<vmem_shared>> -> memref<10112x128xf32, #tpu.memory_space<vmem_shared>>
        tpu.enqueue_indirect_dma source(%arg11 : memref<80x128xf32, #tpu.memory_space<vmem>>) target(%dma_start3A_170 : memref<10112x128xf32, #tpu.memory_space<vmem_shared>>) offsets(%dma_start3A_167 : memref<80xi32, #tpu.memory_space<vmem>>) semaphore(%run_scoped3A_164 : memref<!tpu.dma_semaphore, #tpu.memory_space<semaphore_mem>>) {add = true}
        %dma_wait3A_171 = arith.constant 0 : i32
        %dma_wait3A_172 = tpu.memref_slice %arg8[%add3A_163, %dma_wait3A_171] : memref<63x80xi32, #tpu.memory_space<vmem>> -> memref<1x80xi32, #tpu.memory_space<vmem>>
        %dma_wait3A_173 = tpu.memref_squeeze %dma_wait3A_172 : memref<1x80xi32, #tpu.memory_space<vmem>> -> memref<80xi32, #tpu.memory_space<vmem>>
        %dma_wait3A_174 = arith.constant 0 : i32
        %dma_wait3A_175 = arith.constant 0 : i32
        %dma_wait3A_176 = tpu.memref_slice %arg6[%dma_wait3A_174, %dma_wait3A_175] : memref<10112x128xf32, #tpu.memory_space<vmem_shared>> -> memref<10112x128xf32, #tpu.memory_space<vmem_shared>>
        tpu.wait_indirect_dma semaphore(%run_scoped3A_164 : memref<!tpu.dma_semaphore, #tpu.memory_space<semaphore_mem>>) src(%arg11 : memref<80x128xf32, #tpu.memory_space<vmem>>) dst(%dma_wait3A_176 : memref<10112x128xf32, #tpu.memory_space<vmem_shared>>)
        tpu.yield
      }) : () -> ()
    }
    %scan3A_42 = arith.constant 21 : i32
    %dma_wait3A = arith.constant 0 : i32
    %dma_wait3A_43 = arith.constant 0 : i32
    %dma_wait3A_44 = tpu.memref_slice %arg7[%dma_wait3A, %dma_wait3A_43] : memref<63x80xi32, #tpu.memory_space<vmem>> -> memref<1x80xi32, #tpu.memory_space<vmem>>
    %dma_wait3A_45 = tpu.memref_squeeze %dma_wait3A_44 : memref<1x80xi32, #tpu.memory_space<vmem>> -> memref<80xi32, #tpu.memory_space<vmem>>
    %dma_wait3A_46 = arith.constant 0 : i32
    %dma_wait3A_47 = arith.constant 0 : i32
    %dma_wait3A_48 = tpu.memref_slice %arg2[%dma_wait3A_46, %dma_wait3A_47] : memref<10000x128xf32, #tpu.memory_space<hbm>> -> memref<10000x128xf32, #tpu.memory_space<hbm>>
    tpu.wait_indirect_dma semaphore(%arg12 : memref<!tpu.dma_semaphore, #tpu.memory_space<semaphore_mem>>) src(%dma_wait3A_48 : memref<10000x128xf32, #tpu.memory_space<hbm>>) dst(%arg9 : memref<80x128xf32, #tpu.memory_space<vmem>>)
    %dma_wait3A_49 = arith.constant 0 : i32
    %dma_wait3A_50 = arith.constant 0 : i32
    %dma_wait3A_51 = tpu.memref_slice %arg7[%dma_wait3A_49, %dma_wait3A_50] : memref<63x80xi32, #tpu.memory_space<vmem>> -> memref<1x80xi32, #tpu.memory_space<vmem>>
    %dma_wait3A_52 = tpu.memref_squeeze %dma_wait3A_51 : memref<1x80xi32, #tpu.memory_space<vmem>> -> memref<80xi32, #tpu.memory_space<vmem>>
    %dma_wait3A_53 = arith.constant 0 : i32
    %dma_wait3A_54 = arith.constant 0 : i32
    %dma_wait3A_55 = tpu.memref_slice %arg2[%dma_wait3A_53, %dma_wait3A_54] : memref<10000x128xf32, #tpu.memory_space<hbm>> -> memref<10000x128xf32, #tpu.memory_space<hbm>>
    tpu.wait_indirect_dma semaphore(%arg13 : memref<!tpu.dma_semaphore, #tpu.memory_space<semaphore_mem>>) src(%dma_wait3A_55 : memref<10000x128xf32, #tpu.memory_space<hbm>>) dst(%arg10 : memref<80x128xf32, #tpu.memory_space<vmem>>)
    %run_scoped3A_56 = arith.constant 1 : i32
    "tpu.region"() ({
      %run_scoped3A_93 = tpu.sem_alloc : memref<!tpu.dma_semaphore, #tpu.memory_space<semaphore_mem>>
      %dma_start3A_94 = arith.constant 0 : i32
      %dma_start3A_95 = arith.constant 0 : i32
      %dma_start3A_96 = tpu.memref_slice %arg3[%arg0, %arg1, %run_scoped3A_56, %dma_start3A_94, %dma_start3A_95] : memref<2x16x2x63x80xi32, #tpu.memory_space<hbm>> -> memref<1x1x1x63x80xi32, #tpu.memory_space<hbm>>
      %dma_start3A_97 = tpu.memref_squeeze %dma_start3A_96 : memref<1x1x1x63x80xi32, #tpu.memory_space<hbm>> -> memref<63x80xi32, #tpu.memory_space<hbm>>
      %dma_start3A_98 = arith.constant 0 : i32
      %dma_start3A_99 = arith.constant 0 : i32
      %dma_start3A_100 = tpu.memref_slice %arg3[%arg0, %arg1, %run_scoped3A_56, %dma_start3A_98, %dma_start3A_99] : memref<2x16x2x63x80xi32, #tpu.memory_space<hbm>> -> memref<1x1x1x63x80xi32, #tpu.memory_space<hbm>>
      %dma_start3A_101 = tpu.memref_squeeze %dma_start3A_100 : memref<1x1x1x63x80xi32, #tpu.memory_space<hbm>> -> memref<63x80xi32, #tpu.memory_space<hbm>>
      tpu.enqueue_dma source(%dma_start3A_101 : memref<63x80xi32, #tpu.memory_space<hbm>>) target(%arg7 : memref<63x80xi32, #tpu.memory_space<vmem>>) target_semaphore(%run_scoped3A_93 : memref<!tpu.dma_semaphore, #tpu.memory_space<semaphore_mem>>)
      %dma_wait3A_102 = arith.constant 0 : i32
      %dma_wait3A_103 = arith.constant 0 : i32
      %dma_wait3A_104 = tpu.memref_slice %arg3[%arg0, %arg1, %run_scoped3A_56, %dma_wait3A_102, %dma_wait3A_103] : memref<2x16x2x63x80xi32, #tpu.memory_space<hbm>> -> memref<1x1x1x63x80xi32, #tpu.memory_space<hbm>>
      %dma_wait3A_105 = tpu.memref_squeeze %dma_wait3A_104 : memref<1x1x1x63x80xi32, #tpu.memory_space<hbm>> -> memref<63x80xi32, #tpu.memory_space<hbm>>
      %dma_wait3A_106 = arith.constant 0 : i32
      %dma_wait3A_107 = arith.constant 0 : i32
      %dma_wait3A_108 = tpu.memref_slice %arg3[%arg0, %arg1, %run_scoped3A_56, %dma_wait3A_106, %dma_wait3A_107] : memref<2x16x2x63x80xi32, #tpu.memory_space<hbm>> -> memref<1x1x1x63x80xi32, #tpu.memory_space<hbm>>
      %dma_wait3A_109 = tpu.memref_squeeze %dma_wait3A_108 : memref<1x1x1x63x80xi32, #tpu.memory_space<hbm>> -> memref<63x80xi32, #tpu.memory_space<hbm>>
      tpu.wait_dma2 semaphore(%run_scoped3A_93 : memref<!tpu.dma_semaphore, #tpu.memory_space<semaphore_mem>>) src(%dma_wait3A_109 : memref<63x80xi32, #tpu.memory_space<hbm>>) dst(%arg7 : memref<63x80xi32, #tpu.memory_space<vmem>>)
      tpu.yield
    }) : () -> ()
    %run_scoped3A_57 = arith.constant 1 : i32
    "tpu.region"() ({
      %run_scoped3A_93 = tpu.sem_alloc : memref<!tpu.dma_semaphore, #tpu.memory_space<semaphore_mem>>
      %dma_start3A_94 = arith.constant 0 : i32
      %dma_start3A_95 = arith.constant 0 : i32
      %dma_start3A_96 = tpu.memref_slice %arg4[%arg0, %arg1, %run_scoped3A_57, %dma_start3A_94, %dma_start3A_95] : memref<2x16x2x63x80xi32, #tpu.memory_space<hbm>> -> memref<1x1x1x63x80xi32, #tpu.memory_space<hbm>>
      %dma_start3A_97 = tpu.memref_squeeze %dma_start3A_96 : memref<1x1x1x63x80xi32, #tpu.memory_space<hbm>> -> memref<63x80xi32, #tpu.memory_space<hbm>>
      %dma_start3A_98 = arith.constant 0 : i32
      %dma_start3A_99 = arith.constant 0 : i32
      %dma_start3A_100 = tpu.memref_slice %arg4[%arg0, %arg1, %run_scoped3A_57, %dma_start3A_98, %dma_start3A_99] : memref<2x16x2x63x80xi32, #tpu.memory_space<hbm>> -> memref<1x1x1x63x80xi32, #tpu.memory_space<hbm>>
      %dma_start3A_101 = tpu.memref_squeeze %dma_start3A_100 : memref<1x1x1x63x80xi32, #tpu.memory_space<hbm>> -> memref<63x80xi32, #tpu.memory_space<hbm>>
      tpu.enqueue_dma source(%dma_start3A_101 : memref<63x80xi32, #tpu.memory_space<hbm>>) target(%arg8 : memref<63x80xi32, #tpu.memory_space<vmem>>) target_semaphore(%run_scoped3A_93 : memref<!tpu.dma_semaphore, #tpu.memory_space<semaphore_mem>>)
      %dma_wait3A_102 = arith.constant 0 : i32
      %dma_wait3A_103 = arith.constant 0 : i32
      %dma_wait3A_104 = tpu.memref_slice %arg4[%arg0, %arg1, %run_scoped3A_57, %dma_wait3A_102, %dma_wait3A_103] : memref<2x16x2x63x80xi32, #tpu.memory_space<hbm>> -> memref<1x1x1x63x80xi32, #tpu.memory_space<hbm>>
      %dma_wait3A_105 = tpu.memref_squeeze %dma_wait3A_104 : memref<1x1x1x63x80xi32, #tpu.memory_space<hbm>> -> memref<63x80xi32, #tpu.memory_space<hbm>>
      %dma_wait3A_106 = arith.constant 0 : i32
      %dma_wait3A_107 = arith.constant 0 : i32
      %dma_wait3A_108 = tpu.memref_slice %arg4[%arg0, %arg1, %run_scoped3A_57, %dma_wait3A_106, %dma_wait3A_107] : memref<2x16x2x63x80xi32, #tpu.memory_space<hbm>> -> memref<1x1x1x63x80xi32, #tpu.memory_space<hbm>>
      %dma_wait3A_109 = tpu.memref_squeeze %dma_wait3A_108 : memref<1x1x1x63x80xi32, #tpu.memory_space<hbm>> -> memref<63x80xi32, #tpu.memory_space<hbm>>
      tpu.wait_dma2 semaphore(%run_scoped3A_93 : memref<!tpu.dma_semaphore, #tpu.memory_space<semaphore_mem>>) src(%dma_wait3A_109 : memref<63x80xi32, #tpu.memory_space<hbm>>) dst(%arg8 : memref<63x80xi32, #tpu.memory_space<vmem>>)
      tpu.yield
    }) : () -> ()
    %dma_start3A_58 = arith.constant 0 : i32
    %dma_start3A_59 = arith.constant 0 : i32
    %dma_start3A_60 = tpu.memref_slice %arg7[%dma_start3A_58, %dma_start3A_59] : memref<63x80xi32, #tpu.memory_space<vmem>> -> memref<1x80xi32, #tpu.memory_space<vmem>>
    %dma_start3A_61 = tpu.memref_squeeze %dma_start3A_60 : memref<1x80xi32, #tpu.memory_space<vmem>> -> memref<80xi32, #tpu.memory_space<vmem>>
    %dma_start3A_62 = arith.constant 0 : i32
    %dma_start3A_63 = arith.constant 0 : i32
    %dma_start3A_64 = tpu.memref_slice %arg2[%dma_start3A_62, %dma_start3A_63] : memref<10000x128xf32, #tpu.memory_space<hbm>> -> memref<10000x128xf32, #tpu.memory_space<hbm>>
    tpu.enqueue_indirect_dma source(%dma_start3A_64 : memref<10000x128xf32, #tpu.memory_space<hbm>>) target(%arg9 : memref<80x128xf32, #tpu.memory_space<vmem>>) offsets(%dma_start3A_61 : memref<80xi32, #tpu.memory_space<vmem>>) semaphore(%arg12 : memref<!tpu.dma_semaphore, #tpu.memory_space<semaphore_mem>>)
    %dma_start3A_65 = arith.constant 1 : i32
    %dma_start3A_66 = arith.constant 0 : i32
    %dma_start3A_67 = tpu.memref_slice %arg7[%dma_start3A_65, %dma_start3A_66] : memref<63x80xi32, #tpu.memory_space<vmem>> -> memref<1x80xi32, #tpu.memory_space<vmem>>
    %dma_start3A_68 = tpu.memref_squeeze %dma_start3A_67 : memref<1x80xi32, #tpu.memory_space<vmem>> -> memref<80xi32, #tpu.memory_space<vmem>>
    %dma_start3A_69 = arith.constant 0 : i32
    %dma_start3A_70 = arith.constant 0 : i32
    %dma_start3A_71 = tpu.memref_slice %arg2[%dma_start3A_69, %dma_start3A_70] : memref<10000x128xf32, #tpu.memory_space<hbm>> -> memref<10000x128xf32, #tpu.memory_space<hbm>>
    tpu.enqueue_indirect_dma source(%dma_start3A_71 : memref<10000x128xf32, #tpu.memory_space<hbm>>) target(%arg10 : memref<80x128xf32, #tpu.memory_space<vmem>>) offsets(%dma_start3A_68 : memref<80xi32, #tpu.memory_space<vmem>>) semaphore(%arg13 : memref<!tpu.dma_semaphore, #tpu.memory_space<semaphore_mem>>)
    %scan3A_72 = arith.constant 0 : i32
    %scan3A_73 = arith.constant 0 : i32
    %scan3A_74 = arith.constant 21 : i32
    %scan3A_75 = arith.addi %scan3A_73, %scan3A_74 : i32
    %scan3A_76 = arith.constant 1 : i32
    scf.for %scan3A_93 = %scan3A_73 to %scan3A_75 step %scan3A_76  : i32 {
      %mul3A_94 = arith.constant 3 : i32
      %mul3A_95 = arith.muli %mul3A_94, %scan3A_93 : i32
      %add3A_96 = arith.constant 0 : i32
      %add3A_97 = arith.addi %mul3A_95, %add3A_96 : i32
      %add3A_98 = arith.constant 3 : i32
      %add3A_99 = arith.addi %add3A_97, %add3A_98 : i32
      %sub3A_100 = arith.constant 1 : i32
      %sub3A_101 = arith.subi %add3A_99, %sub3A_100 : i32
      %min3A = arith.constant 62 : i32
      %min3A_102 = arith.minsi %sub3A_101, %min3A : i32
      %dma_start3A_103 = arith.constant 0 : i32
      %dma_start3A_104 = tpu.memref_slice %arg7[%min3A_102, %dma_start3A_103] : memref<63x80xi32, #tpu.memory_space<vmem>> -> memref<1x80xi32, #tpu.memory_space<vmem>>
      %dma_start3A_105 = tpu.memref_squeeze %dma_start3A_104 : memref<1x80xi32, #tpu.memory_space<vmem>> -> memref<80xi32, #tpu.memory_space<vmem>>
      %dma_start3A_106 = arith.constant 0 : i32
      %dma_start3A_107 = arith.constant 0 : i32
      %dma_start3A_108 = tpu.memref_slice %arg2[%dma_start3A_106, %dma_start3A_107] : memref<10000x128xf32, #tpu.memory_space<hbm>> -> memref<10000x128xf32, #tpu.memory_space<hbm>>
      tpu.enqueue_indirect_dma source(%dma_start3A_108 : memref<10000x128xf32, #tpu.memory_space<hbm>>) target(%arg11 : memref<80x128xf32, #tpu.memory_space<vmem>>) offsets(%dma_start3A_105 : memref<80xi32, #tpu.memory_space<vmem>>) semaphore(%arg14 : memref<!tpu.dma_semaphore, #tpu.memory_space<semaphore_mem>>)
      %dma_wait3A_109 = arith.constant 0 : i32
      %dma_wait3A_110 = arith.constant 0 : i32
      %dma_wait3A_111 = tpu.memref_slice %arg7[%dma_wait3A_109, %dma_wait3A_110] : memref<63x80xi32, #tpu.memory_space<vmem>> -> memref<1x80xi32, #tpu.memory_space<vmem>>
      %dma_wait3A_112 = tpu.memref_squeeze %dma_wait3A_111 : memref<1x80xi32, #tpu.memory_space<vmem>> -> memref<80xi32, #tpu.memory_space<vmem>>
      %dma_wait3A_113 = arith.constant 0 : i32
      %dma_wait3A_114 = arith.constant 0 : i32
      %dma_wait3A_115 = tpu.memref_slice %arg2[%dma_wait3A_113, %dma_wait3A_114] : memref<10000x128xf32, #tpu.memory_space<hbm>> -> memref<10000x128xf32, #tpu.memory_space<hbm>>
      tpu.wait_indirect_dma semaphore(%arg12 : memref<!tpu.dma_semaphore, #tpu.memory_space<semaphore_mem>>) src(%dma_wait3A_115 : memref<10000x128xf32, #tpu.memory_space<hbm>>) dst(%arg9 : memref<80x128xf32, #tpu.memory_space<vmem>>)
      %add3A_116 = arith.constant 0 : i32
      %add3A_117 = arith.addi %mul3A_95, %add3A_116 : i32
      "tpu.region"() ({
        %run_scoped3A_164 = tpu.sem_alloc : memref<!tpu.dma_semaphore, #tpu.memory_space<semaphore_mem>>
        %dma_start3A_165 = arith.constant 0 : i32
        %dma_start3A_166 = tpu.memref_slice %arg8[%add3A_117, %dma_start3A_165] : memref<63x80xi32, #tpu.memory_space<vmem>> -> memref<1x80xi32, #tpu.memory_space<vmem>>
        %dma_start3A_167 = tpu.memref_squeeze %dma_start3A_166 : memref<1x80xi32, #tpu.memory_space<vmem>> -> memref<80xi32, #tpu.memory_space<vmem>>
        %dma_start3A_168 = arith.constant 0 : i32
        %dma_start3A_169 = arith.constant 0 : i32
        %dma_start3A_170 = tpu.memref_slice %arg6[%dma_start3A_168, %dma_start3A_169] : memref<10112x128xf32, #tpu.memory_space<vmem_shared>> -> memref<10112x128xf32, #tpu.memory_space<vmem_shared>>
        tpu.enqueue_indirect_dma source(%arg9 : memref<80x128xf32, #tpu.memory_space<vmem>>) target(%dma_start3A_170 : memref<10112x128xf32, #tpu.memory_space<vmem_shared>>) offsets(%dma_start3A_167 : memref<80xi32, #tpu.memory_space<vmem>>) semaphore(%run_scoped3A_164 : memref<!tpu.dma_semaphore, #tpu.memory_space<semaphore_mem>>) {add = true}
        %dma_wait3A_171 = arith.constant 0 : i32
        %dma_wait3A_172 = tpu.memref_slice %arg8[%add3A_117, %dma_wait3A_171] : memref<63x80xi32, #tpu.memory_space<vmem>> -> memref<1x80xi32, #tpu.memory_space<vmem>>
        %dma_wait3A_173 = tpu.memref_squeeze %dma_wait3A_172 : memref<1x80xi32, #tpu.memory_space<vmem>> -> memref<80xi32, #tpu.memory_space<vmem>>
        %dma_wait3A_174 = arith.constant 0 : i32
        %dma_wait3A_175 = arith.constant 0 : i32
        %dma_wait3A_176 = tpu.memref_slice %arg6[%dma_wait3A_174, %dma_wait3A_175] : memref<10112x128xf32, #tpu.memory_space<vmem_shared>> -> memref<10112x128xf32, #tpu.memory_space<vmem_shared>>
        tpu.wait_indirect_dma semaphore(%run_scoped3A_164 : memref<!tpu.dma_semaphore, #tpu.memory_space<semaphore_mem>>) src(%arg9 : memref<80x128xf32, #tpu.memory_space<vmem>>) dst(%dma_wait3A_176 : memref<10112x128xf32, #tpu.memory_space<vmem_shared>>)
        tpu.yield
      }) : () -> ()
      %add3A_118 = arith.constant 1 : i32
      %add3A_119 = arith.addi %mul3A_95, %add3A_118 : i32
      %add3A_120 = arith.constant 3 : i32
      %add3A_121 = arith.addi %add3A_119, %add3A_120 : i32
      %sub3A_122 = arith.constant 1 : i32
      %sub3A_123 = arith.subi %add3A_121, %sub3A_122 : i32
      %min3A_124 = arith.constant 62 : i32
      %min3A_125 = arith.minsi %sub3A_123, %min3A_124 : i32
      %dma_start3A_126 = arith.constant 0 : i32
      %dma_start3A_127 = tpu.memref_slice %arg7[%min3A_125, %dma_start3A_126] : memref<63x80xi32, #tpu.memory_space<vmem>> -> memref<1x80xi32, #tpu.memory_space<vmem>>
      %dma_start3A_128 = tpu.memref_squeeze %dma_start3A_127 : memref<1x80xi32, #tpu.memory_space<vmem>> -> memref<80xi32, #tpu.memory_space<vmem>>
      %dma_start3A_129 = arith.constant 0 : i32
      %dma_start3A_130 = arith.constant 0 : i32
      %dma_start3A_131 = tpu.memref_slice %arg2[%dma_start3A_129, %dma_start3A_130] : memref<10000x128xf32, #tpu.memory_space<hbm>> -> memref<10000x128xf32, #tpu.memory_space<hbm>>
      tpu.enqueue_indirect_dma source(%dma_start3A_131 : memref<10000x128xf32, #tpu.memory_space<hbm>>) target(%arg9 : memref<80x128xf32, #tpu.memory_space<vmem>>) offsets(%dma_start3A_128 : memref<80xi32, #tpu.memory_space<vmem>>) semaphore(%arg12 : memref<!tpu.dma_semaphore, #tpu.memory_space<semaphore_mem>>)
      %dma_wait3A_132 = arith.constant 0 : i32
      %dma_wait3A_133 = arith.constant 0 : i32
      %dma_wait3A_134 = tpu.memref_slice %arg7[%dma_wait3A_132, %dma_wait3A_133] : memref<63x80xi32, #tpu.memory_space<vmem>> -> memref<1x80xi32, #tpu.memory_space<vmem>>
      %dma_wait3A_135 = tpu.memref_squeeze %dma_wait3A_134 : memref<1x80xi32, #tpu.memory_space<vmem>> -> memref<80xi32, #tpu.memory_space<vmem>>
      %dma_wait3A_136 = arith.constant 0 : i32
      %dma_wait3A_137 = arith.constant 0 : i32
      %dma_wait3A_138 = tpu.memref_slice %arg2[%dma_wait3A_136, %dma_wait3A_137] : memref<10000x128xf32, #tpu.memory_space<hbm>> -> memref<10000x128xf32, #tpu.memory_space<hbm>>
      tpu.wait_indirect_dma semaphore(%arg13 : memref<!tpu.dma_semaphore, #tpu.memory_space<semaphore_mem>>) src(%dma_wait3A_138 : memref<10000x128xf32, #tpu.memory_space<hbm>>) dst(%arg10 : memref<80x128xf32, #tpu.memory_space<vmem>>)
      %add3A_139 = arith.constant 1 : i32
      %add3A_140 = arith.addi %mul3A_95, %add3A_139 : i32
      "tpu.region"() ({
        %run_scoped3A_164 = tpu.sem_alloc : memref<!tpu.dma_semaphore, #tpu.memory_space<semaphore_mem>>
        %dma_start3A_165 = arith.constant 0 : i32
        %dma_start3A_166 = tpu.memref_slice %arg8[%add3A_140, %dma_start3A_165] : memref<63x80xi32, #tpu.memory_space<vmem>> -> memref<1x80xi32, #tpu.memory_space<vmem>>
        %dma_start3A_167 = tpu.memref_squeeze %dma_start3A_166 : memref<1x80xi32, #tpu.memory_space<vmem>> -> memref<80xi32, #tpu.memory_space<vmem>>
        %dma_start3A_168 = arith.constant 0 : i32
        %dma_start3A_169 = arith.constant 0 : i32
        %dma_start3A_170 = tpu.memref_slice %arg6[%dma_start3A_168, %dma_start3A_169] : memref<10112x128xf32, #tpu.memory_space<vmem_shared>> -> memref<10112x128xf32, #tpu.memory_space<vmem_shared>>
        tpu.enqueue_indirect_dma source(%arg10 : memref<80x128xf32, #tpu.memory_space<vmem>>) target(%dma_start3A_170 : memref<10112x128xf32, #tpu.memory_space<vmem_shared>>) offsets(%dma_start3A_167 : memref<80xi32, #tpu.memory_space<vmem>>) semaphore(%run_scoped3A_164 : memref<!tpu.dma_semaphore, #tpu.memory_space<semaphore_mem>>) {add = true}
        %dma_wait3A_171 = arith.constant 0 : i32
        %dma_wait3A_172 = tpu.memref_slice %arg8[%add3A_140, %dma_wait3A_171] : memref<63x80xi32, #tpu.memory_space<vmem>> -> memref<1x80xi32, #tpu.memory_space<vmem>>
        %dma_wait3A_173 = tpu.memref_squeeze %dma_wait3A_172 : memref<1x80xi32, #tpu.memory_space<vmem>> -> memref<80xi32, #tpu.memory_space<vmem>>
        %dma_wait3A_174 = arith.constant 0 : i32
        %dma_wait3A_175 = arith.constant 0 : i32
        %dma_wait3A_176 = tpu.memref_slice %arg6[%dma_wait3A_174, %dma_wait3A_175] : memref<10112x128xf32, #tpu.memory_space<vmem_shared>> -> memref<10112x128xf32, #tpu.memory_space<vmem_shared>>
        tpu.wait_indirect_dma semaphore(%run_scoped3A_164 : memref<!tpu.dma_semaphore, #tpu.memory_space<semaphore_mem>>) src(%arg10 : memref<80x128xf32, #tpu.memory_space<vmem>>) dst(%dma_wait3A_176 : memref<10112x128xf32, #tpu.memory_space<vmem_shared>>)
        tpu.yield
      }) : () -> ()
      %add3A_141 = arith.constant 2 : i32
      %add3A_142 = arith.addi %mul3A_95, %add3A_141 : i32
      %add3A_143 = arith.constant 3 : i32
      %add3A_144 = arith.addi %add3A_142, %add3A_143 : i32
      %sub3A_145 = arith.constant 1 : i32
      %sub3A_146 = arith.subi %add3A_144, %sub3A_145 : i32
      %min3A_147 = arith.constant 62 : i32
      %min3A_148 = arith.minsi %sub3A_146, %min3A_147 : i32
      %dma_start3A_149 = arith.constant 0 : i32
      %dma_start3A_150 = tpu.memref_slice %arg7[%min3A_148, %dma_start3A_149] : memref<63x80xi32, #tpu.memory_space<vmem>> -> memref<1x80xi32, #tpu.memory_space<vmem>>
      %dma_start3A_151 = tpu.memref_squeeze %dma_start3A_150 : memref<1x80xi32, #tpu.memory_space<vmem>> -> memref<80xi32, #tpu.memory_space<vmem>>
      %dma_start3A_152 = arith.constant 0 : i32
      %dma_start3A_153 = arith.constant 0 : i32
      %dma_start3A_154 = tpu.memref_slice %arg2[%dma_start3A_152, %dma_start3A_153] : memref<10000x128xf32, #tpu.memory_space<hbm>> -> memref<10000x128xf32, #tpu.memory_space<hbm>>
      tpu.enqueue_indirect_dma source(%dma_start3A_154 : memref<10000x128xf32, #tpu.memory_space<hbm>>) target(%arg10 : memref<80x128xf32, #tpu.memory_space<vmem>>) offsets(%dma_start3A_151 : memref<80xi32, #tpu.memory_space<vmem>>) semaphore(%arg13 : memref<!tpu.dma_semaphore, #tpu.memory_space<semaphore_mem>>)
      %dma_wait3A_155 = arith.constant 0 : i32
      %dma_wait3A_156 = arith.constant 0 : i32
      %dma_wait3A_157 = tpu.memref_slice %arg7[%dma_wait3A_155, %dma_wait3A_156] : memref<63x80xi32, #tpu.memory_space<vmem>> -> memref<1x80xi32, #tpu.memory_space<vmem>>
      %dma_wait3A_158 = tpu.memref_squeeze %dma_wait3A_157 : memref<1x80xi32, #tpu.memory_space<vmem>> -> memref<80xi32, #tpu.memory_space<vmem>>
      %dma_wait3A_159 = arith.constant 0 : i32
      %dma_wait3A_160 = arith.constant 0 : i32
      %dma_wait3A_161 = tpu.memref_slice %arg2[%dma_wait3A_159, %dma_wait3A_160] : memref<10000x128xf32, #tpu.memory_space<hbm>> -> memref<10000x128xf32, #tpu.memory_space<hbm>>
      tpu.wait_indirect_dma semaphore(%arg14 : memref<!tpu.dma_semaphore, #tpu.memory_space<semaphore_mem>>) src(%dma_wait3A_161 : memref<10000x128xf32, #tpu.memory_space<hbm>>) dst(%arg11 : memref<80x128xf32, #tpu.memory_space<vmem>>)
      %add3A_162 = arith.constant 2 : i32
      %add3A_163 = arith.addi %mul3A_95, %add3A_162 : i32
      "tpu.region"() ({
        %run_scoped3A_164 = tpu.sem_alloc : memref<!tpu.dma_semaphore, #tpu.memory_space<semaphore_mem>>
        %dma_start3A_165 = arith.constant 0 : i32
        %dma_start3A_166 = tpu.memref_slice %arg8[%add3A_163, %dma_start3A_165] : memref<63x80xi32, #tpu.memory_space<vmem>> -> memref<1x80xi32, #tpu.memory_space<vmem>>
        %dma_start3A_167 = tpu.memref_squeeze %dma_start3A_166 : memref<1x80xi32, #tpu.memory_space<vmem>> -> memref<80xi32, #tpu.memory_space<vmem>>
        %dma_start3A_168 = arith.constant 0 : i32
        %dma_start3A_169 = arith.constant 0 : i32
        %dma_start3A_170 = tpu.memref_slice %arg6[%dma_start3A_168, %dma_start3A_169] : memref<10112x128xf32, #tpu.memory_space<vmem_shared>> -> memref<10112x128xf32, #tpu.memory_space<vmem_shared>>
        tpu.enqueue_indirect_dma source(%arg11 : memref<80x128xf32, #tpu.memory_space<vmem>>) target(%dma_start3A_170 : memref<10112x128xf32, #tpu.memory_space<vmem_shared>>) offsets(%dma_start3A_167 : memref<80xi32, #tpu.memory_space<vmem>>) semaphore(%run_scoped3A_164 : memref<!tpu.dma_semaphore, #tpu.memory_space<semaphore_mem>>) {add = true}
        %dma_wait3A_171 = arith.constant 0 : i32
        %dma_wait3A_172 = tpu.memref_slice %arg8[%add3A_163, %dma_wait3A_171] : memref<63x80xi32, #tpu.memory_space<vmem>> -> memref<1x80xi32, #tpu.memory_space<vmem>>
        %dma_wait3A_173 = tpu.memref_squeeze %dma_wait3A_172 : memref<1x80xi32, #tpu.memory_space<vmem>> -> memref<80xi32, #tpu.memory_space<vmem>>
        %dma_wait3A_174 = arith.constant 0 : i32
        %dma_wait3A_175 = arith.constant 0 : i32
        %dma_wait3A_176 = tpu.memref_slice %arg6[%dma_wait3A_174, %dma_wait3A_175] : memref<10112x128xf32, #tpu.memory_space<vmem_shared>> -> memref<10112x128xf32, #tpu.memory_space<vmem_shared>>
        tpu.wait_indirect_dma semaphore(%run_scoped3A_164 : memref<!tpu.dma_semaphore, #tpu.memory_space<semaphore_mem>>) src(%arg11 : memref<80x128xf32, #tpu.memory_space<vmem>>) dst(%dma_wait3A_176 : memref<10112x128xf32, #tpu.memory_space<vmem_shared>>)
        tpu.yield
      }) : () -> ()
    }
    %scan3A_77 = arith.constant 21 : i32
    %dma_wait3A_78 = arith.constant 0 : i32
    %dma_wait3A_79 = arith.constant 0 : i32
    %dma_wait3A_80 = tpu.memref_slice %arg7[%dma_wait3A_78, %dma_wait3A_79] : memref<63x80xi32, #tpu.memory_space<vmem>> -> memref<1x80xi32, #tpu.memory_space<vmem>>
    %dma_wait3A_81 = tpu.memref_squeeze %dma_wait3A_80 : memref<1x80xi32, #tpu.memory_space<vmem>> -> memref<80xi32, #tpu.memory_space<vmem>>
    %dma_wait3A_82 = arith.constant 0 : i32
    %dma_wait3A_83 = arith.constant 0 : i32
    %dma_wait3A_84 = tpu.memref_slice %arg2[%dma_wait3A_82, %dma_wait3A_83] : memref<10000x128xf32, #tpu.memory_space<hbm>> -> memref<10000x128xf32, #tpu.memory_space<hbm>>
    tpu.wait_indirect_dma semaphore(%arg12 : memref<!tpu.dma_semaphore, #tpu.memory_space<semaphore_mem>>) src(%dma_wait3A_84 : memref<10000x128xf32, #tpu.memory_space<hbm>>) dst(%arg9 : memref<80x128xf32, #tpu.memory_space<vmem>>)
    %dma_wait3A_85 = arith.constant 0 : i32
    %dma_wait3A_86 = arith.constant 0 : i32
    %dma_wait3A_87 = tpu.memref_slice %arg7[%dma_wait3A_85, %dma_wait3A_86] : memref<63x80xi32, #tpu.memory_space<vmem>> -> memref<1x80xi32, #tpu.memory_space<vmem>>
    %dma_wait3A_88 = tpu.memref_squeeze %dma_wait3A_87 : memref<1x80xi32, #tpu.memory_space<vmem>> -> memref<80xi32, #tpu.memory_space<vmem>>
    %dma_wait3A_89 = arith.constant 0 : i32
    %dma_wait3A_90 = arith.constant 0 : i32
    %dma_wait3A_91 = tpu.memref_slice %arg2[%dma_wait3A_89, %dma_wait3A_90] : memref<10000x128xf32, #tpu.memory_space<hbm>> -> memref<10000x128xf32, #tpu.memory_space<hbm>>
    tpu.wait_indirect_dma semaphore(%arg13 : memref<!tpu.dma_semaphore, #tpu.memory_space<semaphore_mem>>) src(%dma_wait3A_91 : memref<10000x128xf32, #tpu.memory_space<hbm>>) dst(%arg10 : memref<80x128xf32, #tpu.memory_space<vmem>>)
    %barrier3A_92 = arith.constant 0 : index
    tpu.barrier barrier_id(%barrier3A_92)
    "tpu.region"() ({
      %run_scoped3A_93 = tpu.sem_alloc : memref<!tpu.dma_semaphore, #tpu.memory_space<semaphore_mem>>
      %dma_start3A_94 = arith.constant 0 : i32
      %dma_start3A_95 = arith.constant 0 : i32
      %dma_start3A_96 = tpu.memref_slice %arg5[%arg0, %dma_start3A_94, %dma_start3A_95] : memref<2x10112x128xf32, #tpu.memory_space<hbm>> -> memref<1x10112x128xf32, #tpu.memory_space<hbm>>
      %dma_start3A_97 = tpu.memref_squeeze %dma_start3A_96 : memref<1x10112x128xf32, #tpu.memory_space<hbm>> -> memref<10112x128xf32, #tpu.memory_space<hbm>>
      %dma_start3A_98 = arith.constant 0 : i32
      %dma_start3A_99 = tpu.memref_slice %dma_start3A_97[%mul3A_20, %dma_start3A_98] : memref<10112x128xf32, #tpu.memory_space<hbm>> -> memref<632x128xf32, #tpu.memory_space<hbm>>
      %dma_start3A_100 = arith.constant 0 : i32
      %dma_start3A_101 = tpu.memref_slice %arg6[%mul3A_20, %dma_start3A_100] : memref<10112x128xf32, #tpu.memory_space<vmem_shared>> -> memref<632x128xf32, #tpu.memory_space<vmem_shared>>
      tpu.enqueue_dma source(%dma_start3A_101 : memref<632x128xf32, #tpu.memory_space<vmem_shared>>) target(%dma_start3A_99 : memref<632x128xf32, #tpu.memory_space<hbm>>) target_semaphore(%run_scoped3A_93 : memref<!tpu.dma_semaphore, #tpu.memory_space<semaphore_mem>>)
      %dma_wait3A_102 = arith.constant 0 : i32
      %dma_wait3A_103 = arith.constant 0 : i32
      %dma_wait3A_104 = tpu.memref_slice %arg5[%arg0, %dma_wait3A_102, %dma_wait3A_103] : memref<2x10112x128xf32, #tpu.memory_space<hbm>> -> memref<1x10112x128xf32, #tpu.memory_space<hbm>>
      %dma_wait3A_105 = tpu.memref_squeeze %dma_wait3A_104 : memref<1x10112x128xf32, #tpu.memory_space<hbm>> -> memref<10112x128xf32, #tpu.memory_space<hbm>>
      %dma_wait3A_106 = arith.constant 0 : i32
      %dma_wait3A_107 = tpu.memref_slice %dma_wait3A_105[%mul3A_20, %dma_wait3A_106] : memref<10112x128xf32, #tpu.memory_space<hbm>> -> memref<632x128xf32, #tpu.memory_space<hbm>>
      %dma_wait3A_108 = arith.constant 0 : i32
      %dma_wait3A_109 = tpu.memref_slice %arg6[%mul3A_20, %dma_wait3A_108] : memref<10112x128xf32, #tpu.memory_space<vmem_shared>> -> memref<632x128xf32, #tpu.memory_space<vmem_shared>>
      tpu.wait_dma2 semaphore(%run_scoped3A_93 : memref<!tpu.dma_semaphore, #tpu.memory_space<semaphore_mem>>) src(%dma_wait3A_109 : memref<632x128xf32, #tpu.memory_space<vmem_shared>>) dst(%dma_wait3A_107 : memref<632x128xf32, #tpu.memory_space<hbm>>)
      tpu.yield
    }) : () -> ()
    return
  }
}

#map = affine_map<(d0, d1) -> (0, 0, 0, 0, 0)>
#map1 = affine_map<(d0, d1) -> (0, 0)>
module attributes {stable_mosaic.version = 14 : i64} {
  func.func @sage_sc_counts(%arg0: i32, %arg1: i32, %arg2: memref<2x16x2x63x80xi32, #tpu.memory_space<hbm>>, %arg3: memref<32x10112xf32, #tpu.memory_space<hbm>>, %arg4: memref<63x80xi32, #tpu.memory_space<vmem>>, %arg5: memref<63x80xi32, #tpu.memory_space<vmem>>, %arg6: memref<10112xf32, #tpu.memory_space<vmem>>, %arg7: memref<!tpu.dma_semaphore, #tpu.memory_space<semaphore_mem>>, %arg8: memref<!tpu.dma_semaphore, #tpu.memory_space<semaphore_mem>>) attributes {dimension_semantics = [#tpu.dimension_semantics<core_parallel>, #tpu.dimension_semantics<subcore_parallel>], iteration_bounds = array<i64: 2, 16>, scalar_prefetch = 0 : i64, scratch_operands = 5 : i64, tpu.core_type = #tpu.core_type<sc_vector_subcore>, window_params = [{transform_indices = #map}, {transform_indices = #map1}]} {
    %dma_start3A = arith.constant 0 : i32
    %dma_start3A_0 = arith.constant 0 : i32
    %dma_start3A_1 = arith.constant 0 : i32
    %dma_start3A_2 = tpu.memref_slice %arg2[%arg0, %arg1, %dma_start3A, %dma_start3A_0, %dma_start3A_1] : memref<2x16x2x63x80xi32, #tpu.memory_space<hbm>> -> memref<1x1x1x63x80xi32, #tpu.memory_space<hbm>>
    %dma_start3A_3 = tpu.memref_squeeze %dma_start3A_2 : memref<1x1x1x63x80xi32, #tpu.memory_space<hbm>> -> memref<63x80xi32, #tpu.memory_space<hbm>>
    %dma_start3A_4 = arith.constant 0 : i32
    %dma_start3A_5 = arith.constant 0 : i32
    %dma_start3A_6 = tpu.memref_slice %arg2[%arg0, %arg1, %dma_start3A, %dma_start3A_4, %dma_start3A_5] : memref<2x16x2x63x80xi32, #tpu.memory_space<hbm>> -> memref<1x1x1x63x80xi32, #tpu.memory_space<hbm>>
    %dma_start3A_7 = tpu.memref_squeeze %dma_start3A_6 : memref<1x1x1x63x80xi32, #tpu.memory_space<hbm>> -> memref<63x80xi32, #tpu.memory_space<hbm>>
    tpu.enqueue_dma source(%dma_start3A_7 : memref<63x80xi32, #tpu.memory_space<hbm>>) target(%arg4 : memref<63x80xi32, #tpu.memory_space<vmem>>) target_semaphore(%arg7 : memref<!tpu.dma_semaphore, #tpu.memory_space<semaphore_mem>>)
    %broadcast_in_dim3A = arith.constant 0.000000e+00 : f32
    %broadcast_in_dim3A_8 = vector.broadcast %broadcast_in_dim3A : f32 to vector<16xf32>
    %scan3A = arith.constant 0 : i32
    %scan3A_9 = arith.constant 0 : i32
    %scan3A_10 = arith.constant 632 : i32
    %scan3A_11 = arith.addi %scan3A_9, %scan3A_10 : i32
    %scan3A_12 = arith.constant 1 : i32
    scf.for %scan3A_55 = %scan3A_9 to %scan3A_11 step %scan3A_12  : i32 {
      %mul3A_56 = arith.constant 16 : i32
      %mul3A_57 = arith.muli %scan3A_55, %mul3A_56 : i32
      %swap3A = arith.index_cast %mul3A_57 : i32 to index
      %swap3A_58 = tpu.vector_load %arg6[%swap3A] {strides = array<i32>} : memref<10112xf32, #tpu.memory_space<vmem>>, vector<16xf32>,
      tpu.vector_store %arg6[%swap3A], %broadcast_in_dim3A_8 {strides = array<i32>} : memref<10112xf32, #tpu.memory_space<vmem>>, vector<16xf32>,
    }
    %scan3A_13 = arith.constant 632 : i32
    %broadcast_in_dim3A_14 = arith.constant 1.000000e+00 : f32
    %broadcast_in_dim3A_15 = vector.broadcast %broadcast_in_dim3A_14 : f32 to vector<16xf32>
    %dma_wait3A = arith.constant 0 : i32
    %dma_wait3A_16 = arith.constant 0 : i32
    %dma_wait3A_17 = arith.constant 0 : i32
    %dma_wait3A_18 = tpu.memref_slice %arg2[%arg0, %arg1, %dma_wait3A, %dma_wait3A_16, %dma_wait3A_17] : memref<2x16x2x63x80xi32, #tpu.memory_space<hbm>> -> memref<1x1x1x63x80xi32, #tpu.memory_space<hbm>>
    %dma_wait3A_19 = tpu.memref_squeeze %dma_wait3A_18 : memref<1x1x1x63x80xi32, #tpu.memory_space<hbm>> -> memref<63x80xi32, #tpu.memory_space<hbm>>
    %dma_wait3A_20 = arith.constant 0 : i32
    %dma_wait3A_21 = arith.constant 0 : i32
    %dma_wait3A_22 = tpu.memref_slice %arg2[%arg0, %arg1, %dma_wait3A, %dma_wait3A_20, %dma_wait3A_21] : memref<2x16x2x63x80xi32, #tpu.memory_space<hbm>> -> memref<1x1x1x63x80xi32, #tpu.memory_space<hbm>>
    %dma_wait3A_23 = tpu.memref_squeeze %dma_wait3A_22 : memref<1x1x1x63x80xi32, #tpu.memory_space<hbm>> -> memref<63x80xi32, #tpu.memory_space<hbm>>
    tpu.wait_dma2 semaphore(%arg7 : memref<!tpu.dma_semaphore, #tpu.memory_space<semaphore_mem>>) src(%dma_wait3A_23 : memref<63x80xi32, #tpu.memory_space<hbm>>) dst(%arg4 : memref<63x80xi32, #tpu.memory_space<vmem>>)
    %dma_start3A_24 = arith.constant 1 : i32
    %dma_start3A_25 = arith.constant 0 : i32
    %dma_start3A_26 = arith.constant 0 : i32
    %dma_start3A_27 = tpu.memref_slice %arg2[%arg0, %arg1, %dma_start3A_24, %dma_start3A_25, %dma_start3A_26] : memref<2x16x2x63x80xi32, #tpu.memory_space<hbm>> -> memref<1x1x1x63x80xi32, #tpu.memory_space<hbm>>
    %dma_start3A_28 = tpu.memref_squeeze %dma_start3A_27 : memref<1x1x1x63x80xi32, #tpu.memory_space<hbm>> -> memref<63x80xi32, #tpu.memory_space<hbm>>
    %dma_start3A_29 = arith.constant 0 : i32
    %dma_start3A_30 = arith.constant 0 : i32
    %dma_start3A_31 = tpu.memref_slice %arg2[%arg0, %arg1, %dma_start3A_24, %dma_start3A_29, %dma_start3A_30] : memref<2x16x2x63x80xi32, #tpu.memory_space<hbm>> -> memref<1x1x1x63x80xi32, #tpu.memory_space<hbm>>
    %dma_start3A_32 = tpu.memref_squeeze %dma_start3A_31 : memref<1x1x1x63x80xi32, #tpu.memory_space<hbm>> -> memref<63x80xi32, #tpu.memory_space<hbm>>
    tpu.enqueue_dma source(%dma_start3A_32 : memref<63x80xi32, #tpu.memory_space<hbm>>) target(%arg5 : memref<63x80xi32, #tpu.memory_space<vmem>>) target_semaphore(%arg8 : memref<!tpu.dma_semaphore, #tpu.memory_space<semaphore_mem>>)
    %scan3A_33 = arith.constant 0 : i32
    %scan3A_34 = arith.constant 0 : i32
    %scan3A_35 = arith.constant 315 : i32
    %scan3A_36 = arith.addi %scan3A_34, %scan3A_35 : i32
    %scan3A_37 = arith.constant 1 : i32
    scf.for %scan3A_55 = %scan3A_34 to %scan3A_36 step %scan3A_37  : i32 {
      %jit3A = arith.constant 5 : i32
      %div3A = arith.divsi %scan3A_55, %jit3A : i32
      %sign3A = arith.constant 0 : i32
      %sign3A_56 = arith.cmpi sgt, %scan3A_55, %sign3A : i32
      %sign3A_57 = arith.extui %sign3A_56 : i1 to i32
      %sign3A_58 = arith.constant 0 : i32
      %sign3A_59 = arith.cmpi slt, %scan3A_55, %sign3A_58 : i32
      %sign3A_60 = arith.extui %sign3A_59 : i1 to i32
      %sign3A_61 = arith.subi %sign3A_57, %sign3A_60 : i32
      %sign3A_62 = arith.constant 0 : i32
      %sign3A_63 = arith.cmpi sgt, %jit3A, %sign3A_62 : i32
      %sign3A_64 = arith.extui %sign3A_63 : i1 to i32
      %sign3A_65 = arith.constant 0 : i32
      %sign3A_66 = arith.cmpi slt, %jit3A, %sign3A_65 : i32
      %sign3A_67 = arith.extui %sign3A_66 : i1 to i32
      %sign3A_68 = arith.subi %sign3A_64, %sign3A_67 : i32
      %ne3A = arith.cmpi ne, %sign3A_61, %sign3A_68 : i32
      %rem3A = arith.remsi %scan3A_55, %jit3A : i32
      %ne3A_69 = arith.constant 0 : i32
      %ne3A_70 = arith.cmpi ne, %rem3A, %ne3A_69 : i32
      %and3A = arith.andi %ne3A, %ne3A_70 : i1
      %sub3A = arith.constant 1 : i32
      %sub3A_71 = arith.subi %div3A, %sub3A : i32
      %select_n3A = arith.select %and3A, %sub3A_71, %div3A : i32
      %jit3A_72 = arith.constant 5 : i32
      %eq3A = arith.constant 0 : i32
      %eq3A_73 = arith.cmpi eq, %jit3A_72, %eq3A : i32
      %jit3A_74 = arith.constant 1 : i32
      %select_n3A_75 = arith.select %eq3A_73, %jit3A_74, %jit3A_72 : i32
      %rem3A_76 = arith.remsi %scan3A_55, %select_n3A_75 : i32
      %ne3A_77 = arith.constant 0 : i32
      %ne3A_78 = arith.cmpi ne, %rem3A_76, %ne3A_77 : i32
      %lt3A = arith.constant 0 : i32
      %lt3A_79 = arith.cmpi slt, %rem3A_76, %lt3A : i32
      %lt3A_80 = arith.constant 0 : i32
      %lt3A_81 = arith.cmpi slt, %select_n3A_75, %lt3A_80 : i32
      %ne3A_82 = arith.xori %lt3A_79, %lt3A_81 : i1
      %and3A_83 = arith.andi %ne3A_82, %ne3A_78 : i1
      %add3A_84 = arith.addi %rem3A_76, %select_n3A_75 : i32
      %select_n3A_85 = arith.select %and3A_83, %add3A_84, %rem3A_76 : i32
      %mul3A_86 = arith.constant 16 : i32
      %mul3A_87 = arith.muli %select_n3A_85, %mul3A_86 : i32
      %get3A = arith.index_cast %select_n3A : i32 to index
      %get3A_88 = arith.index_cast %mul3A_87 : i32 to index
      %get3A_89 = tpu.vector_load %arg4[%get3A, %get3A_88] {strides = array<i32>} : memref<63x80xi32, #tpu.memory_space<vmem>>, vector<16xi32>,
      tpu.vector_store_idx %arg6[%get3A_89], %broadcast_in_dim3A_15 {add = true} : memref<10112xf32, #tpu.memory_space<vmem>>[vector<16xi32>], vector<16xf32>,
    }
    %scan3A_38 = arith.constant 315 : i32
    %dma_wait3A_39 = arith.constant 0 : i32
    %dma_wait3A_40 = arith.constant 0 : i32
    %dma_wait3A_41 = arith.constant 0 : i32
    %dma_wait3A_42 = tpu.memref_slice %arg2[%arg0, %arg1, %dma_wait3A_39, %dma_wait3A_40, %dma_wait3A_41] : memref<2x16x2x63x80xi32, #tpu.memory_space<hbm>> -> memref<1x1x1x63x80xi32, #tpu.memory_space<hbm>>
    %dma_wait3A_43 = tpu.memref_squeeze %dma_wait3A_42 : memref<1x1x1x63x80xi32, #tpu.memory_space<hbm>> -> memref<63x80xi32, #tpu.memory_space<hbm>>
    %dma_wait3A_44 = arith.constant 0 : i32
    %dma_wait3A_45 = arith.constant 0 : i32
    %dma_wait3A_46 = tpu.memref_slice %arg2[%arg0, %arg1, %dma_wait3A_39, %dma_wait3A_44, %dma_wait3A_45] : memref<2x16x2x63x80xi32, #tpu.memory_space<hbm>> -> memref<1x1x1x63x80xi32, #tpu.memory_space<hbm>>
    %dma_wait3A_47 = tpu.memref_squeeze %dma_wait3A_46 : memref<1x1x1x63x80xi32, #tpu.memory_space<hbm>> -> memref<63x80xi32, #tpu.memory_space<hbm>>
    tpu.wait_dma2 semaphore(%arg8 : memref<!tpu.dma_semaphore, #tpu.memory_space<semaphore_mem>>) src(%dma_wait3A_47 : memref<63x80xi32, #tpu.memory_space<hbm>>) dst(%arg5 : memref<63x80xi32, #tpu.memory_space<vmem>>)
    %scan3A_48 = arith.constant 0 : i32
    %scan3A_49 = arith.constant 0 : i32
    %scan3A_50 = arith.constant 315 : i32
    %scan3A_51 = arith.addi %scan3A_49, %scan3A_50 : i32
    %scan3A_52 = arith.constant 1 : i32
    scf.for %scan3A_55 = %scan3A_49 to %scan3A_51 step %scan3A_52  : i32 {
      %jit3A = arith.constant 5 : i32
      %div3A = arith.divsi %scan3A_55, %jit3A : i32
      %sign3A = arith.constant 0 : i32
      %sign3A_56 = arith.cmpi sgt, %scan3A_55, %sign3A : i32
      %sign3A_57 = arith.extui %sign3A_56 : i1 to i32
      %sign3A_58 = arith.constant 0 : i32
      %sign3A_59 = arith.cmpi slt, %scan3A_55, %sign3A_58 : i32
      %sign3A_60 = arith.extui %sign3A_59 : i1 to i32
      %sign3A_61 = arith.subi %sign3A_57, %sign3A_60 : i32
      %sign3A_62 = arith.constant 0 : i32
      %sign3A_63 = arith.cmpi sgt, %jit3A, %sign3A_62 : i32
      %sign3A_64 = arith.extui %sign3A_63 : i1 to i32
      %sign3A_65 = arith.constant 0 : i32
      %sign3A_66 = arith.cmpi slt, %jit3A, %sign3A_65 : i32
      %sign3A_67 = arith.extui %sign3A_66 : i1 to i32
      %sign3A_68 = arith.subi %sign3A_64, %sign3A_67 : i32
      %ne3A = arith.cmpi ne, %sign3A_61, %sign3A_68 : i32
      %rem3A = arith.remsi %scan3A_55, %jit3A : i32
      %ne3A_69 = arith.constant 0 : i32
      %ne3A_70 = arith.cmpi ne, %rem3A, %ne3A_69 : i32
      %and3A = arith.andi %ne3A, %ne3A_70 : i1
      %sub3A = arith.constant 1 : i32
      %sub3A_71 = arith.subi %div3A, %sub3A : i32
      %select_n3A = arith.select %and3A, %sub3A_71, %div3A : i32
      %jit3A_72 = arith.constant 5 : i32
      %eq3A = arith.constant 0 : i32
      %eq3A_73 = arith.cmpi eq, %jit3A_72, %eq3A : i32
      %jit3A_74 = arith.constant 1 : i32
      %select_n3A_75 = arith.select %eq3A_73, %jit3A_74, %jit3A_72 : i32
      %rem3A_76 = arith.remsi %scan3A_55, %select_n3A_75 : i32
      %ne3A_77 = arith.constant 0 : i32
      %ne3A_78 = arith.cmpi ne, %rem3A_76, %ne3A_77 : i32
      %lt3A = arith.constant 0 : i32
      %lt3A_79 = arith.cmpi slt, %rem3A_76, %lt3A : i32
      %lt3A_80 = arith.constant 0 : i32
      %lt3A_81 = arith.cmpi slt, %select_n3A_75, %lt3A_80 : i32
      %ne3A_82 = arith.xori %lt3A_79, %lt3A_81 : i1
      %and3A_83 = arith.andi %ne3A_82, %ne3A_78 : i1
      %add3A_84 = arith.addi %rem3A_76, %select_n3A_75 : i32
      %select_n3A_85 = arith.select %and3A_83, %add3A_84, %rem3A_76 : i32
      %mul3A_86 = arith.constant 16 : i32
      %mul3A_87 = arith.muli %select_n3A_85, %mul3A_86 : i32
      %get3A = arith.index_cast %select_n3A : i32 to index
      %get3A_88 = arith.index_cast %mul3A_87 : i32 to index
      %get3A_89 = tpu.vector_load %arg5[%get3A, %get3A_88] {strides = array<i32>} : memref<63x80xi32, #tpu.memory_space<vmem>>, vector<16xi32>,
      tpu.vector_store_idx %arg6[%get3A_89], %broadcast_in_dim3A_15 {add = true} : memref<10112xf32, #tpu.memory_space<vmem>>[vector<16xi32>], vector<16xf32>,
    }
    %scan3A_53 = arith.constant 315 : i32
    %mul3A = arith.constant 2 : i32
    %mul3A_54 = arith.muli %arg1, %mul3A : i32
    %add3A = arith.addi %mul3A_54, %arg0 : i32
    "tpu.region"() ({
      %run_scoped3A = tpu.sem_alloc : memref<!tpu.dma_semaphore, #tpu.memory_space<semaphore_mem>>
      %dma_start3A_55 = arith.constant 0 : i32
      %dma_start3A_56 = tpu.memref_slice %arg3[%add3A, %dma_start3A_55] : memref<32x10112xf32, #tpu.memory_space<hbm>> -> memref<1x10112xf32, #tpu.memory_space<hbm>>
      %dma_start3A_57 = tpu.memref_squeeze %dma_start3A_56 : memref<1x10112xf32, #tpu.memory_space<hbm>> -> memref<10112xf32, #tpu.memory_space<hbm>>
      %dma_start3A_58 = arith.constant 0 : i32
      %dma_start3A_59 = tpu.memref_slice %arg3[%add3A, %dma_start3A_58] : memref<32x10112xf32, #tpu.memory_space<hbm>> -> memref<1x10112xf32, #tpu.memory_space<hbm>>
      %dma_start3A_60 = tpu.memref_squeeze %dma_start3A_59 : memref<1x10112xf32, #tpu.memory_space<hbm>> -> memref<10112xf32, #tpu.memory_space<hbm>>
      tpu.enqueue_dma source(%arg6 : memref<10112xf32, #tpu.memory_space<vmem>>) target(%dma_start3A_60 : memref<10112xf32, #tpu.memory_space<hbm>>) target_semaphore(%run_scoped3A : memref<!tpu.dma_semaphore, #tpu.memory_space<semaphore_mem>>)
      %dma_wait3A_61 = arith.constant 0 : i32
      %dma_wait3A_62 = tpu.memref_slice %arg3[%add3A, %dma_wait3A_61] : memref<32x10112xf32, #tpu.memory_space<hbm>> -> memref<1x10112xf32, #tpu.memory_space<hbm>>
      %dma_wait3A_63 = tpu.memref_squeeze %dma_wait3A_62 : memref<1x10112xf32, #tpu.memory_space<hbm>> -> memref<10112xf32, #tpu.memory_space<hbm>>
      %dma_wait3A_64 = arith.constant 0 : i32
      %dma_wait3A_65 = tpu.memref_slice %arg3[%add3A, %dma_wait3A_64] : memref<32x10112xf32, #tpu.memory_space<hbm>> -> memref<1x10112xf32, #tpu.memory_space<hbm>>
      %dma_wait3A_66 = tpu.memref_squeeze %dma_wait3A_65 : memref<1x10112xf32, #tpu.memory_space<hbm>> -> memref<10112xf32, #tpu.memory_space<hbm>>
      tpu.wait_dma2 semaphore(%run_scoped3A : memref<!tpu.dma_semaphore, #tpu.memory_space<semaphore_mem>>) src(%arg6 : memref<10112xf32, #tpu.memory_space<vmem>>) dst(%dma_wait3A_66 : memref<10112xf32, #tpu.memory_space<hbm>>)
      tpu.yield
    }) : () -> ()
    return
  }
}

#map = affine_map<(d0, d1) -> (0, 0)>
#map1 = affine_map<(d0, d1) -> (0, 0, 0, 0, 0)>
#map2 = affine_map<(d0, d1) -> (0, 0, 0)>
module attributes {stable_mosaic.version = 14 : i64} {
  func.func @sage_sc_aggregate(%arg0: i32, %arg1: i32, %arg2: memref<10000x128xf32, #tpu.memory_space<hbm>>, %arg3: memref<2x16x2x63x80xi32, #tpu.memory_space<hbm>>, %arg4: memref<2x16x2x63x80xi32, #tpu.memory_space<hbm>>, %arg5: memref<2x10112x128xf32, #tpu.memory_space<hbm>>, %arg6: memref<10112x128xf32, #tpu.memory_space<vmem_shared>>, %arg7: memref<63x80xi32, #tpu.memory_space<vmem>>, %arg8: memref<63x80xi32, #tpu.memory_space<vmem>>, %arg9: memref<80x128xf32, #tpu.memory_space<vmem>>, %arg10: memref<80x128xf32, #tpu.memory_space<vmem>>, %arg11: memref<80x128xf32, #tpu.memory_space<vmem>>, %arg12: memref<!tpu.dma_semaphore, #tpu.memory_space<semaphore_mem>>, %arg13: memref<!tpu.dma_semaphore, #tpu.memory_space<semaphore_mem>>, %arg14: memref<!tpu.dma_semaphore, #tpu.memory_space<semaphore_mem>>) attributes {dimension_semantics = [#tpu.dimension_semantics<core_parallel>, #tpu.dimension_semantics<subcore_parallel>], iteration_bounds = array<i64: 2, 16>, scalar_prefetch = 0 : i64, scratch_operands = 9 : i64, tpu.core_type = #tpu.core_type<sc_vector_subcore>, window_params = [{transform_indices = #map}, {transform_indices = #map1}, {transform_indices = #map1}, {transform_indices = #map2}]} {
    %run_scoped3A = arith.constant 0 : i32
    "tpu.region"() ({
      %run_scoped3A_93 = tpu.sem_alloc : memref<!tpu.dma_semaphore, #tpu.memory_space<semaphore_mem>>
      %dma_start3A_94 = arith.constant 0 : i32
      %dma_start3A_95 = arith.constant 0 : i32
      %dma_start3A_96 = tpu.memref_slice %arg3[%arg0, %arg1, %run_scoped3A, %dma_start3A_94, %dma_start3A_95] : memref<2x16x2x63x80xi32, #tpu.memory_space<hbm>> -> memref<1x1x1x63x80xi32, #tpu.memory_space<hbm>>
      %dma_start3A_97 = tpu.memref_squeeze %dma_start3A_96 : memref<1x1x1x63x80xi32, #tpu.memory_space<hbm>> -> memref<63x80xi32, #tpu.memory_space<hbm>>
      %dma_start3A_98 = arith.constant 0 : i32
      %dma_start3A_99 = arith.constant 0 : i32
      %dma_start3A_100 = tpu.memref_slice %arg3[%arg0, %arg1, %run_scoped3A, %dma_start3A_98, %dma_start3A_99] : memref<2x16x2x63x80xi32, #tpu.memory_space<hbm>> -> memref<1x1x1x63x80xi32, #tpu.memory_space<hbm>>
      %dma_start3A_101 = tpu.memref_squeeze %dma_start3A_100 : memref<1x1x1x63x80xi32, #tpu.memory_space<hbm>> -> memref<63x80xi32, #tpu.memory_space<hbm>>
      tpu.enqueue_dma source(%dma_start3A_101 : memref<63x80xi32, #tpu.memory_space<hbm>>) target(%arg7 : memref<63x80xi32, #tpu.memory_space<vmem>>) target_semaphore(%run_scoped3A_93 : memref<!tpu.dma_semaphore, #tpu.memory_space<semaphore_mem>>)
      %dma_wait3A_102 = arith.constant 0 : i32
      %dma_wait3A_103 = arith.constant 0 : i32
      %dma_wait3A_104 = tpu.memref_slice %arg3[%arg0, %arg1, %run_scoped3A, %dma_wait3A_102, %dma_wait3A_103] : memref<2x16x2x63x80xi32, #tpu.memory_space<hbm>> -> memref<1x1x1x63x80xi32, #tpu.memory_space<hbm>>
      %dma_wait3A_105 = tpu.memref_squeeze %dma_wait3A_104 : memref<1x1x1x63x80xi32, #tpu.memory_space<hbm>> -> memref<63x80xi32, #tpu.memory_space<hbm>>
      %dma_wait3A_106 = arith.constant 0 : i32
      %dma_wait3A_107 = arith.constant 0 : i32
      %dma_wait3A_108 = tpu.memref_slice %arg3[%arg0, %arg1, %run_scoped3A, %dma_wait3A_106, %dma_wait3A_107] : memref<2x16x2x63x80xi32, #tpu.memory_space<hbm>> -> memref<1x1x1x63x80xi32, #tpu.memory_space<hbm>>
      %dma_wait3A_109 = tpu.memref_squeeze %dma_wait3A_108 : memref<1x1x1x63x80xi32, #tpu.memory_space<hbm>> -> memref<63x80xi32, #tpu.memory_space<hbm>>
      tpu.wait_dma2 semaphore(%run_scoped3A_93 : memref<!tpu.dma_semaphore, #tpu.memory_space<semaphore_mem>>) src(%dma_wait3A_109 : memref<63x80xi32, #tpu.memory_space<hbm>>) dst(%arg7 : memref<63x80xi32, #tpu.memory_space<vmem>>)
      tpu.yield
    }) : () -> ()
    %run_scoped3A_0 = arith.constant 0 : i32
    "tpu.region"() ({
      %run_scoped3A_93 = tpu.sem_alloc : memref<!tpu.dma_semaphore, #tpu.memory_space<semaphore_mem>>
      %dma_start3A_94 = arith.constant 0 : i32
      %dma_start3A_95 = arith.constant 0 : i32
      %dma_start3A_96 = tpu.memref_slice %arg4[%arg0, %arg1, %run_scoped3A_0, %dma_start3A_94, %dma_start3A_95] : memref<2x16x2x63x80xi32, #tpu.memory_space<hbm>> -> memref<1x1x1x63x80xi32, #tpu.memory_space<hbm>>
      %dma_start3A_97 = tpu.memref_squeeze %dma_start3A_96 : memref<1x1x1x63x80xi32, #tpu.memory_space<hbm>> -> memref<63x80xi32, #tpu.memory_space<hbm>>
      %dma_start3A_98 = arith.constant 0 : i32
      %dma_start3A_99 = arith.constant 0 : i32
      %dma_start3A_100 = tpu.memref_slice %arg4[%arg0, %arg1, %run_scoped3A_0, %dma_start3A_98, %dma_start3A_99] : memref<2x16x2x63x80xi32, #tpu.memory_space<hbm>> -> memref<1x1x1x63x80xi32, #tpu.memory_space<hbm>>
      %dma_start3A_101 = tpu.memref_squeeze %dma_start3A_100 : memref<1x1x1x63x80xi32, #tpu.memory_space<hbm>> -> memref<63x80xi32, #tpu.memory_space<hbm>>
      tpu.enqueue_dma source(%dma_start3A_101 : memref<63x80xi32, #tpu.memory_space<hbm>>) target(%arg8 : memref<63x80xi32, #tpu.memory_space<vmem>>) target_semaphore(%run_scoped3A_93 : memref<!tpu.dma_semaphore, #tpu.memory_space<semaphore_mem>>)
      %dma_wait3A_102 = arith.constant 0 : i32
      %dma_wait3A_103 = arith.constant 0 : i32
      %dma_wait3A_104 = tpu.memref_slice %arg4[%arg0, %arg1, %run_scoped3A_0, %dma_wait3A_102, %dma_wait3A_103] : memref<2x16x2x63x80xi32, #tpu.memory_space<hbm>> -> memref<1x1x1x63x80xi32, #tpu.memory_space<hbm>>
      %dma_wait3A_105 = tpu.memref_squeeze %dma_wait3A_104 : memref<1x1x1x63x80xi32, #tpu.memory_space<hbm>> -> memref<63x80xi32, #tpu.memory_space<hbm>>
      %dma_wait3A_106 = arith.constant 0 : i32
      %dma_wait3A_107 = arith.constant 0 : i32
      %dma_wait3A_108 = tpu.memref_slice %arg4[%arg0, %arg1, %run_scoped3A_0, %dma_wait3A_106, %dma_wait3A_107] : memref<2x16x2x63x80xi32, #tpu.memory_space<hbm>> -> memref<1x1x1x63x80xi32, #tpu.memory_space<hbm>>
      %dma_wait3A_109 = tpu.memref_squeeze %dma_wait3A_108 : memref<1x1x1x63x80xi32, #tpu.memory_space<hbm>> -> memref<63x80xi32, #tpu.memory_space<hbm>>
      tpu.wait_dma2 semaphore(%run_scoped3A_93 : memref<!tpu.dma_semaphore, #tpu.memory_space<semaphore_mem>>) src(%dma_wait3A_109 : memref<63x80xi32, #tpu.memory_space<hbm>>) dst(%arg8 : memref<63x80xi32, #tpu.memory_space<vmem>>)
      tpu.yield
    }) : () -> ()
    %dma_start3A = arith.constant 0 : i32
    %dma_start3A_1 = arith.constant 0 : i32
    %dma_start3A_2 = tpu.memref_slice %arg7[%dma_start3A, %dma_start3A_1] : memref<63x80xi32, #tpu.memory_space<vmem>> -> memref<1x80xi32, #tpu.memory_space<vmem>>
    %dma_start3A_3 = tpu.memref_squeeze %dma_start3A_2 : memref<1x80xi32, #tpu.memory_space<vmem>> -> memref<80xi32, #tpu.memory_space<vmem>>
    %dma_start3A_4 = arith.constant 0 : i32
    %dma_start3A_5 = arith.constant 0 : i32
    %dma_start3A_6 = tpu.memref_slice %arg2[%dma_start3A_4, %dma_start3A_5] : memref<10000x128xf32, #tpu.memory_space<hbm>> -> memref<10000x128xf32, #tpu.memory_space<hbm>>
    tpu.enqueue_indirect_dma source(%dma_start3A_6 : memref<10000x128xf32, #tpu.memory_space<hbm>>) target(%arg9 : memref<80x128xf32, #tpu.memory_space<vmem>>) offsets(%dma_start3A_3 : memref<80xi32, #tpu.memory_space<vmem>>) semaphore(%arg12 : memref<!tpu.dma_semaphore, #tpu.memory_space<semaphore_mem>>)
    %dma_start3A_7 = arith.constant 1 : i32
    %dma_start3A_8 = arith.constant 0 : i32
    %dma_start3A_9 = tpu.memref_slice %arg7[%dma_start3A_7, %dma_start3A_8] : memref<63x80xi32, #tpu.memory_space<vmem>> -> memref<1x80xi32, #tpu.memory_space<vmem>>
    %dma_start3A_10 = tpu.memref_squeeze %dma_start3A_9 : memref<1x80xi32, #tpu.memory_space<vmem>> -> memref<80xi32, #tpu.memory_space<vmem>>
    %dma_start3A_11 = arith.constant 0 : i32
    %dma_start3A_12 = arith.constant 0 : i32
    %dma_start3A_13 = tpu.memref_slice %arg2[%dma_start3A_11, %dma_start3A_12] : memref<10000x128xf32, #tpu.memory_space<hbm>> -> memref<10000x128xf32, #tpu.memory_space<hbm>>
    tpu.enqueue_indirect_dma source(%dma_start3A_13 : memref<10000x128xf32, #tpu.memory_space<hbm>>) target(%arg10 : memref<80x128xf32, #tpu.memory_space<vmem>>) offsets(%dma_start3A_10 : memref<80xi32, #tpu.memory_space<vmem>>) semaphore(%arg13 : memref<!tpu.dma_semaphore, #tpu.memory_space<semaphore_mem>>)
    %broadcast_in_dim3A = arith.constant 0.000000e+00 : f32
    %broadcast_in_dim3A_14 = vector.broadcast %broadcast_in_dim3A : f32 to vector<16xf32>
    %scan3A = arith.constant 0 : i32
    %scan3A_15 = arith.constant 0 : i32
    %scan3A_16 = arith.constant 80 : i32
    %scan3A_17 = arith.addi %scan3A_15, %scan3A_16 : i32
    %scan3A_18 = arith.constant 1 : i32
    scf.for %scan3A_93 = %scan3A_15 to %scan3A_17 step %scan3A_18  : i32 {
      %swap3A = arith.index_cast %scan3A_93 : i32 to index
      %swap3A_94 = arith.constant 0 : index
      %swap3A_95 = tpu.vector_load %arg11[%swap3A, %swap3A_94] {strides = array<i32>} : memref<80x128xf32, #tpu.memory_space<vmem>>, vector<16xf32>,
      tpu.vector_store %arg11[%swap3A, %swap3A_94], %broadcast_in_dim3A_14 {strides = array<i32>} : memref<80x128xf32, #tpu.memory_space<vmem>>, vector<16xf32>,
      %swap3A_96 = arith.index_cast %scan3A_93 : i32 to index
      %swap3A_97 = arith.constant 16 : index
      %swap3A_98 = tpu.vector_load %arg11[%swap3A_96, %swap3A_97] {strides = array<i32>} : memref<80x128xf32, #tpu.memory_space<vmem>>, vector<16xf32>,
      tpu.vector_store %arg11[%swap3A_96, %swap3A_97], %broadcast_in_dim3A_14 {strides = array<i32>} : memref<80x128xf32, #tpu.memory_space<vmem>>, vector<16xf32>,
      %swap3A_99 = arith.index_cast %scan3A_93 : i32 to index
      %swap3A_100 = arith.constant 32 : index
      %swap3A_101 = tpu.vector_load %arg11[%swap3A_99, %swap3A_100] {strides = array<i32>} : memref<80x128xf32, #tpu.memory_space<vmem>>, vector<16xf32>,
      tpu.vector_store %arg11[%swap3A_99, %swap3A_100], %broadcast_in_dim3A_14 {strides = array<i32>} : memref<80x128xf32, #tpu.memory_space<vmem>>, vector<16xf32>,
      %swap3A_102 = arith.index_cast %scan3A_93 : i32 to index
      %swap3A_103 = arith.constant 48 : index
      %swap3A_104 = tpu.vector_load %arg11[%swap3A_102, %swap3A_103] {strides = array<i32>} : memref<80x128xf32, #tpu.memory_space<vmem>>, vector<16xf32>,
      tpu.vector_store %arg11[%swap3A_102, %swap3A_103], %broadcast_in_dim3A_14 {strides = array<i32>} : memref<80x128xf32, #tpu.memory_space<vmem>>, vector<16xf32>,
      %swap3A_105 = arith.index_cast %scan3A_93 : i32 to index
      %swap3A_106 = arith.constant 64 : index
      %swap3A_107 = tpu.vector_load %arg11[%swap3A_105, %swap3A_106] {strides = array<i32>} : memref<80x128xf32, #tpu.memory_space<vmem>>, vector<16xf32>,
      tpu.vector_store %arg11[%swap3A_105, %swap3A_106], %broadcast_in_dim3A_14 {strides = array<i32>} : memref<80x128xf32, #tpu.memory_space<vmem>>, vector<16xf32>,
      %swap3A_108 = arith.index_cast %scan3A_93 : i32 to index
      %swap3A_109 = arith.constant 80 : index
      %swap3A_110 = tpu.vector_load %arg11[%swap3A_108, %swap3A_109] {strides = array<i32>} : memref<80x128xf32, #tpu.memory_space<vmem>>, vector<16xf32>,
      tpu.vector_store %arg11[%swap3A_108, %swap3A_109], %broadcast_in_dim3A_14 {strides = array<i32>} : memref<80x128xf32, #tpu.memory_space<vmem>>, vector<16xf32>,
      %swap3A_111 = arith.index_cast %scan3A_93 : i32 to index
      %swap3A_112 = arith.constant 96 : index
      %swap3A_113 = tpu.vector_load %arg11[%swap3A_111, %swap3A_112] {strides = array<i32>} : memref<80x128xf32, #tpu.memory_space<vmem>>, vector<16xf32>,
      tpu.vector_store %arg11[%swap3A_111, %swap3A_112], %broadcast_in_dim3A_14 {strides = array<i32>} : memref<80x128xf32, #tpu.memory_space<vmem>>, vector<16xf32>,
      %swap3A_114 = arith.index_cast %scan3A_93 : i32 to index
      %swap3A_115 = arith.constant 112 : index
      %swap3A_116 = tpu.vector_load %arg11[%swap3A_114, %swap3A_115] {strides = array<i32>} : memref<80x128xf32, #tpu.memory_space<vmem>>, vector<16xf32>,
      tpu.vector_store %arg11[%swap3A_114, %swap3A_115], %broadcast_in_dim3A_14 {strides = array<i32>} : memref<80x128xf32, #tpu.memory_space<vmem>>, vector<16xf32>,
    }
    %scan3A_19 = arith.constant 80 : i32
    %mul3A = arith.constant 632 : i32
    %mul3A_20 = arith.muli %arg1, %mul3A : i32
    %add3A = arith.constant 0 : i32
    %add3A_21 = arith.addi %mul3A_20, %add3A : i32
    "tpu.region"() ({
      %run_scoped3A_93 = tpu.sem_alloc : memref<!tpu.dma_semaphore, #tpu.memory_space<semaphore_mem>>
      %dma_start3A_94 = arith.constant 0 : i32
      %dma_start3A_95 = tpu.memref_slice %arg6[%add3A_21, %dma_start3A_94] : memref<10112x128xf32, #tpu.memory_space<vmem_shared>> -> memref<80x128xf32, #tpu.memory_space<vmem_shared>>
      %dma_start3A_96 = arith.constant 0 : i32
      %dma_start3A_97 = tpu.memref_slice %arg6[%add3A_21, %dma_start3A_96] : memref<10112x128xf32, #tpu.memory_space<vmem_shared>> -> memref<80x128xf32, #tpu.memory_space<vmem_shared>>
      tpu.enqueue_dma source(%arg11 : memref<80x128xf32, #tpu.memory_space<vmem>>) target(%dma_start3A_97 : memref<80x128xf32, #tpu.memory_space<vmem_shared>>) target_semaphore(%run_scoped3A_93 : memref<!tpu.dma_semaphore, #tpu.memory_space<semaphore_mem>>)
      %dma_wait3A_98 = arith.constant 0 : i32
      %dma_wait3A_99 = tpu.memref_slice %arg6[%add3A_21, %dma_wait3A_98] : memref<10112x128xf32, #tpu.memory_space<vmem_shared>> -> memref<80x128xf32, #tpu.memory_space<vmem_shared>>
      %dma_wait3A_100 = arith.constant 0 : i32
      %dma_wait3A_101 = tpu.memref_slice %arg6[%add3A_21, %dma_wait3A_100] : memref<10112x128xf32, #tpu.memory_space<vmem_shared>> -> memref<80x128xf32, #tpu.memory_space<vmem_shared>>
      tpu.wait_dma2 semaphore(%run_scoped3A_93 : memref<!tpu.dma_semaphore, #tpu.memory_space<semaphore_mem>>) src(%arg11 : memref<80x128xf32, #tpu.memory_space<vmem>>) dst(%dma_wait3A_101 : memref<80x128xf32, #tpu.memory_space<vmem_shared>>)
      tpu.yield
    }) : () -> ()
    %add3A_22 = arith.constant 80 : i32
    %add3A_23 = arith.addi %mul3A_20, %add3A_22 : i32
    "tpu.region"() ({
      %run_scoped3A_93 = tpu.sem_alloc : memref<!tpu.dma_semaphore, #tpu.memory_space<semaphore_mem>>
      %dma_start3A_94 = arith.constant 0 : i32
      %dma_start3A_95 = tpu.memref_slice %arg6[%add3A_23, %dma_start3A_94] : memref<10112x128xf32, #tpu.memory_space<vmem_shared>> -> memref<80x128xf32, #tpu.memory_space<vmem_shared>>
      %dma_start3A_96 = arith.constant 0 : i32
      %dma_start3A_97 = tpu.memref_slice %arg6[%add3A_23, %dma_start3A_96] : memref<10112x128xf32, #tpu.memory_space<vmem_shared>> -> memref<80x128xf32, #tpu.memory_space<vmem_shared>>
      tpu.enqueue_dma source(%arg11 : memref<80x128xf32, #tpu.memory_space<vmem>>) target(%dma_start3A_97 : memref<80x128xf32, #tpu.memory_space<vmem_shared>>) target_semaphore(%run_scoped3A_93 : memref<!tpu.dma_semaphore, #tpu.memory_space<semaphore_mem>>)
      %dma_wait3A_98 = arith.constant 0 : i32
      %dma_wait3A_99 = tpu.memref_slice %arg6[%add3A_23, %dma_wait3A_98] : memref<10112x128xf32, #tpu.memory_space<vmem_shared>> -> memref<80x128xf32, #tpu.memory_space<vmem_shared>>
      %dma_wait3A_100 = arith.constant 0 : i32
      %dma_wait3A_101 = tpu.memref_slice %arg6[%add3A_23, %dma_wait3A_100] : memref<10112x128xf32, #tpu.memory_space<vmem_shared>> -> memref<80x128xf32, #tpu.memory_space<vmem_shared>>
      tpu.wait_dma2 semaphore(%run_scoped3A_93 : memref<!tpu.dma_semaphore, #tpu.memory_space<semaphore_mem>>) src(%arg11 : memref<80x128xf32, #tpu.memory_space<vmem>>) dst(%dma_wait3A_101 : memref<80x128xf32, #tpu.memory_space<vmem_shared>>)
      tpu.yield
    }) : () -> ()
    %add3A_24 = arith.constant 160 : i32
    %add3A_25 = arith.addi %mul3A_20, %add3A_24 : i32
    "tpu.region"() ({
      %run_scoped3A_93 = tpu.sem_alloc : memref<!tpu.dma_semaphore, #tpu.memory_space<semaphore_mem>>
      %dma_start3A_94 = arith.constant 0 : i32
      %dma_start3A_95 = tpu.memref_slice %arg6[%add3A_25, %dma_start3A_94] : memref<10112x128xf32, #tpu.memory_space<vmem_shared>> -> memref<80x128xf32, #tpu.memory_space<vmem_shared>>
      %dma_start3A_96 = arith.constant 0 : i32
      %dma_start3A_97 = tpu.memref_slice %arg6[%add3A_25, %dma_start3A_96] : memref<10112x128xf32, #tpu.memory_space<vmem_shared>> -> memref<80x128xf32, #tpu.memory_space<vmem_shared>>
      tpu.enqueue_dma source(%arg11 : memref<80x128xf32, #tpu.memory_space<vmem>>) target(%dma_start3A_97 : memref<80x128xf32, #tpu.memory_space<vmem_shared>>) target_semaphore(%run_scoped3A_93 : memref<!tpu.dma_semaphore, #tpu.memory_space<semaphore_mem>>)
      %dma_wait3A_98 = arith.constant 0 : i32
      %dma_wait3A_99 = tpu.memref_slice %arg6[%add3A_25, %dma_wait3A_98] : memref<10112x128xf32, #tpu.memory_space<vmem_shared>> -> memref<80x128xf32, #tpu.memory_space<vmem_shared>>
      %dma_wait3A_100 = arith.constant 0 : i32
      %dma_wait3A_101 = tpu.memref_slice %arg6[%add3A_25, %dma_wait3A_100] : memref<10112x128xf32, #tpu.memory_space<vmem_shared>> -> memref<80x128xf32, #tpu.memory_space<vmem_shared>>
      tpu.wait_dma2 semaphore(%run_scoped3A_93 : memref<!tpu.dma_semaphore, #tpu.memory_space<semaphore_mem>>) src(%arg11 : memref<80x128xf32, #tpu.memory_space<vmem>>) dst(%dma_wait3A_101 : memref<80x128xf32, #tpu.memory_space<vmem_shared>>)
      tpu.yield
    }) : () -> ()
    %add3A_26 = arith.constant 240 : i32
    %add3A_27 = arith.addi %mul3A_20, %add3A_26 : i32
    "tpu.region"() ({
      %run_scoped3A_93 = tpu.sem_alloc : memref<!tpu.dma_semaphore, #tpu.memory_space<semaphore_mem>>
      %dma_start3A_94 = arith.constant 0 : i32
      %dma_start3A_95 = tpu.memref_slice %arg6[%add3A_27, %dma_start3A_94] : memref<10112x128xf32, #tpu.memory_space<vmem_shared>> -> memref<80x128xf32, #tpu.memory_space<vmem_shared>>
      %dma_start3A_96 = arith.constant 0 : i32
      %dma_start3A_97 = tpu.memref_slice %arg6[%add3A_27, %dma_start3A_96] : memref<10112x128xf32, #tpu.memory_space<vmem_shared>> -> memref<80x128xf32, #tpu.memory_space<vmem_shared>>
      tpu.enqueue_dma source(%arg11 : memref<80x128xf32, #tpu.memory_space<vmem>>) target(%dma_start3A_97 : memref<80x128xf32, #tpu.memory_space<vmem_shared>>) target_semaphore(%run_scoped3A_93 : memref<!tpu.dma_semaphore, #tpu.memory_space<semaphore_mem>>)
      %dma_wait3A_98 = arith.constant 0 : i32
      %dma_wait3A_99 = tpu.memref_slice %arg6[%add3A_27, %dma_wait3A_98] : memref<10112x128xf32, #tpu.memory_space<vmem_shared>> -> memref<80x128xf32, #tpu.memory_space<vmem_shared>>
      %dma_wait3A_100 = arith.constant 0 : i32
      %dma_wait3A_101 = tpu.memref_slice %arg6[%add3A_27, %dma_wait3A_100] : memref<10112x128xf32, #tpu.memory_space<vmem_shared>> -> memref<80x128xf32, #tpu.memory_space<vmem_shared>>
      tpu.wait_dma2 semaphore(%run_scoped3A_93 : memref<!tpu.dma_semaphore, #tpu.memory_space<semaphore_mem>>) src(%arg11 : memref<80x128xf32, #tpu.memory_space<vmem>>) dst(%dma_wait3A_101 : memref<80x128xf32, #tpu.memory_space<vmem_shared>>)
      tpu.yield
    }) : () -> ()
    %add3A_28 = arith.constant 320 : i32
    %add3A_29 = arith.addi %mul3A_20, %add3A_28 : i32
    "tpu.region"() ({
      %run_scoped3A_93 = tpu.sem_alloc : memref<!tpu.dma_semaphore, #tpu.memory_space<semaphore_mem>>
      %dma_start3A_94 = arith.constant 0 : i32
      %dma_start3A_95 = tpu.memref_slice %arg6[%add3A_29, %dma_start3A_94] : memref<10112x128xf32, #tpu.memory_space<vmem_shared>> -> memref<80x128xf32, #tpu.memory_space<vmem_shared>>
      %dma_start3A_96 = arith.constant 0 : i32
      %dma_start3A_97 = tpu.memref_slice %arg6[%add3A_29, %dma_start3A_96] : memref<10112x128xf32, #tpu.memory_space<vmem_shared>> -> memref<80x128xf32, #tpu.memory_space<vmem_shared>>
      tpu.enqueue_dma source(%arg11 : memref<80x128xf32, #tpu.memory_space<vmem>>) target(%dma_start3A_97 : memref<80x128xf32, #tpu.memory_space<vmem_shared>>) target_semaphore(%run_scoped3A_93 : memref<!tpu.dma_semaphore, #tpu.memory_space<semaphore_mem>>)
      %dma_wait3A_98 = arith.constant 0 : i32
      %dma_wait3A_99 = tpu.memref_slice %arg6[%add3A_29, %dma_wait3A_98] : memref<10112x128xf32, #tpu.memory_space<vmem_shared>> -> memref<80x128xf32, #tpu.memory_space<vmem_shared>>
      %dma_wait3A_100 = arith.constant 0 : i32
      %dma_wait3A_101 = tpu.memref_slice %arg6[%add3A_29, %dma_wait3A_100] : memref<10112x128xf32, #tpu.memory_space<vmem_shared>> -> memref<80x128xf32, #tpu.memory_space<vmem_shared>>
      tpu.wait_dma2 semaphore(%run_scoped3A_93 : memref<!tpu.dma_semaphore, #tpu.memory_space<semaphore_mem>>) src(%arg11 : memref<80x128xf32, #tpu.memory_space<vmem>>) dst(%dma_wait3A_101 : memref<80x128xf32, #tpu.memory_space<vmem_shared>>)
      tpu.yield
    }) : () -> ()
    %add3A_30 = arith.constant 400 : i32
    %add3A_31 = arith.addi %mul3A_20, %add3A_30 : i32
    "tpu.region"() ({
      %run_scoped3A_93 = tpu.sem_alloc : memref<!tpu.dma_semaphore, #tpu.memory_space<semaphore_mem>>
      %dma_start3A_94 = arith.constant 0 : i32
      %dma_start3A_95 = tpu.memref_slice %arg6[%add3A_31, %dma_start3A_94] : memref<10112x128xf32, #tpu.memory_space<vmem_shared>> -> memref<80x128xf32, #tpu.memory_space<vmem_shared>>
      %dma_start3A_96 = arith.constant 0 : i32
      %dma_start3A_97 = tpu.memref_slice %arg6[%add3A_31, %dma_start3A_96] : memref<10112x128xf32, #tpu.memory_space<vmem_shared>> -> memref<80x128xf32, #tpu.memory_space<vmem_shared>>
      tpu.enqueue_dma source(%arg11 : memref<80x128xf32, #tpu.memory_space<vmem>>) target(%dma_start3A_97 : memref<80x128xf32, #tpu.memory_space<vmem_shared>>) target_semaphore(%run_scoped3A_93 : memref<!tpu.dma_semaphore, #tpu.memory_space<semaphore_mem>>)
      %dma_wait3A_98 = arith.constant 0 : i32
      %dma_wait3A_99 = tpu.memref_slice %arg6[%add3A_31, %dma_wait3A_98] : memref<10112x128xf32, #tpu.memory_space<vmem_shared>> -> memref<80x128xf32, #tpu.memory_space<vmem_shared>>
      %dma_wait3A_100 = arith.constant 0 : i32
      %dma_wait3A_101 = tpu.memref_slice %arg6[%add3A_31, %dma_wait3A_100] : memref<10112x128xf32, #tpu.memory_space<vmem_shared>> -> memref<80x128xf32, #tpu.memory_space<vmem_shared>>
      tpu.wait_dma2 semaphore(%run_scoped3A_93 : memref<!tpu.dma_semaphore, #tpu.memory_space<semaphore_mem>>) src(%arg11 : memref<80x128xf32, #tpu.memory_space<vmem>>) dst(%dma_wait3A_101 : memref<80x128xf32, #tpu.memory_space<vmem_shared>>)
      tpu.yield
    }) : () -> ()
    %add3A_32 = arith.constant 480 : i32
    %add3A_33 = arith.addi %mul3A_20, %add3A_32 : i32
    "tpu.region"() ({
      %run_scoped3A_93 = tpu.sem_alloc : memref<!tpu.dma_semaphore, #tpu.memory_space<semaphore_mem>>
      %dma_start3A_94 = arith.constant 0 : i32
      %dma_start3A_95 = tpu.memref_slice %arg6[%add3A_33, %dma_start3A_94] : memref<10112x128xf32, #tpu.memory_space<vmem_shared>> -> memref<80x128xf32, #tpu.memory_space<vmem_shared>>
      %dma_start3A_96 = arith.constant 0 : i32
      %dma_start3A_97 = tpu.memref_slice %arg6[%add3A_33, %dma_start3A_96] : memref<10112x128xf32, #tpu.memory_space<vmem_shared>> -> memref<80x128xf32, #tpu.memory_space<vmem_shared>>
      tpu.enqueue_dma source(%arg11 : memref<80x128xf32, #tpu.memory_space<vmem>>) target(%dma_start3A_97 : memref<80x128xf32, #tpu.memory_space<vmem_shared>>) target_semaphore(%run_scoped3A_93 : memref<!tpu.dma_semaphore, #tpu.memory_space<semaphore_mem>>)
      %dma_wait3A_98 = arith.constant 0 : i32
      %dma_wait3A_99 = tpu.memref_slice %arg6[%add3A_33, %dma_wait3A_98] : memref<10112x128xf32, #tpu.memory_space<vmem_shared>> -> memref<80x128xf32, #tpu.memory_space<vmem_shared>>
      %dma_wait3A_100 = arith.constant 0 : i32
      %dma_wait3A_101 = tpu.memref_slice %arg6[%add3A_33, %dma_wait3A_100] : memref<10112x128xf32, #tpu.memory_space<vmem_shared>> -> memref<80x128xf32, #tpu.memory_space<vmem_shared>>
      tpu.wait_dma2 semaphore(%run_scoped3A_93 : memref<!tpu.dma_semaphore, #tpu.memory_space<semaphore_mem>>) src(%arg11 : memref<80x128xf32, #tpu.memory_space<vmem>>) dst(%dma_wait3A_101 : memref<80x128xf32, #tpu.memory_space<vmem_shared>>)
      tpu.yield
    }) : () -> ()
    %add3A_34 = arith.constant 632 : i32
    %add3A_35 = arith.addi %mul3A_20, %add3A_34 : i32
    %sub3A = arith.constant 72 : i32
    %sub3A_36 = arith.subi %add3A_35, %sub3A : i32
    "tpu.region"() ({
      %run_scoped3A_93 = tpu.sem_alloc : memref<!tpu.dma_semaphore, #tpu.memory_space<semaphore_mem>>
      %dma_start3A_94 = arith.constant 0 : i32
      %dma_start3A_95 = arith.constant 0 : i32
      %dma_start3A_96 = tpu.memref_slice %arg11[%dma_start3A_94, %dma_start3A_95] : memref<80x128xf32, #tpu.memory_space<vmem>> -> memref<72x128xf32, #tpu.memory_space<vmem>>
      %dma_start3A_97 = arith.constant 0 : i32
      %dma_start3A_98 = tpu.memref_slice %arg6[%sub3A_36, %dma_start3A_97] : memref<10112x128xf32, #tpu.memory_space<vmem_shared>> -> memref<72x128xf32, #tpu.memory_space<vmem_shared>>
      %dma_start3A_99 = arith.constant 0 : i32
      %dma_start3A_100 = tpu.memref_slice %arg6[%sub3A_36, %dma_start3A_99] : memref<10112x128xf32, #tpu.memory_space<vmem_shared>> -> memref<72x128xf32, #tpu.memory_space<vmem_shared>>
      %dma_start3A_101 = arith.constant 0 : i32
      %dma_start3A_102 = arith.constant 0 : i32
      %dma_start3A_103 = tpu.memref_slice %arg11[%dma_start3A_101, %dma_start3A_102] : memref<80x128xf32, #tpu.memory_space<vmem>> -> memref<72x128xf32, #tpu.memory_space<vmem>>
      tpu.enqueue_dma source(%dma_start3A_103 : memref<72x128xf32, #tpu.memory_space<vmem>>) target(%dma_start3A_100 : memref<72x128xf32, #tpu.memory_space<vmem_shared>>) target_semaphore(%run_scoped3A_93 : memref<!tpu.dma_semaphore, #tpu.memory_space<semaphore_mem>>)
      %dma_wait3A_104 = arith.constant 0 : i32
      %dma_wait3A_105 = arith.constant 0 : i32
      %dma_wait3A_106 = tpu.memref_slice %arg11[%dma_wait3A_104, %dma_wait3A_105] : memref<80x128xf32, #tpu.memory_space<vmem>> -> memref<72x128xf32, #tpu.memory_space<vmem>>
      %dma_wait3A_107 = arith.constant 0 : i32
      %dma_wait3A_108 = tpu.memref_slice %arg6[%sub3A_36, %dma_wait3A_107] : memref<10112x128xf32, #tpu.memory_space<vmem_shared>> -> memref<72x128xf32, #tpu.memory_space<vmem_shared>>
      %dma_wait3A_109 = arith.constant 0 : i32
      %dma_wait3A_110 = tpu.memref_slice %arg6[%sub3A_36, %dma_wait3A_109] : memref<10112x128xf32, #tpu.memory_space<vmem_shared>> -> memref<72x128xf32, #tpu.memory_space<vmem_shared>>
      %dma_wait3A_111 = arith.constant 0 : i32
      %dma_wait3A_112 = arith.constant 0 : i32
      %dma_wait3A_113 = tpu.memref_slice %arg11[%dma_wait3A_111, %dma_wait3A_112] : memref<80x128xf32, #tpu.memory_space<vmem>> -> memref<72x128xf32, #tpu.memory_space<vmem>>
      tpu.wait_dma2 semaphore(%run_scoped3A_93 : memref<!tpu.dma_semaphore, #tpu.memory_space<semaphore_mem>>) src(%dma_wait3A_113 : memref<72x128xf32, #tpu.memory_space<vmem>>) dst(%dma_wait3A_110 : memref<72x128xf32, #tpu.memory_space<vmem_shared>>)
      tpu.yield
    }) : () -> ()
    %barrier3A = arith.constant 0 : index
    tpu.barrier barrier_id(%barrier3A)
    %scan3A_37 = arith.constant 0 : i32
    %scan3A_38 = arith.constant 0 : i32
    %scan3A_39 = arith.constant 21 : i32
    %scan3A_40 = arith.addi %scan3A_38, %scan3A_39 : i32
    %scan3A_41 = arith.constant 1 : i32
    scf.for %scan3A_93 = %scan3A_38 to %scan3A_40 step %scan3A_41  : i32 {
      %mul3A_94 = arith.constant 3 : i32
      %mul3A_95 = arith.muli %mul3A_94, %scan3A_93 : i32
      %add3A_96 = arith.constant 0 : i32
      %add3A_97 = arith.addi %mul3A_95, %add3A_96 : i32
      %add3A_98 = arith.constant 3 : i32
      %add3A_99 = arith.addi %add3A_97, %add3A_98 : i32
      %sub3A_100 = arith.constant 1 : i32
      %sub3A_101 = arith.subi %add3A_99, %sub3A_100 : i32
      %min3A = arith.constant 62 : i32
      %min3A_102 = arith.minsi %sub3A_101, %min3A : i32
      %dma_start3A_103 = arith.constant 0 : i32
      %dma_start3A_104 = tpu.memref_slice %arg7[%min3A_102, %dma_start3A_103] : memref<63x80xi32, #tpu.memory_space<vmem>> -> memref<1x80xi32, #tpu.memory_space<vmem>>
      %dma_start3A_105 = tpu.memref_squeeze %dma_start3A_104 : memref<1x80xi32, #tpu.memory_space<vmem>> -> memref<80xi32, #tpu.memory_space<vmem>>
      %dma_start3A_106 = arith.constant 0 : i32
      %dma_start3A_107 = arith.constant 0 : i32
      %dma_start3A_108 = tpu.memref_slice %arg2[%dma_start3A_106, %dma_start3A_107] : memref<10000x128xf32, #tpu.memory_space<hbm>> -> memref<10000x128xf32, #tpu.memory_space<hbm>>
      tpu.enqueue_indirect_dma source(%dma_start3A_108 : memref<10000x128xf32, #tpu.memory_space<hbm>>) target(%arg11 : memref<80x128xf32, #tpu.memory_space<vmem>>) offsets(%dma_start3A_105 : memref<80xi32, #tpu.memory_space<vmem>>) semaphore(%arg14 : memref<!tpu.dma_semaphore, #tpu.memory_space<semaphore_mem>>)
      %dma_wait3A_109 = arith.constant 0 : i32
      %dma_wait3A_110 = arith.constant 0 : i32
      %dma_wait3A_111 = tpu.memref_slice %arg7[%dma_wait3A_109, %dma_wait3A_110] : memref<63x80xi32, #tpu.memory_space<vmem>> -> memref<1x80xi32, #tpu.memory_space<vmem>>
      %dma_wait3A_112 = tpu.memref_squeeze %dma_wait3A_111 : memref<1x80xi32, #tpu.memory_space<vmem>> -> memref<80xi32, #tpu.memory_space<vmem>>
      %dma_wait3A_113 = arith.constant 0 : i32
      %dma_wait3A_114 = arith.constant 0 : i32
      %dma_wait3A_115 = tpu.memref_slice %arg2[%dma_wait3A_113, %dma_wait3A_114] : memref<10000x128xf32, #tpu.memory_space<hbm>> -> memref<10000x128xf32, #tpu.memory_space<hbm>>
      tpu.wait_indirect_dma semaphore(%arg12 : memref<!tpu.dma_semaphore, #tpu.memory_space<semaphore_mem>>) src(%dma_wait3A_115 : memref<10000x128xf32, #tpu.memory_space<hbm>>) dst(%arg9 : memref<80x128xf32, #tpu.memory_space<vmem>>)
      %add3A_116 = arith.constant 0 : i32
      %add3A_117 = arith.addi %mul3A_95, %add3A_116 : i32
      "tpu.region"() ({
        %run_scoped3A_164 = tpu.sem_alloc : memref<!tpu.dma_semaphore, #tpu.memory_space<semaphore_mem>>
        %dma_start3A_165 = arith.constant 0 : i32
        %dma_start3A_166 = tpu.memref_slice %arg8[%add3A_117, %dma_start3A_165] : memref<63x80xi32, #tpu.memory_space<vmem>> -> memref<1x80xi32, #tpu.memory_space<vmem>>
        %dma_start3A_167 = tpu.memref_squeeze %dma_start3A_166 : memref<1x80xi32, #tpu.memory_space<vmem>> -> memref<80xi32, #tpu.memory_space<vmem>>
        %dma_start3A_168 = arith.constant 0 : i32
        %dma_start3A_169 = arith.constant 0 : i32
        %dma_start3A_170 = tpu.memref_slice %arg6[%dma_start3A_168, %dma_start3A_169] : memref<10112x128xf32, #tpu.memory_space<vmem_shared>> -> memref<10112x128xf32, #tpu.memory_space<vmem_shared>>
        tpu.enqueue_indirect_dma source(%arg9 : memref<80x128xf32, #tpu.memory_space<vmem>>) target(%dma_start3A_170 : memref<10112x128xf32, #tpu.memory_space<vmem_shared>>) offsets(%dma_start3A_167 : memref<80xi32, #tpu.memory_space<vmem>>) semaphore(%run_scoped3A_164 : memref<!tpu.dma_semaphore, #tpu.memory_space<semaphore_mem>>) {add = true}
        %dma_wait3A_171 = arith.constant 0 : i32
        %dma_wait3A_172 = tpu.memref_slice %arg8[%add3A_117, %dma_wait3A_171] : memref<63x80xi32, #tpu.memory_space<vmem>> -> memref<1x80xi32, #tpu.memory_space<vmem>>
        %dma_wait3A_173 = tpu.memref_squeeze %dma_wait3A_172 : memref<1x80xi32, #tpu.memory_space<vmem>> -> memref<80xi32, #tpu.memory_space<vmem>>
        %dma_wait3A_174 = arith.constant 0 : i32
        %dma_wait3A_175 = arith.constant 0 : i32
        %dma_wait3A_176 = tpu.memref_slice %arg6[%dma_wait3A_174, %dma_wait3A_175] : memref<10112x128xf32, #tpu.memory_space<vmem_shared>> -> memref<10112x128xf32, #tpu.memory_space<vmem_shared>>
        tpu.wait_indirect_dma semaphore(%run_scoped3A_164 : memref<!tpu.dma_semaphore, #tpu.memory_space<semaphore_mem>>) src(%arg9 : memref<80x128xf32, #tpu.memory_space<vmem>>) dst(%dma_wait3A_176 : memref<10112x128xf32, #tpu.memory_space<vmem_shared>>)
        tpu.yield
      }) : () -> ()
      %add3A_118 = arith.constant 1 : i32
      %add3A_119 = arith.addi %mul3A_95, %add3A_118 : i32
      %add3A_120 = arith.constant 3 : i32
      %add3A_121 = arith.addi %add3A_119, %add3A_120 : i32
      %sub3A_122 = arith.constant 1 : i32
      %sub3A_123 = arith.subi %add3A_121, %sub3A_122 : i32
      %min3A_124 = arith.constant 62 : i32
      %min3A_125 = arith.minsi %sub3A_123, %min3A_124 : i32
      %dma_start3A_126 = arith.constant 0 : i32
      %dma_start3A_127 = tpu.memref_slice %arg7[%min3A_125, %dma_start3A_126] : memref<63x80xi32, #tpu.memory_space<vmem>> -> memref<1x80xi32, #tpu.memory_space<vmem>>
      %dma_start3A_128 = tpu.memref_squeeze %dma_start3A_127 : memref<1x80xi32, #tpu.memory_space<vmem>> -> memref<80xi32, #tpu.memory_space<vmem>>
      %dma_start3A_129 = arith.constant 0 : i32
      %dma_start3A_130 = arith.constant 0 : i32
      %dma_start3A_131 = tpu.memref_slice %arg2[%dma_start3A_129, %dma_start3A_130] : memref<10000x128xf32, #tpu.memory_space<hbm>> -> memref<10000x128xf32, #tpu.memory_space<hbm>>
      tpu.enqueue_indirect_dma source(%dma_start3A_131 : memref<10000x128xf32, #tpu.memory_space<hbm>>) target(%arg9 : memref<80x128xf32, #tpu.memory_space<vmem>>) offsets(%dma_start3A_128 : memref<80xi32, #tpu.memory_space<vmem>>) semaphore(%arg12 : memref<!tpu.dma_semaphore, #tpu.memory_space<semaphore_mem>>)
      %dma_wait3A_132 = arith.constant 0 : i32
      %dma_wait3A_133 = arith.constant 0 : i32
      %dma_wait3A_134 = tpu.memref_slice %arg7[%dma_wait3A_132, %dma_wait3A_133] : memref<63x80xi32, #tpu.memory_space<vmem>> -> memref<1x80xi32, #tpu.memory_space<vmem>>
      %dma_wait3A_135 = tpu.memref_squeeze %dma_wait3A_134 : memref<1x80xi32, #tpu.memory_space<vmem>> -> memref<80xi32, #tpu.memory_space<vmem>>
      %dma_wait3A_136 = arith.constant 0 : i32
      %dma_wait3A_137 = arith.constant 0 : i32
      %dma_wait3A_138 = tpu.memref_slice %arg2[%dma_wait3A_136, %dma_wait3A_137] : memref<10000x128xf32, #tpu.memory_space<hbm>> -> memref<10000x128xf32, #tpu.memory_space<hbm>>
      tpu.wait_indirect_dma semaphore(%arg13 : memref<!tpu.dma_semaphore, #tpu.memory_space<semaphore_mem>>) src(%dma_wait3A_138 : memref<10000x128xf32, #tpu.memory_space<hbm>>) dst(%arg10 : memref<80x128xf32, #tpu.memory_space<vmem>>)
      %add3A_139 = arith.constant 1 : i32
      %add3A_140 = arith.addi %mul3A_95, %add3A_139 : i32
      "tpu.region"() ({
        %run_scoped3A_164 = tpu.sem_alloc : memref<!tpu.dma_semaphore, #tpu.memory_space<semaphore_mem>>
        %dma_start3A_165 = arith.constant 0 : i32
        %dma_start3A_166 = tpu.memref_slice %arg8[%add3A_140, %dma_start3A_165] : memref<63x80xi32, #tpu.memory_space<vmem>> -> memref<1x80xi32, #tpu.memory_space<vmem>>
        %dma_start3A_167 = tpu.memref_squeeze %dma_start3A_166 : memref<1x80xi32, #tpu.memory_space<vmem>> -> memref<80xi32, #tpu.memory_space<vmem>>
        %dma_start3A_168 = arith.constant 0 : i32
        %dma_start3A_169 = arith.constant 0 : i32
        %dma_start3A_170 = tpu.memref_slice %arg6[%dma_start3A_168, %dma_start3A_169] : memref<10112x128xf32, #tpu.memory_space<vmem_shared>> -> memref<10112x128xf32, #tpu.memory_space<vmem_shared>>
        tpu.enqueue_indirect_dma source(%arg10 : memref<80x128xf32, #tpu.memory_space<vmem>>) target(%dma_start3A_170 : memref<10112x128xf32, #tpu.memory_space<vmem_shared>>) offsets(%dma_start3A_167 : memref<80xi32, #tpu.memory_space<vmem>>) semaphore(%run_scoped3A_164 : memref<!tpu.dma_semaphore, #tpu.memory_space<semaphore_mem>>) {add = true}
        %dma_wait3A_171 = arith.constant 0 : i32
        %dma_wait3A_172 = tpu.memref_slice %arg8[%add3A_140, %dma_wait3A_171] : memref<63x80xi32, #tpu.memory_space<vmem>> -> memref<1x80xi32, #tpu.memory_space<vmem>>
        %dma_wait3A_173 = tpu.memref_squeeze %dma_wait3A_172 : memref<1x80xi32, #tpu.memory_space<vmem>> -> memref<80xi32, #tpu.memory_space<vmem>>
        %dma_wait3A_174 = arith.constant 0 : i32
        %dma_wait3A_175 = arith.constant 0 : i32
        %dma_wait3A_176 = tpu.memref_slice %arg6[%dma_wait3A_174, %dma_wait3A_175] : memref<10112x128xf32, #tpu.memory_space<vmem_shared>> -> memref<10112x128xf32, #tpu.memory_space<vmem_shared>>
        tpu.wait_indirect_dma semaphore(%run_scoped3A_164 : memref<!tpu.dma_semaphore, #tpu.memory_space<semaphore_mem>>) src(%arg10 : memref<80x128xf32, #tpu.memory_space<vmem>>) dst(%dma_wait3A_176 : memref<10112x128xf32, #tpu.memory_space<vmem_shared>>)
        tpu.yield
      }) : () -> ()
      %add3A_141 = arith.constant 2 : i32
      %add3A_142 = arith.addi %mul3A_95, %add3A_141 : i32
      %add3A_143 = arith.constant 3 : i32
      %add3A_144 = arith.addi %add3A_142, %add3A_143 : i32
      %sub3A_145 = arith.constant 1 : i32
      %sub3A_146 = arith.subi %add3A_144, %sub3A_145 : i32
      %min3A_147 = arith.constant 62 : i32
      %min3A_148 = arith.minsi %sub3A_146, %min3A_147 : i32
      %dma_start3A_149 = arith.constant 0 : i32
      %dma_start3A_150 = tpu.memref_slice %arg7[%min3A_148, %dma_start3A_149] : memref<63x80xi32, #tpu.memory_space<vmem>> -> memref<1x80xi32, #tpu.memory_space<vmem>>
      %dma_start3A_151 = tpu.memref_squeeze %dma_start3A_150 : memref<1x80xi32, #tpu.memory_space<vmem>> -> memref<80xi32, #tpu.memory_space<vmem>>
      %dma_start3A_152 = arith.constant 0 : i32
      %dma_start3A_153 = arith.constant 0 : i32
      %dma_start3A_154 = tpu.memref_slice %arg2[%dma_start3A_152, %dma_start3A_153] : memref<10000x128xf32, #tpu.memory_space<hbm>> -> memref<10000x128xf32, #tpu.memory_space<hbm>>
      tpu.enqueue_indirect_dma source(%dma_start3A_154 : memref<10000x128xf32, #tpu.memory_space<hbm>>) target(%arg10 : memref<80x128xf32, #tpu.memory_space<vmem>>) offsets(%dma_start3A_151 : memref<80xi32, #tpu.memory_space<vmem>>) semaphore(%arg13 : memref<!tpu.dma_semaphore, #tpu.memory_space<semaphore_mem>>)
      %dma_wait3A_155 = arith.constant 0 : i32
      %dma_wait3A_156 = arith.constant 0 : i32
      %dma_wait3A_157 = tpu.memref_slice %arg7[%dma_wait3A_155, %dma_wait3A_156] : memref<63x80xi32, #tpu.memory_space<vmem>> -> memref<1x80xi32, #tpu.memory_space<vmem>>
      %dma_wait3A_158 = tpu.memref_squeeze %dma_wait3A_157 : memref<1x80xi32, #tpu.memory_space<vmem>> -> memref<80xi32, #tpu.memory_space<vmem>>
      %dma_wait3A_159 = arith.constant 0 : i32
      %dma_wait3A_160 = arith.constant 0 : i32
      %dma_wait3A_161 = tpu.memref_slice %arg2[%dma_wait3A_159, %dma_wait3A_160] : memref<10000x128xf32, #tpu.memory_space<hbm>> -> memref<10000x128xf32, #tpu.memory_space<hbm>>
      tpu.wait_indirect_dma semaphore(%arg14 : memref<!tpu.dma_semaphore, #tpu.memory_space<semaphore_mem>>) src(%dma_wait3A_161 : memref<10000x128xf32, #tpu.memory_space<hbm>>) dst(%arg11 : memref<80x128xf32, #tpu.memory_space<vmem>>)
      %add3A_162 = arith.constant 2 : i32
      %add3A_163 = arith.addi %mul3A_95, %add3A_162 : i32
      "tpu.region"() ({
        %run_scoped3A_164 = tpu.sem_alloc : memref<!tpu.dma_semaphore, #tpu.memory_space<semaphore_mem>>
        %dma_start3A_165 = arith.constant 0 : i32
        %dma_start3A_166 = tpu.memref_slice %arg8[%add3A_163, %dma_start3A_165] : memref<63x80xi32, #tpu.memory_space<vmem>> -> memref<1x80xi32, #tpu.memory_space<vmem>>
        %dma_start3A_167 = tpu.memref_squeeze %dma_start3A_166 : memref<1x80xi32, #tpu.memory_space<vmem>> -> memref<80xi32, #tpu.memory_space<vmem>>
        %dma_start3A_168 = arith.constant 0 : i32
        %dma_start3A_169 = arith.constant 0 : i32
        %dma_start3A_170 = tpu.memref_slice %arg6[%dma_start3A_168, %dma_start3A_169] : memref<10112x128xf32, #tpu.memory_space<vmem_shared>> -> memref<10112x128xf32, #tpu.memory_space<vmem_shared>>
        tpu.enqueue_indirect_dma source(%arg11 : memref<80x128xf32, #tpu.memory_space<vmem>>) target(%dma_start3A_170 : memref<10112x128xf32, #tpu.memory_space<vmem_shared>>) offsets(%dma_start3A_167 : memref<80xi32, #tpu.memory_space<vmem>>) semaphore(%run_scoped3A_164 : memref<!tpu.dma_semaphore, #tpu.memory_space<semaphore_mem>>) {add = true}
        %dma_wait3A_171 = arith.constant 0 : i32
        %dma_wait3A_172 = tpu.memref_slice %arg8[%add3A_163, %dma_wait3A_171] : memref<63x80xi32, #tpu.memory_space<vmem>> -> memref<1x80xi32, #tpu.memory_space<vmem>>
        %dma_wait3A_173 = tpu.memref_squeeze %dma_wait3A_172 : memref<1x80xi32, #tpu.memory_space<vmem>> -> memref<80xi32, #tpu.memory_space<vmem>>
        %dma_wait3A_174 = arith.constant 0 : i32
        %dma_wait3A_175 = arith.constant 0 : i32
        %dma_wait3A_176 = tpu.memref_slice %arg6[%dma_wait3A_174, %dma_wait3A_175] : memref<10112x128xf32, #tpu.memory_space<vmem_shared>> -> memref<10112x128xf32, #tpu.memory_space<vmem_shared>>
        tpu.wait_indirect_dma semaphore(%run_scoped3A_164 : memref<!tpu.dma_semaphore, #tpu.memory_space<semaphore_mem>>) src(%arg11 : memref<80x128xf32, #tpu.memory_space<vmem>>) dst(%dma_wait3A_176 : memref<10112x128xf32, #tpu.memory_space<vmem_shared>>)
        tpu.yield
      }) : () -> ()
    }
    %scan3A_42 = arith.constant 21 : i32
    %dma_wait3A = arith.constant 0 : i32
    %dma_wait3A_43 = arith.constant 0 : i32
    %dma_wait3A_44 = tpu.memref_slice %arg7[%dma_wait3A, %dma_wait3A_43] : memref<63x80xi32, #tpu.memory_space<vmem>> -> memref<1x80xi32, #tpu.memory_space<vmem>>
    %dma_wait3A_45 = tpu.memref_squeeze %dma_wait3A_44 : memref<1x80xi32, #tpu.memory_space<vmem>> -> memref<80xi32, #tpu.memory_space<vmem>>
    %dma_wait3A_46 = arith.constant 0 : i32
    %dma_wait3A_47 = arith.constant 0 : i32
    %dma_wait3A_48 = tpu.memref_slice %arg2[%dma_wait3A_46, %dma_wait3A_47] : memref<10000x128xf32, #tpu.memory_space<hbm>> -> memref<10000x128xf32, #tpu.memory_space<hbm>>
    tpu.wait_indirect_dma semaphore(%arg12 : memref<!tpu.dma_semaphore, #tpu.memory_space<semaphore_mem>>) src(%dma_wait3A_48 : memref<10000x128xf32, #tpu.memory_space<hbm>>) dst(%arg9 : memref<80x128xf32, #tpu.memory_space<vmem>>)
    %dma_wait3A_49 = arith.constant 0 : i32
    %dma_wait3A_50 = arith.constant 0 : i32
    %dma_wait3A_51 = tpu.memref_slice %arg7[%dma_wait3A_49, %dma_wait3A_50] : memref<63x80xi32, #tpu.memory_space<vmem>> -> memref<1x80xi32, #tpu.memory_space<vmem>>
    %dma_wait3A_52 = tpu.memref_squeeze %dma_wait3A_51 : memref<1x80xi32, #tpu.memory_space<vmem>> -> memref<80xi32, #tpu.memory_space<vmem>>
    %dma_wait3A_53 = arith.constant 0 : i32
    %dma_wait3A_54 = arith.constant 0 : i32
    %dma_wait3A_55 = tpu.memref_slice %arg2[%dma_wait3A_53, %dma_wait3A_54] : memref<10000x128xf32, #tpu.memory_space<hbm>> -> memref<10000x128xf32, #tpu.memory_space<hbm>>
    tpu.wait_indirect_dma semaphore(%arg13 : memref<!tpu.dma_semaphore, #tpu.memory_space<semaphore_mem>>) src(%dma_wait3A_55 : memref<10000x128xf32, #tpu.memory_space<hbm>>) dst(%arg10 : memref<80x128xf32, #tpu.memory_space<vmem>>)
    %run_scoped3A_56 = arith.constant 1 : i32
    "tpu.region"() ({
      %run_scoped3A_93 = tpu.sem_alloc : memref<!tpu.dma_semaphore, #tpu.memory_space<semaphore_mem>>
      %dma_start3A_94 = arith.constant 0 : i32
      %dma_start3A_95 = arith.constant 0 : i32
      %dma_start3A_96 = tpu.memref_slice %arg3[%arg0, %arg1, %run_scoped3A_56, %dma_start3A_94, %dma_start3A_95] : memref<2x16x2x63x80xi32, #tpu.memory_space<hbm>> -> memref<1x1x1x63x80xi32, #tpu.memory_space<hbm>>
      %dma_start3A_97 = tpu.memref_squeeze %dma_start3A_96 : memref<1x1x1x63x80xi32, #tpu.memory_space<hbm>> -> memref<63x80xi32, #tpu.memory_space<hbm>>
      %dma_start3A_98 = arith.constant 0 : i32
      %dma_start3A_99 = arith.constant 0 : i32
      %dma_start3A_100 = tpu.memref_slice %arg3[%arg0, %arg1, %run_scoped3A_56, %dma_start3A_98, %dma_start3A_99] : memref<2x16x2x63x80xi32, #tpu.memory_space<hbm>> -> memref<1x1x1x63x80xi32, #tpu.memory_space<hbm>>
      %dma_start3A_101 = tpu.memref_squeeze %dma_start3A_100 : memref<1x1x1x63x80xi32, #tpu.memory_space<hbm>> -> memref<63x80xi32, #tpu.memory_space<hbm>>
      tpu.enqueue_dma source(%dma_start3A_101 : memref<63x80xi32, #tpu.memory_space<hbm>>) target(%arg7 : memref<63x80xi32, #tpu.memory_space<vmem>>) target_semaphore(%run_scoped3A_93 : memref<!tpu.dma_semaphore, #tpu.memory_space<semaphore_mem>>)
      %dma_wait3A_102 = arith.constant 0 : i32
      %dma_wait3A_103 = arith.constant 0 : i32
      %dma_wait3A_104 = tpu.memref_slice %arg3[%arg0, %arg1, %run_scoped3A_56, %dma_wait3A_102, %dma_wait3A_103] : memref<2x16x2x63x80xi32, #tpu.memory_space<hbm>> -> memref<1x1x1x63x80xi32, #tpu.memory_space<hbm>>
      %dma_wait3A_105 = tpu.memref_squeeze %dma_wait3A_104 : memref<1x1x1x63x80xi32, #tpu.memory_space<hbm>> -> memref<63x80xi32, #tpu.memory_space<hbm>>
      %dma_wait3A_106 = arith.constant 0 : i32
      %dma_wait3A_107 = arith.constant 0 : i32
      %dma_wait3A_108 = tpu.memref_slice %arg3[%arg0, %arg1, %run_scoped3A_56, %dma_wait3A_106, %dma_wait3A_107] : memref<2x16x2x63x80xi32, #tpu.memory_space<hbm>> -> memref<1x1x1x63x80xi32, #tpu.memory_space<hbm>>
      %dma_wait3A_109 = tpu.memref_squeeze %dma_wait3A_108 : memref<1x1x1x63x80xi32, #tpu.memory_space<hbm>> -> memref<63x80xi32, #tpu.memory_space<hbm>>
      tpu.wait_dma2 semaphore(%run_scoped3A_93 : memref<!tpu.dma_semaphore, #tpu.memory_space<semaphore_mem>>) src(%dma_wait3A_109 : memref<63x80xi32, #tpu.memory_space<hbm>>) dst(%arg7 : memref<63x80xi32, #tpu.memory_space<vmem>>)
      tpu.yield
    }) : () -> ()
    %run_scoped3A_57 = arith.constant 1 : i32
    "tpu.region"() ({
      %run_scoped3A_93 = tpu.sem_alloc : memref<!tpu.dma_semaphore, #tpu.memory_space<semaphore_mem>>
      %dma_start3A_94 = arith.constant 0 : i32
      %dma_start3A_95 = arith.constant 0 : i32
      %dma_start3A_96 = tpu.memref_slice %arg4[%arg0, %arg1, %run_scoped3A_57, %dma_start3A_94, %dma_start3A_95] : memref<2x16x2x63x80xi32, #tpu.memory_space<hbm>> -> memref<1x1x1x63x80xi32, #tpu.memory_space<hbm>>
      %dma_start3A_97 = tpu.memref_squeeze %dma_start3A_96 : memref<1x1x1x63x80xi32, #tpu.memory_space<hbm>> -> memref<63x80xi32, #tpu.memory_space<hbm>>
      %dma_start3A_98 = arith.constant 0 : i32
      %dma_start3A_99 = arith.constant 0 : i32
      %dma_start3A_100 = tpu.memref_slice %arg4[%arg0, %arg1, %run_scoped3A_57, %dma_start3A_98, %dma_start3A_99] : memref<2x16x2x63x80xi32, #tpu.memory_space<hbm>> -> memref<1x1x1x63x80xi32, #tpu.memory_space<hbm>>
      %dma_start3A_101 = tpu.memref_squeeze %dma_start3A_100 : memref<1x1x1x63x80xi32, #tpu.memory_space<hbm>> -> memref<63x80xi32, #tpu.memory_space<hbm>>
      tpu.enqueue_dma source(%dma_start3A_101 : memref<63x80xi32, #tpu.memory_space<hbm>>) target(%arg8 : memref<63x80xi32, #tpu.memory_space<vmem>>) target_semaphore(%run_scoped3A_93 : memref<!tpu.dma_semaphore, #tpu.memory_space<semaphore_mem>>)
      %dma_wait3A_102 = arith.constant 0 : i32
      %dma_wait3A_103 = arith.constant 0 : i32
      %dma_wait3A_104 = tpu.memref_slice %arg4[%arg0, %arg1, %run_scoped3A_57, %dma_wait3A_102, %dma_wait3A_103] : memref<2x16x2x63x80xi32, #tpu.memory_space<hbm>> -> memref<1x1x1x63x80xi32, #tpu.memory_space<hbm>>
      %dma_wait3A_105 = tpu.memref_squeeze %dma_wait3A_104 : memref<1x1x1x63x80xi32, #tpu.memory_space<hbm>> -> memref<63x80xi32, #tpu.memory_space<hbm>>
      %dma_wait3A_106 = arith.constant 0 : i32
      %dma_wait3A_107 = arith.constant 0 : i32
      %dma_wait3A_108 = tpu.memref_slice %arg4[%arg0, %arg1, %run_scoped3A_57, %dma_wait3A_106, %dma_wait3A_107] : memref<2x16x2x63x80xi32, #tpu.memory_space<hbm>> -> memref<1x1x1x63x80xi32, #tpu.memory_space<hbm>>
      %dma_wait3A_109 = tpu.memref_squeeze %dma_wait3A_108 : memref<1x1x1x63x80xi32, #tpu.memory_space<hbm>> -> memref<63x80xi32, #tpu.memory_space<hbm>>
      tpu.wait_dma2 semaphore(%run_scoped3A_93 : memref<!tpu.dma_semaphore, #tpu.memory_space<semaphore_mem>>) src(%dma_wait3A_109 : memref<63x80xi32, #tpu.memory_space<hbm>>) dst(%arg8 : memref<63x80xi32, #tpu.memory_space<vmem>>)
      tpu.yield
    }) : () -> ()
    %dma_start3A_58 = arith.constant 0 : i32
    %dma_start3A_59 = arith.constant 0 : i32
    %dma_start3A_60 = tpu.memref_slice %arg7[%dma_start3A_58, %dma_start3A_59] : memref<63x80xi32, #tpu.memory_space<vmem>> -> memref<1x80xi32, #tpu.memory_space<vmem>>
    %dma_start3A_61 = tpu.memref_squeeze %dma_start3A_60 : memref<1x80xi32, #tpu.memory_space<vmem>> -> memref<80xi32, #tpu.memory_space<vmem>>
    %dma_start3A_62 = arith.constant 0 : i32
    %dma_start3A_63 = arith.constant 0 : i32
    %dma_start3A_64 = tpu.memref_slice %arg2[%dma_start3A_62, %dma_start3A_63] : memref<10000x128xf32, #tpu.memory_space<hbm>> -> memref<10000x128xf32, #tpu.memory_space<hbm>>
    tpu.enqueue_indirect_dma source(%dma_start3A_64 : memref<10000x128xf32, #tpu.memory_space<hbm>>) target(%arg9 : memref<80x128xf32, #tpu.memory_space<vmem>>) offsets(%dma_start3A_61 : memref<80xi32, #tpu.memory_space<vmem>>) semaphore(%arg12 : memref<!tpu.dma_semaphore, #tpu.memory_space<semaphore_mem>>)
    %dma_start3A_65 = arith.constant 1 : i32
    %dma_start3A_66 = arith.constant 0 : i32
    %dma_start3A_67 = tpu.memref_slice %arg7[%dma_start3A_65, %dma_start3A_66] : memref<63x80xi32, #tpu.memory_space<vmem>> -> memref<1x80xi32, #tpu.memory_space<vmem>>
    %dma_start3A_68 = tpu.memref_squeeze %dma_start3A_67 : memref<1x80xi32, #tpu.memory_space<vmem>> -> memref<80xi32, #tpu.memory_space<vmem>>
    %dma_start3A_69 = arith.constant 0 : i32
    %dma_start3A_70 = arith.constant 0 : i32
    %dma_start3A_71 = tpu.memref_slice %arg2[%dma_start3A_69, %dma_start3A_70] : memref<10000x128xf32, #tpu.memory_space<hbm>> -> memref<10000x128xf32, #tpu.memory_space<hbm>>
    tpu.enqueue_indirect_dma source(%dma_start3A_71 : memref<10000x128xf32, #tpu.memory_space<hbm>>) target(%arg10 : memref<80x128xf32, #tpu.memory_space<vmem>>) offsets(%dma_start3A_68 : memref<80xi32, #tpu.memory_space<vmem>>) semaphore(%arg13 : memref<!tpu.dma_semaphore, #tpu.memory_space<semaphore_mem>>)
    %scan3A_72 = arith.constant 0 : i32
    %scan3A_73 = arith.constant 0 : i32
    %scan3A_74 = arith.constant 21 : i32
    %scan3A_75 = arith.addi %scan3A_73, %scan3A_74 : i32
    %scan3A_76 = arith.constant 1 : i32
    scf.for %scan3A_93 = %scan3A_73 to %scan3A_75 step %scan3A_76  : i32 {
      %mul3A_94 = arith.constant 3 : i32
      %mul3A_95 = arith.muli %mul3A_94, %scan3A_93 : i32
      %add3A_96 = arith.constant 0 : i32
      %add3A_97 = arith.addi %mul3A_95, %add3A_96 : i32
      %add3A_98 = arith.constant 3 : i32
      %add3A_99 = arith.addi %add3A_97, %add3A_98 : i32
      %sub3A_100 = arith.constant 1 : i32
      %sub3A_101 = arith.subi %add3A_99, %sub3A_100 : i32
      %min3A = arith.constant 62 : i32
      %min3A_102 = arith.minsi %sub3A_101, %min3A : i32
      %dma_start3A_103 = arith.constant 0 : i32
      %dma_start3A_104 = tpu.memref_slice %arg7[%min3A_102, %dma_start3A_103] : memref<63x80xi32, #tpu.memory_space<vmem>> -> memref<1x80xi32, #tpu.memory_space<vmem>>
      %dma_start3A_105 = tpu.memref_squeeze %dma_start3A_104 : memref<1x80xi32, #tpu.memory_space<vmem>> -> memref<80xi32, #tpu.memory_space<vmem>>
      %dma_start3A_106 = arith.constant 0 : i32
      %dma_start3A_107 = arith.constant 0 : i32
      %dma_start3A_108 = tpu.memref_slice %arg2[%dma_start3A_106, %dma_start3A_107] : memref<10000x128xf32, #tpu.memory_space<hbm>> -> memref<10000x128xf32, #tpu.memory_space<hbm>>
      tpu.enqueue_indirect_dma source(%dma_start3A_108 : memref<10000x128xf32, #tpu.memory_space<hbm>>) target(%arg11 : memref<80x128xf32, #tpu.memory_space<vmem>>) offsets(%dma_start3A_105 : memref<80xi32, #tpu.memory_space<vmem>>) semaphore(%arg14 : memref<!tpu.dma_semaphore, #tpu.memory_space<semaphore_mem>>)
      %dma_wait3A_109 = arith.constant 0 : i32
      %dma_wait3A_110 = arith.constant 0 : i32
      %dma_wait3A_111 = tpu.memref_slice %arg7[%dma_wait3A_109, %dma_wait3A_110] : memref<63x80xi32, #tpu.memory_space<vmem>> -> memref<1x80xi32, #tpu.memory_space<vmem>>
      %dma_wait3A_112 = tpu.memref_squeeze %dma_wait3A_111 : memref<1x80xi32, #tpu.memory_space<vmem>> -> memref<80xi32, #tpu.memory_space<vmem>>
      %dma_wait3A_113 = arith.constant 0 : i32
      %dma_wait3A_114 = arith.constant 0 : i32
      %dma_wait3A_115 = tpu.memref_slice %arg2[%dma_wait3A_113, %dma_wait3A_114] : memref<10000x128xf32, #tpu.memory_space<hbm>> -> memref<10000x128xf32, #tpu.memory_space<hbm>>
      tpu.wait_indirect_dma semaphore(%arg12 : memref<!tpu.dma_semaphore, #tpu.memory_space<semaphore_mem>>) src(%dma_wait3A_115 : memref<10000x128xf32, #tpu.memory_space<hbm>>) dst(%arg9 : memref<80x128xf32, #tpu.memory_space<vmem>>)
      %add3A_116 = arith.constant 0 : i32
      %add3A_117 = arith.addi %mul3A_95, %add3A_116 : i32
      "tpu.region"() ({
        %run_scoped3A_164 = tpu.sem_alloc : memref<!tpu.dma_semaphore, #tpu.memory_space<semaphore_mem>>
        %dma_start3A_165 = arith.constant 0 : i32
        %dma_start3A_166 = tpu.memref_slice %arg8[%add3A_117, %dma_start3A_165] : memref<63x80xi32, #tpu.memory_space<vmem>> -> memref<1x80xi32, #tpu.memory_space<vmem>>
        %dma_start3A_167 = tpu.memref_squeeze %dma_start3A_166 : memref<1x80xi32, #tpu.memory_space<vmem>> -> memref<80xi32, #tpu.memory_space<vmem>>
        %dma_start3A_168 = arith.constant 0 : i32
        %dma_start3A_169 = arith.constant 0 : i32
        %dma_start3A_170 = tpu.memref_slice %arg6[%dma_start3A_168, %dma_start3A_169] : memref<10112x128xf32, #tpu.memory_space<vmem_shared>> -> memref<10112x128xf32, #tpu.memory_space<vmem_shared>>
        tpu.enqueue_indirect_dma source(%arg9 : memref<80x128xf32, #tpu.memory_space<vmem>>) target(%dma_start3A_170 : memref<10112x128xf32, #tpu.memory_space<vmem_shared>>) offsets(%dma_start3A_167 : memref<80xi32, #tpu.memory_space<vmem>>) semaphore(%run_scoped3A_164 : memref<!tpu.dma_semaphore, #tpu.memory_space<semaphore_mem>>) {add = true}
        %dma_wait3A_171 = arith.constant 0 : i32
        %dma_wait3A_172 = tpu.memref_slice %arg8[%add3A_117, %dma_wait3A_171] : memref<63x80xi32, #tpu.memory_space<vmem>> -> memref<1x80xi32, #tpu.memory_space<vmem>>
        %dma_wait3A_173 = tpu.memref_squeeze %dma_wait3A_172 : memref<1x80xi32, #tpu.memory_space<vmem>> -> memref<80xi32, #tpu.memory_space<vmem>>
        %dma_wait3A_174 = arith.constant 0 : i32
        %dma_wait3A_175 = arith.constant 0 : i32
        %dma_wait3A_176 = tpu.memref_slice %arg6[%dma_wait3A_174, %dma_wait3A_175] : memref<10112x128xf32, #tpu.memory_space<vmem_shared>> -> memref<10112x128xf32, #tpu.memory_space<vmem_shared>>
        tpu.wait_indirect_dma semaphore(%run_scoped3A_164 : memref<!tpu.dma_semaphore, #tpu.memory_space<semaphore_mem>>) src(%arg9 : memref<80x128xf32, #tpu.memory_space<vmem>>) dst(%dma_wait3A_176 : memref<10112x128xf32, #tpu.memory_space<vmem_shared>>)
        tpu.yield
      }) : () -> ()
      %add3A_118 = arith.constant 1 : i32
      %add3A_119 = arith.addi %mul3A_95, %add3A_118 : i32
      %add3A_120 = arith.constant 3 : i32
      %add3A_121 = arith.addi %add3A_119, %add3A_120 : i32
      %sub3A_122 = arith.constant 1 : i32
      %sub3A_123 = arith.subi %add3A_121, %sub3A_122 : i32
      %min3A_124 = arith.constant 62 : i32
      %min3A_125 = arith.minsi %sub3A_123, %min3A_124 : i32
      %dma_start3A_126 = arith.constant 0 : i32
      %dma_start3A_127 = tpu.memref_slice %arg7[%min3A_125, %dma_start3A_126] : memref<63x80xi32, #tpu.memory_space<vmem>> -> memref<1x80xi32, #tpu.memory_space<vmem>>
      %dma_start3A_128 = tpu.memref_squeeze %dma_start3A_127 : memref<1x80xi32, #tpu.memory_space<vmem>> -> memref<80xi32, #tpu.memory_space<vmem>>
      %dma_start3A_129 = arith.constant 0 : i32
      %dma_start3A_130 = arith.constant 0 : i32
      %dma_start3A_131 = tpu.memref_slice %arg2[%dma_start3A_129, %dma_start3A_130] : memref<10000x128xf32, #tpu.memory_space<hbm>> -> memref<10000x128xf32, #tpu.memory_space<hbm>>
      tpu.enqueue_indirect_dma source(%dma_start3A_131 : memref<10000x128xf32, #tpu.memory_space<hbm>>) target(%arg9 : memref<80x128xf32, #tpu.memory_space<vmem>>) offsets(%dma_start3A_128 : memref<80xi32, #tpu.memory_space<vmem>>) semaphore(%arg12 : memref<!tpu.dma_semaphore, #tpu.memory_space<semaphore_mem>>)
      %dma_wait3A_132 = arith.constant 0 : i32
      %dma_wait3A_133 = arith.constant 0 : i32
      %dma_wait3A_134 = tpu.memref_slice %arg7[%dma_wait3A_132, %dma_wait3A_133] : memref<63x80xi32, #tpu.memory_space<vmem>> -> memref<1x80xi32, #tpu.memory_space<vmem>>
      %dma_wait3A_135 = tpu.memref_squeeze %dma_wait3A_134 : memref<1x80xi32, #tpu.memory_space<vmem>> -> memref<80xi32, #tpu.memory_space<vmem>>
      %dma_wait3A_136 = arith.constant 0 : i32
      %dma_wait3A_137 = arith.constant 0 : i32
      %dma_wait3A_138 = tpu.memref_slice %arg2[%dma_wait3A_136, %dma_wait3A_137] : memref<10000x128xf32, #tpu.memory_space<hbm>> -> memref<10000x128xf32, #tpu.memory_space<hbm>>
      tpu.wait_indirect_dma semaphore(%arg13 : memref<!tpu.dma_semaphore, #tpu.memory_space<semaphore_mem>>) src(%dma_wait3A_138 : memref<10000x128xf32, #tpu.memory_space<hbm>>) dst(%arg10 : memref<80x128xf32, #tpu.memory_space<vmem>>)
      %add3A_139 = arith.constant 1 : i32
      %add3A_140 = arith.addi %mul3A_95, %add3A_139 : i32
      "tpu.region"() ({
        %run_scoped3A_164 = tpu.sem_alloc : memref<!tpu.dma_semaphore, #tpu.memory_space<semaphore_mem>>
        %dma_start3A_165 = arith.constant 0 : i32
        %dma_start3A_166 = tpu.memref_slice %arg8[%add3A_140, %dma_start3A_165] : memref<63x80xi32, #tpu.memory_space<vmem>> -> memref<1x80xi32, #tpu.memory_space<vmem>>
        %dma_start3A_167 = tpu.memref_squeeze %dma_start3A_166 : memref<1x80xi32, #tpu.memory_space<vmem>> -> memref<80xi32, #tpu.memory_space<vmem>>
        %dma_start3A_168 = arith.constant 0 : i32
        %dma_start3A_169 = arith.constant 0 : i32
        %dma_start3A_170 = tpu.memref_slice %arg6[%dma_start3A_168, %dma_start3A_169] : memref<10112x128xf32, #tpu.memory_space<vmem_shared>> -> memref<10112x128xf32, #tpu.memory_space<vmem_shared>>
        tpu.enqueue_indirect_dma source(%arg10 : memref<80x128xf32, #tpu.memory_space<vmem>>) target(%dma_start3A_170 : memref<10112x128xf32, #tpu.memory_space<vmem_shared>>) offsets(%dma_start3A_167 : memref<80xi32, #tpu.memory_space<vmem>>) semaphore(%run_scoped3A_164 : memref<!tpu.dma_semaphore, #tpu.memory_space<semaphore_mem>>) {add = true}
        %dma_wait3A_171 = arith.constant 0 : i32
        %dma_wait3A_172 = tpu.memref_slice %arg8[%add3A_140, %dma_wait3A_171] : memref<63x80xi32, #tpu.memory_space<vmem>> -> memref<1x80xi32, #tpu.memory_space<vmem>>
        %dma_wait3A_173 = tpu.memref_squeeze %dma_wait3A_172 : memref<1x80xi32, #tpu.memory_space<vmem>> -> memref<80xi32, #tpu.memory_space<vmem>>
        %dma_wait3A_174 = arith.constant 0 : i32
        %dma_wait3A_175 = arith.constant 0 : i32
        %dma_wait3A_176 = tpu.memref_slice %arg6[%dma_wait3A_174, %dma_wait3A_175] : memref<10112x128xf32, #tpu.memory_space<vmem_shared>> -> memref<10112x128xf32, #tpu.memory_space<vmem_shared>>
        tpu.wait_indirect_dma semaphore(%run_scoped3A_164 : memref<!tpu.dma_semaphore, #tpu.memory_space<semaphore_mem>>) src(%arg10 : memref<80x128xf32, #tpu.memory_space<vmem>>) dst(%dma_wait3A_176 : memref<10112x128xf32, #tpu.memory_space<vmem_shared>>)
        tpu.yield
      }) : () -> ()
      %add3A_141 = arith.constant 2 : i32
      %add3A_142 = arith.addi %mul3A_95, %add3A_141 : i32
      %add3A_143 = arith.constant 3 : i32
      %add3A_144 = arith.addi %add3A_142, %add3A_143 : i32
      %sub3A_145 = arith.constant 1 : i32
      %sub3A_146 = arith.subi %add3A_144, %sub3A_145 : i32
      %min3A_147 = arith.constant 62 : i32
      %min3A_148 = arith.minsi %sub3A_146, %min3A_147 : i32
      %dma_start3A_149 = arith.constant 0 : i32
      %dma_start3A_150 = tpu.memref_slice %arg7[%min3A_148, %dma_start3A_149] : memref<63x80xi32, #tpu.memory_space<vmem>> -> memref<1x80xi32, #tpu.memory_space<vmem>>
      %dma_start3A_151 = tpu.memref_squeeze %dma_start3A_150 : memref<1x80xi32, #tpu.memory_space<vmem>> -> memref<80xi32, #tpu.memory_space<vmem>>
      %dma_start3A_152 = arith.constant 0 : i32
      %dma_start3A_153 = arith.constant 0 : i32
      %dma_start3A_154 = tpu.memref_slice %arg2[%dma_start3A_152, %dma_start3A_153] : memref<10000x128xf32, #tpu.memory_space<hbm>> -> memref<10000x128xf32, #tpu.memory_space<hbm>>
      tpu.enqueue_indirect_dma source(%dma_start3A_154 : memref<10000x128xf32, #tpu.memory_space<hbm>>) target(%arg10 : memref<80x128xf32, #tpu.memory_space<vmem>>) offsets(%dma_start3A_151 : memref<80xi32, #tpu.memory_space<vmem>>) semaphore(%arg13 : memref<!tpu.dma_semaphore, #tpu.memory_space<semaphore_mem>>)
      %dma_wait3A_155 = arith.constant 0 : i32
      %dma_wait3A_156 = arith.constant 0 : i32
      %dma_wait3A_157 = tpu.memref_slice %arg7[%dma_wait3A_155, %dma_wait3A_156] : memref<63x80xi32, #tpu.memory_space<vmem>> -> memref<1x80xi32, #tpu.memory_space<vmem>>
      %dma_wait3A_158 = tpu.memref_squeeze %dma_wait3A_157 : memref<1x80xi32, #tpu.memory_space<vmem>> -> memref<80xi32, #tpu.memory_space<vmem>>
      %dma_wait3A_159 = arith.constant 0 : i32
      %dma_wait3A_160 = arith.constant 0 : i32
      %dma_wait3A_161 = tpu.memref_slice %arg2[%dma_wait3A_159, %dma_wait3A_160] : memref<10000x128xf32, #tpu.memory_space<hbm>> -> memref<10000x128xf32, #tpu.memory_space<hbm>>
      tpu.wait_indirect_dma semaphore(%arg14 : memref<!tpu.dma_semaphore, #tpu.memory_space<semaphore_mem>>) src(%dma_wait3A_161 : memref<10000x128xf32, #tpu.memory_space<hbm>>) dst(%arg11 : memref<80x128xf32, #tpu.memory_space<vmem>>)
      %add3A_162 = arith.constant 2 : i32
      %add3A_163 = arith.addi %mul3A_95, %add3A_162 : i32
      "tpu.region"() ({
        %run_scoped3A_164 = tpu.sem_alloc : memref<!tpu.dma_semaphore, #tpu.memory_space<semaphore_mem>>
        %dma_start3A_165 = arith.constant 0 : i32
        %dma_start3A_166 = tpu.memref_slice %arg8[%add3A_163, %dma_start3A_165] : memref<63x80xi32, #tpu.memory_space<vmem>> -> memref<1x80xi32, #tpu.memory_space<vmem>>
        %dma_start3A_167 = tpu.memref_squeeze %dma_start3A_166 : memref<1x80xi32, #tpu.memory_space<vmem>> -> memref<80xi32, #tpu.memory_space<vmem>>
        %dma_start3A_168 = arith.constant 0 : i32
        %dma_start3A_169 = arith.constant 0 : i32
        %dma_start3A_170 = tpu.memref_slice %arg6[%dma_start3A_168, %dma_start3A_169] : memref<10112x128xf32, #tpu.memory_space<vmem_shared>> -> memref<10112x128xf32, #tpu.memory_space<vmem_shared>>
        tpu.enqueue_indirect_dma source(%arg11 : memref<80x128xf32, #tpu.memory_space<vmem>>) target(%dma_start3A_170 : memref<10112x128xf32, #tpu.memory_space<vmem_shared>>) offsets(%dma_start3A_167 : memref<80xi32, #tpu.memory_space<vmem>>) semaphore(%run_scoped3A_164 : memref<!tpu.dma_semaphore, #tpu.memory_space<semaphore_mem>>) {add = true}
        %dma_wait3A_171 = arith.constant 0 : i32
        %dma_wait3A_172 = tpu.memref_slice %arg8[%add3A_163, %dma_wait3A_171] : memref<63x80xi32, #tpu.memory_space<vmem>> -> memref<1x80xi32, #tpu.memory_space<vmem>>
        %dma_wait3A_173 = tpu.memref_squeeze %dma_wait3A_172 : memref<1x80xi32, #tpu.memory_space<vmem>> -> memref<80xi32, #tpu.memory_space<vmem>>
        %dma_wait3A_174 = arith.constant 0 : i32
        %dma_wait3A_175 = arith.constant 0 : i32
        %dma_wait3A_176 = tpu.memref_slice %arg6[%dma_wait3A_174, %dma_wait3A_175] : memref<10112x128xf32, #tpu.memory_space<vmem_shared>> -> memref<10112x128xf32, #tpu.memory_space<vmem_shared>>
        tpu.wait_indirect_dma semaphore(%run_scoped3A_164 : memref<!tpu.dma_semaphore, #tpu.memory_space<semaphore_mem>>) src(%arg11 : memref<80x128xf32, #tpu.memory_space<vmem>>) dst(%dma_wait3A_176 : memref<10112x128xf32, #tpu.memory_space<vmem_shared>>)
        tpu.yield
      }) : () -> ()
    }
    %scan3A_77 = arith.constant 21 : i32
    %dma_wait3A_78 = arith.constant 0 : i32
    %dma_wait3A_79 = arith.constant 0 : i32
    %dma_wait3A_80 = tpu.memref_slice %arg7[%dma_wait3A_78, %dma_wait3A_79] : memref<63x80xi32, #tpu.memory_space<vmem>> -> memref<1x80xi32, #tpu.memory_space<vmem>>
    %dma_wait3A_81 = tpu.memref_squeeze %dma_wait3A_80 : memref<1x80xi32, #tpu.memory_space<vmem>> -> memref<80xi32, #tpu.memory_space<vmem>>
    %dma_wait3A_82 = arith.constant 0 : i32
    %dma_wait3A_83 = arith.constant 0 : i32
    %dma_wait3A_84 = tpu.memref_slice %arg2[%dma_wait3A_82, %dma_wait3A_83] : memref<10000x128xf32, #tpu.memory_space<hbm>> -> memref<10000x128xf32, #tpu.memory_space<hbm>>
    tpu.wait_indirect_dma semaphore(%arg12 : memref<!tpu.dma_semaphore, #tpu.memory_space<semaphore_mem>>) src(%dma_wait3A_84 : memref<10000x128xf32, #tpu.memory_space<hbm>>) dst(%arg9 : memref<80x128xf32, #tpu.memory_space<vmem>>)
    %dma_wait3A_85 = arith.constant 0 : i32
    %dma_wait3A_86 = arith.constant 0 : i32
    %dma_wait3A_87 = tpu.memref_slice %arg7[%dma_wait3A_85, %dma_wait3A_86] : memref<63x80xi32, #tpu.memory_space<vmem>> -> memref<1x80xi32, #tpu.memory_space<vmem>>
    %dma_wait3A_88 = tpu.memref_squeeze %dma_wait3A_87 : memref<1x80xi32, #tpu.memory_space<vmem>> -> memref<80xi32, #tpu.memory_space<vmem>>
    %dma_wait3A_89 = arith.constant 0 : i32
    %dma_wait3A_90 = arith.constant 0 : i32
    %dma_wait3A_91 = tpu.memref_slice %arg2[%dma_wait3A_89, %dma_wait3A_90] : memref<10000x128xf32, #tpu.memory_space<hbm>> -> memref<10000x128xf32, #tpu.memory_space<hbm>>
    tpu.wait_indirect_dma semaphore(%arg13 : memref<!tpu.dma_semaphore, #tpu.memory_space<semaphore_mem>>) src(%dma_wait3A_91 : memref<10000x128xf32, #tpu.memory_space<hbm>>) dst(%arg10 : memref<80x128xf32, #tpu.memory_space<vmem>>)
    %barrier3A_92 = arith.constant 0 : index
    tpu.barrier barrier_id(%barrier3A_92)
    "tpu.region"() ({
      %run_scoped3A_93 = tpu.sem_alloc : memref<!tpu.dma_semaphore, #tpu.memory_space<semaphore_mem>>
      %dma_start3A_94 = arith.constant 0 : i32
      %dma_start3A_95 = arith.constant 0 : i32
      %dma_start3A_96 = tpu.memref_slice %arg5[%arg0, %dma_start3A_94, %dma_start3A_95] : memref<2x10112x128xf32, #tpu.memory_space<hbm>> -> memref<1x10112x128xf32, #tpu.memory_space<hbm>>
      %dma_start3A_97 = tpu.memref_squeeze %dma_start3A_96 : memref<1x10112x128xf32, #tpu.memory_space<hbm>> -> memref<10112x128xf32, #tpu.memory_space<hbm>>
      %dma_start3A_98 = arith.constant 0 : i32
      %dma_start3A_99 = tpu.memref_slice %dma_start3A_97[%mul3A_20, %dma_start3A_98] : memref<10112x128xf32, #tpu.memory_space<hbm>> -> memref<632x128xf32, #tpu.memory_space<hbm>>
      %dma_start3A_100 = arith.constant 0 : i32
      %dma_start3A_101 = tpu.memref_slice %arg6[%mul3A_20, %dma_start3A_100] : memref<10112x128xf32, #tpu.memory_space<vmem_shared>> -> memref<632x128xf32, #tpu.memory_space<vmem_shared>>
      tpu.enqueue_dma source(%dma_start3A_101 : memref<632x128xf32, #tpu.memory_space<vmem_shared>>) target(%dma_start3A_99 : memref<632x128xf32, #tpu.memory_space<hbm>>) target_semaphore(%run_scoped3A_93 : memref<!tpu.dma_semaphore, #tpu.memory_space<semaphore_mem>>)
      %dma_wait3A_102 = arith.constant 0 : i32
      %dma_wait3A_103 = arith.constant 0 : i32
      %dma_wait3A_104 = tpu.memref_slice %arg5[%arg0, %dma_wait3A_102, %dma_wait3A_103] : memref<2x10112x128xf32, #tpu.memory_space<hbm>> -> memref<1x10112x128xf32, #tpu.memory_space<hbm>>
      %dma_wait3A_105 = tpu.memref_squeeze %dma_wait3A_104 : memref<1x10112x128xf32, #tpu.memory_space<hbm>> -> memref<10112x128xf32, #tpu.memory_space<hbm>>
      %dma_wait3A_106 = arith.constant 0 : i32
      %dma_wait3A_107 = tpu.memref_slice %dma_wait3A_105[%mul3A_20, %dma_wait3A_106] : memref<10112x128xf32, #tpu.memory_space<hbm>> -> memref<632x128xf32, #tpu.memory_space<hbm>>
      %dma_wait3A_108 = arith.constant 0 : i32
      %dma_wait3A_109 = tpu.memref_slice %arg6[%mul3A_20, %dma_wait3A_108] : memref<10112x128xf32, #tpu.memory_space<vmem_shared>> -> memref<632x128xf32, #tpu.memory_space<vmem_shared>>
      tpu.wait_dma2 semaphore(%run_scoped3A_93 : memref<!tpu.dma_semaphore, #tpu.memory_space<semaphore_mem>>) src(%dma_wait3A_109 : memref<632x128xf32, #tpu.memory_space<vmem_shared>>) dst(%dma_wait3A_107 : memref<632x128xf32, #tpu.memory_space<hbm>>)
      tpu.yield
    }) : () -> ()
    return
  }
}

module attributes {stable_mosaic.version = 14 : i64} {
  func.func @_tc_invcnt_body(%arg0: memref<32x10112xf32, #tpu.memory_space<vmem>>, %arg1: memref<10112x1xf32, #tpu.memory_space<vmem>>) attributes {dimension_semantics = [], scalar_prefetch = 0 : i64, scratch_operands = 0 : i64, tpu.core_type = #tpu.core_type<tc>} {
    %get3A = arith.constant 0 : index
    %get3A_0 = arith.constant 0 : index
    %get3A_1 = vector.load %arg0[%get3A, %get3A_0] : memref<32x10112xf32, #tpu.memory_space<vmem>>, vector<32x10112xf32>
    %reduce_sum3A = arith.constant dense<0.000000e+00> : vector<10112xf32>
    %reduce_sum3A_2 = vector.multi_reduction <add>, %get3A_1, %reduce_sum3A [0] : vector<32x10112xf32> to vector<10112xf32>
    %max3A = arith.constant 1.000000e+00 : f32
    %max3A_3 = vector.broadcast %max3A : f32 to vector<10112xf32>
    %max3A_4 = arith.maximumf %reduce_sum3A_2, %max3A_3 : vector<10112xf32>
    %div3A = arith.constant 1.000000e+00 : f32
    %div3A_5 = vector.broadcast %div3A : f32 to vector<10112xf32>
    %div3A_6 = arith.divf %div3A_5, %max3A_4 : vector<10112xf32>
    %reshape3A = vector.shape_cast %div3A_6 : vector<10112xf32> to vector<10112x1xf32>
    %swap3A = arith.constant 0 : index
    %swap3A_7 = arith.constant 0 : index
    %swap3A_8 = vector.load %arg1[%swap3A, %swap3A_7] : memref<10112x1xf32, #tpu.memory_space<vmem>>, vector<10112x1xf32>
    tpu.vector_store %arg1[%swap3A, %swap3A_7], %reshape3A {strides = array<i32>} : memref<10112x1xf32, #tpu.memory_space<vmem>>, vector<10112x1xf32>,
    return
  }
}

module attributes {stable_mosaic.version = 14 : i64} {
  func.func @_tc_dense_body(%arg0: i32, %arg1: memref<2x2000x128xf32, #tpu.memory_space<vmem>>, %arg2: memref<2000x1xf32, #tpu.memory_space<vmem>>, %arg3: memref<2000x128xf32, #tpu.memory_space<vmem>>, %arg4: memref<128x128xf32, #tpu.memory_space<vmem>>, %arg5: memref<128x128xf32, #tpu.memory_space<vmem>>, %arg6: memref<1x128xf32, #tpu.memory_space<vmem>>, %arg7: memref<2000x128xf32, #tpu.memory_space<vmem>>) attributes {dimension_semantics = [#tpu.dimension_semantics<arbitrary>], iteration_bounds = array<i64: 5>, scalar_prefetch = 0 : i64, scratch_operands = 0 : i64, tpu.core_type = #tpu.core_type<tc>, window_params = [{transform_indices = @transform_0, window_bounds = array<i64: 2, 2000, 128>}, {transform_indices = @transform_1, window_bounds = array<i64: 2000, 1>}, {transform_indices = @transform_2, window_bounds = array<i64: 2000, 128>}, {pipeline_mode = #tpu.pipeline_mode<synchronous>, transform_indices = @transform_3, window_bounds = array<i64: 128, 128>}, {pipeline_mode = #tpu.pipeline_mode<synchronous>, transform_indices = @transform_4, window_bounds = array<i64: 128, 128>}, {pipeline_mode = #tpu.pipeline_mode<synchronous>, transform_indices = @transform_5, window_bounds = array<i64: 1, 128>}, {transform_indices = @transform_6, window_bounds = array<i64: 2000, 128>}]} {
    %get3A = arith.constant 0 : index
    %get3A_0 = arith.constant 0 : index
    %get3A_1 = vector.load %arg2[%get3A, %get3A_0] : memref<2000x1xf32, #tpu.memory_space<vmem>>, vector<2000x1xf32>
    %reshape3A = vector.shape_cast %get3A_1 : vector<2000x1xf32> to vector<2000xf32>
    %get3A_2 = arith.constant 0 : index
    %get3A_3 = arith.constant 0 : index
    %get3A_4 = arith.constant 0 : index
    %get3A_5 = vector.load %arg1[%get3A_2, %get3A_3, %get3A_4] : memref<2x2000x128xf32, #tpu.memory_space<vmem>>, vector<1x2000x128xf32>
    %get3A_6 = vector.shape_cast %get3A_5 : vector<1x2000x128xf32> to vector<2000x128xf32>
    %get3A_7 = arith.constant 1 : index
    %get3A_8 = arith.constant 0 : index
    %get3A_9 = arith.constant 0 : index
    %get3A_10 = vector.load %arg1[%get3A_7, %get3A_8, %get3A_9] : memref<2x2000x128xf32, #tpu.memory_space<vmem>>, vector<1x2000x128xf32>
    %get3A_11 = vector.shape_cast %get3A_10 : vector<1x2000x128xf32> to vector<2000x128xf32>
    %add3A = arith.addf %get3A_6, %get3A_11 : vector<2000x128xf32>
    %broadcast_in_dim3A = vector.shape_cast %reshape3A : vector<2000xf32> to vector<2000x1xf32>
    %mul3A = vector.broadcast %broadcast_in_dim3A : vector<2000x1xf32> to vector<2000x128xf32>
    %mul3A_12 = arith.mulf %add3A, %mul3A : vector<2000x128xf32>
    %get3A_13 = arith.constant 0 : index
    %get3A_14 = arith.constant 0 : index
    %get3A_15 = vector.load %arg4[%get3A_13, %get3A_14] : memref<128x128xf32, #tpu.memory_space<vmem>>, vector<128x128xf32>
    %dot_general3A = arith.constant dense<0.000000e+00> : vector<2000x128xf32>
    %dot_general3A_16 = tpu.matmul %mul3A_12, %get3A_15, %dot_general3A {dimension_numbers = #tpu.dot_dimension_numbers<[1], [0], [0], [1], [0, 0, 1, 1], [], []>, transpose_lhs_hint = false} : vector<2000x128xf32>, vector<128x128xf32>, vector<2000x128xf32> -> vector<2000x128xf32>
    %get3A_17 = arith.constant 0 : index
    %get3A_18 = arith.constant 0 : index
    %get3A_19 = vector.load %arg3[%get3A_17, %get3A_18] : memref<2000x128xf32, #tpu.memory_space<vmem>>, vector<2000x128xf32>
    %get3A_20 = arith.constant 0 : index
    %get3A_21 = arith.constant 0 : index
    %get3A_22 = vector.load %arg5[%get3A_20, %get3A_21] : memref<128x128xf32, #tpu.memory_space<vmem>>, vector<128x128xf32>
    %dot_general3A_23 = arith.constant dense<0.000000e+00> : vector<2000x128xf32>
    %dot_general3A_24 = tpu.matmul %get3A_19, %get3A_22, %dot_general3A_23 {dimension_numbers = #tpu.dot_dimension_numbers<[1], [0], [0], [1], [0, 0, 1, 1], [], []>, transpose_lhs_hint = false} : vector<2000x128xf32>, vector<128x128xf32>, vector<2000x128xf32> -> vector<2000x128xf32>
    %add3A_25 = arith.addf %dot_general3A_16, %dot_general3A_24 : vector<2000x128xf32>
    %get3A_26 = arith.constant 0 : index
    %get3A_27 = arith.constant 0 : index
    %get3A_28 = vector.load %arg6[%get3A_26, %get3A_27] : memref<1x128xf32, #tpu.memory_space<vmem>>, vector<1x128xf32>
    %add3A_29 = vector.broadcast %get3A_28 : vector<1x128xf32> to vector<2000x128xf32>
    %add3A_30 = arith.addf %add3A_25, %add3A_29 : vector<2000x128xf32>
    %max3A = arith.constant 0.000000e+00 : f32
    %max3A_31 = vector.broadcast %max3A : f32 to vector<2000x128xf32>
    %max3A_32 = arith.maximumf %add3A_30, %max3A_31 : vector<2000x128xf32>
    %swap3A = arith.constant 0 : index
    %swap3A_33 = arith.constant 0 : index
    %swap3A_34 = vector.load %arg7[%swap3A, %swap3A_33] : memref<2000x128xf32, #tpu.memory_space<vmem>>, vector<2000x128xf32>
    tpu.vector_store %arg7[%swap3A, %swap3A_33], %max3A_32 {strides = array<i32>} : memref<2000x128xf32, #tpu.memory_space<vmem>>, vector<2000x128xf32>,
    return
  }
  func.func @transform_0(%arg0: i32) -> (i32, i32, i32) {
    %c0_i32 = arith.constant 0 : i32
    %c0_i32_0 = arith.constant 0 : i32
    %c0_i32_1 = arith.constant 0 : i32
    return %c0_i32, %arg0, %c0_i32_0 : i32, i32, i32
  }
  func.func @transform_1(%arg0: i32) -> (i32, i32) {
    %c0_i32 = arith.constant 0 : i32
    %c0_i32_0 = arith.constant 0 : i32
    return %arg0, %c0_i32 : i32, i32
  }
  func.func @transform_2(%arg0: i32) -> (i32, i32) {
    %c0_i32 = arith.constant 0 : i32
    %c0_i32_0 = arith.constant 0 : i32
    return %arg0, %c0_i32 : i32, i32
  }
  func.func @transform_3(%arg0: i32) -> (i32, i32) {
    %c0_i32 = arith.constant 0 : i32
    %c0_i32_0 = arith.constant 0 : i32
    %c0_i32_1 = arith.constant 0 : i32
    return %c0_i32, %c0_i32_0 : i32, i32
  }
  func.func @transform_4(%arg0: i32) -> (i32, i32) {
    %c0_i32 = arith.constant 0 : i32
    %c0_i32_0 = arith.constant 0 : i32
    %c0_i32_1 = arith.constant 0 : i32
    return %c0_i32, %c0_i32_0 : i32, i32
  }
  func.func @transform_5(%arg0: i32) -> (i32, i32) {
    %c0_i32 = arith.constant 0 : i32
    %c0_i32_0 = arith.constant 0 : i32
    %c0_i32_1 = arith.constant 0 : i32
    return %c0_i32, %c0_i32_0 : i32, i32
  }
  func.func @transform_6(%arg0: i32) -> (i32, i32) {
    %c0_i32 = arith.constant 0 : i32
    %c0_i32_0 = arith.constant 0 : i32
    return %arg0, %c0_i32 : i32, i32
  }
}

module attributes {stable_mosaic.version = 14 : i64} {
  func.func @_tc_dense_body(%arg0: i32, %arg1: memref<2x2000x128xf32, #tpu.memory_space<vmem>>, %arg2: memref<2000x1xf32, #tpu.memory_space<vmem>>, %arg3: memref<2000x128xf32, #tpu.memory_space<vmem>>, %arg4: memref<128x128xf32, #tpu.memory_space<vmem>>, %arg5: memref<128x128xf32, #tpu.memory_space<vmem>>, %arg6: memref<1x128xf32, #tpu.memory_space<vmem>>, %arg7: memref<2000x128xf32, #tpu.memory_space<vmem>>) attributes {dimension_semantics = [#tpu.dimension_semantics<arbitrary>], iteration_bounds = array<i64: 5>, scalar_prefetch = 0 : i64, scratch_operands = 0 : i64, tpu.core_type = #tpu.core_type<tc>, window_params = [{transform_indices = @transform_0, window_bounds = array<i64: 2, 2000, 128>}, {transform_indices = @transform_1, window_bounds = array<i64: 2000, 1>}, {transform_indices = @transform_2, window_bounds = array<i64: 2000, 128>}, {pipeline_mode = #tpu.pipeline_mode<synchronous>, transform_indices = @transform_3, window_bounds = array<i64: 128, 128>}, {pipeline_mode = #tpu.pipeline_mode<synchronous>, transform_indices = @transform_4, window_bounds = array<i64: 128, 128>}, {pipeline_mode = #tpu.pipeline_mode<synchronous>, transform_indices = @transform_5, window_bounds = array<i64: 1, 128>}, {transform_indices = @transform_6, window_bounds = array<i64: 2000, 128>}]} {
    %get3A = arith.constant 0 : index
    %get3A_0 = arith.constant 0 : index
    %get3A_1 = vector.load %arg2[%get3A, %get3A_0] : memref<2000x1xf32, #tpu.memory_space<vmem>>, vector<2000x1xf32>
    %reshape3A = vector.shape_cast %get3A_1 : vector<2000x1xf32> to vector<2000xf32>
    %get3A_2 = arith.constant 0 : index
    %get3A_3 = arith.constant 0 : index
    %get3A_4 = arith.constant 0 : index
    %get3A_5 = vector.load %arg1[%get3A_2, %get3A_3, %get3A_4] : memref<2x2000x128xf32, #tpu.memory_space<vmem>>, vector<1x2000x128xf32>
    %get3A_6 = vector.shape_cast %get3A_5 : vector<1x2000x128xf32> to vector<2000x128xf32>
    %get3A_7 = arith.constant 1 : index
    %get3A_8 = arith.constant 0 : index
    %get3A_9 = arith.constant 0 : index
    %get3A_10 = vector.load %arg1[%get3A_7, %get3A_8, %get3A_9] : memref<2x2000x128xf32, #tpu.memory_space<vmem>>, vector<1x2000x128xf32>
    %get3A_11 = vector.shape_cast %get3A_10 : vector<1x2000x128xf32> to vector<2000x128xf32>
    %add3A = arith.addf %get3A_6, %get3A_11 : vector<2000x128xf32>
    %broadcast_in_dim3A = vector.shape_cast %reshape3A : vector<2000xf32> to vector<2000x1xf32>
    %mul3A = vector.broadcast %broadcast_in_dim3A : vector<2000x1xf32> to vector<2000x128xf32>
    %mul3A_12 = arith.mulf %add3A, %mul3A : vector<2000x128xf32>
    %get3A_13 = arith.constant 0 : index
    %get3A_14 = arith.constant 0 : index
    %get3A_15 = vector.load %arg4[%get3A_13, %get3A_14] : memref<128x128xf32, #tpu.memory_space<vmem>>, vector<128x128xf32>
    %dot_general3A = arith.constant dense<0.000000e+00> : vector<2000x128xf32>
    %dot_general3A_16 = tpu.matmul %mul3A_12, %get3A_15, %dot_general3A {dimension_numbers = #tpu.dot_dimension_numbers<[1], [0], [0], [1], [0, 0, 1, 1], [], []>, transpose_lhs_hint = false} : vector<2000x128xf32>, vector<128x128xf32>, vector<2000x128xf32> -> vector<2000x128xf32>
    %get3A_17 = arith.constant 0 : index
    %get3A_18 = arith.constant 0 : index
    %get3A_19 = vector.load %arg3[%get3A_17, %get3A_18] : memref<2000x128xf32, #tpu.memory_space<vmem>>, vector<2000x128xf32>
    %get3A_20 = arith.constant 0 : index
    %get3A_21 = arith.constant 0 : index
    %get3A_22 = vector.load %arg5[%get3A_20, %get3A_21] : memref<128x128xf32, #tpu.memory_space<vmem>>, vector<128x128xf32>
    %dot_general3A_23 = arith.constant dense<0.000000e+00> : vector<2000x128xf32>
    %dot_general3A_24 = tpu.matmul %get3A_19, %get3A_22, %dot_general3A_23 {dimension_numbers = #tpu.dot_dimension_numbers<[1], [0], [0], [1], [0, 0, 1, 1], [], []>, transpose_lhs_hint = false} : vector<2000x128xf32>, vector<128x128xf32>, vector<2000x128xf32> -> vector<2000x128xf32>
    %add3A_25 = arith.addf %dot_general3A_16, %dot_general3A_24 : vector<2000x128xf32>
    %get3A_26 = arith.constant 0 : index
    %get3A_27 = arith.constant 0 : index
    %get3A_28 = vector.load %arg6[%get3A_26, %get3A_27] : memref<1x128xf32, #tpu.memory_space<vmem>>, vector<1x128xf32>
    %add3A_29 = vector.broadcast %get3A_28 : vector<1x128xf32> to vector<2000x128xf32>
    %add3A_30 = arith.addf %add3A_25, %add3A_29 : vector<2000x128xf32>
    %max3A = arith.constant 0.000000e+00 : f32
    %max3A_31 = vector.broadcast %max3A : f32 to vector<2000x128xf32>
    %max3A_32 = arith.maximumf %add3A_30, %max3A_31 : vector<2000x128xf32>
    %swap3A = arith.constant 0 : index
    %swap3A_33 = arith.constant 0 : index
    %swap3A_34 = vector.load %arg7[%swap3A, %swap3A_33] : memref<2000x128xf32, #tpu.memory_space<vmem>>, vector<2000x128xf32>
    tpu.vector_store %arg7[%swap3A, %swap3A_33], %max3A_32 {strides = array<i32>} : memref<2000x128xf32, #tpu.memory_space<vmem>>, vector<2000x128xf32>,
    return
  }
  func.func @transform_0(%arg0: i32) -> (i32, i32, i32) {
    %c0_i32 = arith.constant 0 : i32
    %c0_i32_0 = arith.constant 0 : i32
    %c0_i32_1 = arith.constant 0 : i32
    return %c0_i32, %arg0, %c0_i32_0 : i32, i32, i32
  }
  func.func @transform_1(%arg0: i32) -> (i32, i32) {
    %c0_i32 = arith.constant 0 : i32
    %c0_i32_0 = arith.constant 0 : i32
    return %arg0, %c0_i32 : i32, i32
  }
  func.func @transform_2(%arg0: i32) -> (i32, i32) {
    %c0_i32 = arith.constant 0 : i32
    %c0_i32_0 = arith.constant 0 : i32
    return %arg0, %c0_i32 : i32, i32
  }
  func.func @transform_3(%arg0: i32) -> (i32, i32) {
    %c0_i32 = arith.constant 0 : i32
    %c0_i32_0 = arith.constant 0 : i32
    %c0_i32_1 = arith.constant 0 : i32
    return %c0_i32, %c0_i32_0 : i32, i32
  }
  func.func @transform_4(%arg0: i32) -> (i32, i32) {
    %c0_i32 = arith.constant 0 : i32
    %c0_i32_0 = arith.constant 0 : i32
    %c0_i32_1 = arith.constant 0 : i32
    return %c0_i32, %c0_i32_0 : i32, i32
  }
  func.func @transform_5(%arg0: i32) -> (i32, i32) {
    %c0_i32 = arith.constant 0 : i32
    %c0_i32_0 = arith.constant 0 : i32
    %c0_i32_1 = arith.constant 0 : i32
    return %c0_i32, %c0_i32_0 : i32, i32
  }
  func.func @transform_6(%arg0: i32) -> (i32, i32) {
    %c0_i32 = arith.constant 0 : i32
    %c0_i32_0 = arith.constant 0 : i32
    return %arg0, %c0_i32 : i32, i32
  }
}

</mosaic_0001>

<sc_bundles>
// kernel: sage_sc_aggregate.4.cloned.1.call-start
scs
__scs_entry_jumppad:
0x0: {  	(pc) =	sbr.rel $0x88, $3  }
0x1: {  	(tag) =	ssettag $0x0;
	lr =	simm.s32 $0x1  }
0x2: {  	[smem:$0x3F99] =	sst lr;
	_ =	strace $0xD0000000  }
0x3: {  	_ = 	snop  }
0x4: {  	_ = 	snop  }
0x5: {  	_ = 	snop  }
0x6: {  	_ = 	snop  }
0x7: {  	_ = 	snop  }
__scs_overlays_trampoline_lowered:
0x8: {  	[smem:$0x3FA8] =	sst s0  }
0x9: {  	[smem:$0x3FA9] =	sst s1  }
0xa: {  	[smem:$0x3FAA] =	sst s2  }
0xb: {  	[smem:$0x3FAB] =	sst s3  }
0xc: {  	[smem:$0x3FAC] =	sst s4  }
0xd: {  	[smem:$0x3FAD] =	sst s5  }
0xe: {  	[smem:$0x3FAE] =	sst s6  }
0xf: {  	[smem:$0x3FAF] =	sst s7  }
0x10: {  	[smem:$0x3FB0] =	sst s8  }
0x11: {  	[smem:$0x3FB1] =	sst s9;
	s0 =	simm.s32 @!p0 $0x0  }
0x12: {  	s1 =	sld [smem:$0x3F97];
	s0 =	simm.s32 @p0 $0x1  }
0x13: {  	[smem:$0x3FB2] =	sst s0;
	s0 =	simm.s32 @!p1 $0x0  }
0x14: {  	s2 =	sld [smem:$0x3F96];
	s0 =	simm.s32 @p1 $0x1  }
0x15: {  	[smem:$0x3FB3] =	sst s0;
	s0 =	simm.s32 @!p2 $0x0  }
0x16: {  	s3 =	sld [smem:$0x3FDB];
	s0 =	simm.s32 @p2 $0x1  }
0x17: {  	s4 =	simm.s32 $0x1BF5;
	[smem:$0x3FB5] =	sst s0  }
0x18: {  	s0 =	sld [smem:$0x3F98];
	_ =	swait.ge [sflag:s4], $0x0  }
0x19: {  	s7 =	sld [smem:$0x3F99]  }
0x1a: {  	s8 =	sadd.s32 $0xFFFFE003, lr  }
0x1b: {  	s9 =	sadd.s32 $0xFFFFFEF7, lr;
	s5 =	simm.s32 $0xFFFFFFFF;
	p2 =	slt.u32 s8, $0xFFFFF086  }
0x1c: {  	p1 =	slt.u32 s9, $0xF7A;
	s5 =	simm.s32 @!p2 $0x0  }
0x1d: {  	s5 =	simm.s32 @p1 $0x1;
	p0 =	seq.s32 s7, s2  }
0x1e: {  	s7 =	smul.u32 @!p0 $0xF7A, s2;
	p2 =	seq.s32 @!p0 s5, $0x0  }
0x1f: {  	s9 =	smul.u32 $0xF7A, s1;
	s8 =	simm.s32 @!p0 $0x1BF5;
	p2 =	por !p2, p0  }
0x20: {  	[sflag:s8] =	ssyncset.s32 @!p0 $0xFFFFF086;
	s6 =	sadd.s32 @!p0 s3, s7;
	s7 =	simm.s32 @!p0 $0x108  }
0x21: {  	s3 =	sadd.s32 s3, s9;
	s6 =	sadd.s32 @!p0 $0x88, s6;
	s7 =	simm.s32 @p2 $0x1082  }
0x22: {  	[simem:s7], [sflag:s8] =	dma.local @!p0 [hbm:s6], $0xF7A  }
0x23: {  	s9 =	sor.u32 $0xD0000000, s2;
	s6 =	simm.s32 $0x108;
	_ =	swait.ge @!p0 [sflag:s8], $0x0  }
0x24: {  	s3 =	sadd.s32 $0x88, s3;
	s6 =	simm.s32 @!p1 $0x1082;
	[sflag:s4] =	ssyncset.s32 $0xFFFFF086  }
0x25: {  	[simem:s6], [sflag:s4] =	dma.local [hbm:s3], $0xF7A  }
0x26: {  	[smem:$0x3F99] =	sst s1;
	(tag) =	ssettag s2;
	_ =	strace s9  }
0x27: {  	s1 =	sld [smem:$0x3FA9]  }
0x28: {  	s2 =	sld [smem:$0x3FAA]  }
0x29: {  	s4 =	sld [smem:$0x3FAC]  }
0x2a: {  	p0 =	seq.s32 s5, $0x0;
	s5 =	sld [smem:$0x3FAD]  }
0x2b: {  	s6 =	sld [smem:$0x3FAE]  }
0x2c: {  	s7 =	sld [smem:$0x3FAF]  }
0x2d: {  	s3 =	simm.s32 $0x108;
	s8 =	sld [smem:$0x3FB0]  }
0x2e: {  	s3 =	simm.s32 @!p0 $0x1082;
	s9 =	sld [smem:$0x3FB1]  }
0x2f: {  	lr =	sadd.s32 s0, s3;
	s0 =	sld [smem:$0x3FA8]  }
0x30: {  	s3 =	sld [smem:$0x3FAB]  }
0x31: {  	[smem:$0x3FB4] =	sst s10  }
0x32: {  	s10 =	sld [smem:$0x3FB2];
	_ =	sdelay $0x3  }
0x33: {  	p0 =	seq.s32 s10, $0x1;
	s10 =	sld [smem:$0x3FB4];
	_ =	sdelay $0x3  }
0x34: {  	[smem:$0x3FB4] =	sst s10  }
0x35: {  	s10 =	sld [smem:$0x3FB3];
	_ =	sdelay $0x3  }
0x36: {  	p1 =	seq.s32 s10, $0x1;
	s10 =	sld [smem:$0x3FB4];
	_ =	sdelay $0x3  }
0x37: {  	[smem:$0x3FB4] =	sst s10  }
0x38: {  	s10 =	sld [smem:$0x3FB5]  }
0x39: {  	_ = 	snop;
	(pc) =	sbr.ind lr, $3  }
0x3a: {  	_ = 	snop  }
0x3b: {  	_ = 	snop  }
0x3c: {  	p2 =	seq.s32 s10, $0x1;
	s10 =	sld [smem:$0x3FB4]  }
0x3d: {  	_ =	shalt  }
0x3e: {  	_ =	shalt  }
0x3f: {  	_ =	shalt  }
0x40: {  	_ =	shalt  }
0x41: {  	_ =	shalt  }
0x42: {  	_ =	shalt  }
0x43: {  	_ =	shalt  }
0x44: {  	_ =	shalt  }
0x45: {  	_ =	shalt  }
0x46: {  	_ =	shalt  }
0x47: {  	_ =	shalt  }
0x48: {  	_ =	shalt  }
0x49: {  	_ =	shalt  }
0x4a: {  	_ =	shalt  }
0x4b: {  	_ =	shalt  }
0x4c: {  	_ =	shalt  }
0x4d: {  	_ =	shalt  }
0x4e: {  	_ =	shalt  }
0x4f: {  	_ =	shalt  }
0x50: {  	_ =	shalt  }
0x51: {  	_ =	shalt  }
0x52: {  	_ =	shalt  }
0x53: {  	_ =	shalt  }
0x54: {  	_ =	shalt  }
0x55: {  	_ =	shalt  }
0x56: {  	_ =	shalt  }
0x57: {  	_ =	shalt  }
0x58: {  	_ =	shalt  }
0x59: {  	_ =	shalt  }
0x5a: {  	_ =	shalt  }
0x5b: {  	_ =	shalt  }
0x5c: {  	_ =	shalt  }
0x5d: {  	_ =	shalt  }
0x5e: {  	_ =	shalt  }
0x5f: {  	_ =	shalt  }
0x60: {  	_ =	shalt  }
0x61: {  	_ =	shalt  }
0x62: {  	_ =	shalt  }
0x63: {  	_ =	shalt  }
0x64: {  	_ =	shalt  }
0x65: {  	_ =	shalt  }
0x66: {  	_ =	shalt  }
0x67: {  	_ =	shalt  }
0x68: {  	_ =	shalt  }
0x69: {  	_ =	shalt  }
0x6a: {  	_ =	shalt  }
0x6b: {  	_ =	shalt  }
0x6c: {  	_ =	shalt  }
0x6d: {  	_ =	shalt  }
0x6e: {  	_ =	shalt  }
0x6f: {  	_ =	shalt  }
0x70: {  	_ =	shalt  }
0x71: {  	_ =	shalt  }
0x72: {  	_ =	shalt  }
0x73: {  	_ =	shalt  }
0x74: {  	_ =	shalt  }
0x75: {  	_ =	shalt  }
0x76: {  	_ =	shalt  }
0x77: {  	_ =	shalt  }
0x78: {  	_ =	shalt  }
0x79: {  	_ =	shalt  }
0x7a: {  	_ =	shalt  }
0x7b: {  	_ =	shalt  }
0x7c: {  	_ =	shalt  }
0x7d: {  	_ =	shalt  }
0x7e: {  	_ =	shalt  }
0x7f: {  	_ =	shalt  }
0x80: {  	_ =	shalt  }
0x81: {  	_ =	shalt  }
0x82: {  	_ =	shalt  }
0x83: {  	_ =	shalt  }
0x84: {  	_ =	shalt  }
0x85: {  	_ =	shalt  }
0x86: {  	_ =	shalt  }
0x87: {  	_ =	shalt  }
.Lfunc_end0:
.L_simem_size_0:
called_computation.1_lowered:
.L_overlay_start_0:
0x88: {  	s2 =	sld [smem:$0x3FD9]  }
0x89: {  	s3 =	sld [smem:$0x3FFE];
	_ =	sdelay $0x1  }
0x8a: {  	s1 =	srdreg.scid  }
0x8b: {  	s0 =	sand.u32 $0x1, s1  }
0x8c: {  	s17 =	sshll.u32 s0, $0xA;
	s2 =	sadd.s32 s3, s2  }
0x8d: {  	s2 =	sadd.s32 s2, s17  }
0x8e: {  	[smem:$0x3FC0] =	sst s2  }
0x8f: {  	_ = 	snop  }
0x90: {  	s18 =	sld [smem:$0x3FC9];
	(tm) =	ssettm $0x1  }
0x91: {  	s19 =	sld [smem:$0x3FFB];
	_ =	sdelay $0x3  }
0x92: {  	_ =	strace s19  }
0x93: {  	s2 =	sld [smem:$0x3FFC];
	_ =	sdelay $0x3  }
0x94: {  	_ =	strace s2  }
0x95: {  	s2 =	sld [smem:$0x3FFD];
	_ =	sdelay $0x3  }
0x96: {  	_ =	strace s2  }
0x97: {  	_ =	strace $0x8FFFFFFF  }
0x98: {  	s20 =	sld [smem:$0x3FDB];
	_ =	sdelay $0x1  }
0x99: {  	s4 =	simm.s32 $_scs_section_size  }
0x9a: {  	s5 =	simm.s32 $_size__tile_overlayer_lowered;
	s6 =	simm.s32 $_tile_overlayer_lowered  }
0x9b: {  	s7 =	simm.s32 $0x1BFF;
	s21 =	sshll.u32 s6, $0x1;
	s4 =	sadd.s32 s4, s20  }
0x9c: {  	s22 =	simm.s32 $0x0;
	s5 =	sshll.u32 s5, $0x1;
	s6 =	sadd.s32 s21, s4  }
0x9d: {  	[timem:s22], [sflag:s7] =	dma.local [hbm:s6], s5  }
0x9e: {  	_ =	swait.ge [sflag:s7], s5  }
0x9f: {  	s5 =	ssub.s32 $0x0, s5;
	[sflag:s7] =	ssyncset.done $0x0  }
0xa0: {  	[sflag:s7] =	ssyncadd.s32 s5;
	_ =	sdelay $0x1  }
0xa1: {  	s23 =	simm.s32 $0x1B8B  }
0xa2: {  	_ =	swait.ge [sflag:s23], $0x1  }
0xa3: {  	[sflag:s23] =	ssyncset.done $0x0  }
0xa4: {  	[sflag:s23] =	ssyncadd.s32 $0xFFFFFFFF  }
0xa5: {  	s5 =	sld [smem:$0x0]  }
0xa6: {  	s6 =	sand.u32 $0xFFFFFFFE, s1  }
0xa7: {  	p0 =	sne.s32 s1, s6  }
0xa8: {  	s6 =	sshll.u32 @p0 s6, $0xE  }
0xa9: {  	s6 =	sadd.s32 @p0 $0x11B8D, s6;
	s7 =	sshll.u32 @p0 s5, $0x11  }
0xaa: {  	s6 =	sor.u32 @p0 s7, s6  }
0xab: {  	[sflag:s6] =	ssyncadd.remote.s32 @p0 $0x1;
	_ =	sdelay $0x1  }
0xac: {  	s6 =	simm.s32 @p0 $0x1B8D  }
0xad: {  	_ =	swait.eq @p0 [sflag:s6], $0x1  }
0xae: {  	[sflag:s6] =	ssyncadd.s32 @p0 $0xFFFFFFFF  }
0xaf: {  	s7 =	sshll.u32 @!p0 s1, $0xE  }
0xb0: {  	s7 =	sor.u32 @!p0 $0x4000, s7;
	s6 =	simm.s32 @!p0 $0x1B8D  }
0xb1: {  	s5 =	sshll.u32 @!p0 s5, $0x11;
	s7 =	sadd.s32 @!p0 $0x11B8D, s7;
	_ =	swait.eq @!p0 [sflag:s6], $0x1  }
0xb2: {  	s5 =	sor.u32 @!p0 s5, s7;
	[sflag:s6] =	ssyncadd.s32 @!p0 $0xFFFFFFFF  }
0xb3: {  	s25 =	simm.s32 $0x1B8E;
	s24 =	sld [smem:$0x3FFE];
	[sflag:s5] =	ssyncadd.remote.s32 @!p0 $0x1  }
0xb4: {  	s26 =	simm.s32 $execute0_lowered;
	[smem:$0x3FD2] =	sst s25  }
0xb5: {  	s6 =	sshll.u32 s26, $0x1;
	_ =	strace $0x80000049;
	[dreg:$0x1] =	wrdreg $0xFFFFFFFF  }
0xb6: {  	s28 =	simm.s32 $_size_execute0_lowered;
	s4 =	sadd.s32 s4, s6;
	[dreg:$0x0] =	wrdreg $0x0  }
0xb7: {  	s6 =	sshll.u32 s28, $0x1;
	[dreg:$0x2] =	wrdreg s4  }
0xb8: {  	[dreg:$0x3] =	wrdreg s6  }
0xb9: {  	[dreg:$0x4] =	wrdreg $0xC0  }
0xba: {  	_ =	task [dreg:s22], $0x5FFFF  }
0xbb: {  	[dreg:$0x1] =	wrdreg $0xFFFFFFFF  }
0xbc: {  	[dreg:$0x0] =	wrdreg $0x60  }
0xbd: {  	[dreg:$0x2] =	wrdreg s18  }
0xbe: {  	[dreg:$0x3] =	wrdreg s24  }
0xbf: {  	[dreg:$0x4] =	wrdreg $0x0  }
0xc0: {  	[dreg:$0x5] =	wrdreg $0xA  }
0xc1: {  	_ =	task.clear_ibuf [dreg:s22], $0x6FFFF;
	_ =	strace $0x90000049  }
0xc2: {  	s29 =	simm.s32 $0xA;
	_ =	strace $0x8000004B  }
0xc3: {  	_ =	swait.ge [sflag:s29], $0x1  }
0xc4: {  	[sflag:s29] =	ssyncadd.s32 $0xFFFFFFFF  }
0xc5: {  	_ =	strace $0x9000004B  }
0xc6: {  	_ =	sfence  }
0xc7: {  	s30 =	sld [smem:$0x0];
	_ =	sdelay $0x2  }
0xc8: {  	s31 =	sshll.u32 s1, $0xD;
	s1 =	sshrl.u32 s1, $0x2  }
0xc9: {  	s4 =	sand.u32 $0x4000, s31;
	s1 =	sadd.s32 s1, s30  }
0xca: {  	s0 =	sor.u32 s4, s0;
	s1 =	sshll.u32 s1, $0x11  }
0xcb: {  	s0 =	sor.u32 s1, s0  }
0xcc: {  	s0 =	sadd.s32 $0x8F2B, s0  }
0xcd: {  	[sflag:s0] =	ssyncadd.remote.s32 $0x1  }
0xce: {  	_ =	sfence.sel $0xFFFF  }
0xcf: {  	[dreg:$0x0] =	wrdreg $0xFFFFFFFF;
	(pc) =	sbr.abs _section_cstart, $3  }
0xd0: {  	[dreg:$0x1] =	wrdreg $0xFFFFFFFF  }
0xd1: {  	_ =	task.clear_ibuf [dreg:s22], $0x2FFFF;
	_ =	strace $0x9FFFFFFF  }
0xd2: {  	(tm) =	ssettm $0x7FFFFFFF  }
0xd3: {  	_ =	shalt  }
tec
execute0_lowered:
.L_overlay_start_1:
0x0: {  	(tag) =	ssettag $0x1  }
0x1: {  	s1 =	rddreg [dreg:$0x0]  }
0x2: {  	s0 =	rddreg [dreg:$0x1]  }
0x3: {  	s2 =	rddreg [dreg:$0x2]  }
0x4: {  	s4 =	simm.s32 $0x0;
	s3 =	srdreg.scid;
	s10 =	stileid.u32  }
0x5: {  	s28 =	simm.s32 $0x1;
	s29 =	simm.s32 $0x2;
	s30 =	simm.s32 $0x3  }
0x6: {  	s31 =	simm.s32 $0x15B00;
	[smem:$0x7FF] =	sst s4;
	s3 =	sand.u32 $0x1, s3  }
0x7: {  	s5 =	sadd.s32 $0x12200, s0;
	s6 =	sadd.s32 $0x2200, s0;
	s7 =	smul.u32 $0x4F000, s10  }
0x8: {  	s9 =	sshll.u32 s10, $0xB;
	s26 =	smul.u32 $0x2780, s10;
	_ =	strace $0x8000004A  }
0x9: {  	s18 =	smul.u32 $0x27800, s3;
	s19 =	ssub.s32 $0x2, s3;
	s3 =	sshll.u32 s3, $0xF  }
0xa: {  	s8 =	sshrl.u32 s19, $0x1;
	s3 =	sor.u32 s9, s3;
	s7 =	sshrl.u32 s7, $0x2  }
0xb: {  	s0 =	sadd.s32 s18, s0;
	s4 =	ssub.s32 s19, s8;
	s20 =	sadd.s32 s5, s3  }
0xc: {  	s21 =	sadd.s32 s6, s3;
	s7 =	sadd.s32 s7, s2;
	s3 =	sor.u32 $0x400, s3  }
0xd: {  	s18 =	simm.s32 $0x13C00;
	s19 =	simm.s32 $0x4;
	[dreg:$0x4] =	wrdreg s20  }
0xe: {  	[dreg:$0x5] =	wrdreg s21;
	s22 =	sadd.s32 $0x2800, s7;
	s23 =	sadd.s32 $0x5000, s7  }
0xf: {  	s24 =	sadd.s32 $0x7800, s7;
	s25 =	sadd.s32 $0xA000, s7;
	s12 =	sadd.s32 $0xC800, s7  }
0x10: {  	s13 =	sadd.s32 $0xF000, s7;
	s14 =	sadd.s32 $0x11800, s7;
	s15 =	sadd.s32 s5, s3  }
0x11: {  	s16 =	sadd.s32 s6, s3;
	s0 =	sadd.s32 $0x22200, s0;
	[dreg:$0x6] =	wrdreg s22  }
0x12: {  	s17 =	smax.u32 s4, $0x1;
	s20 =	simm.s32 $0x15C00;
	[dreg:$0x7] =	wrdreg s23  }
0x13: {  	s21 =	simm.s32 $0x50;
	s4 =	simm.s32 $0x17A80;
	[dreg:$0x8] =	wrdreg s24  }
0x14: {  	s3 =	simm.s32 $0x17B00;
	s5 =	simm.s32 $0x0;
	[dreg:$0x9] =	wrdreg s25  }
0x15: {  	s22 =	simm.s32 $0x17C00;
	s23 =	simm.s32 $0x13C80;
	s24 =	sadd.s32 s26, s0  }
0x16: {  	v0 =	vimm.f32 $0.0e+00;
	s25 =	simm.s32 $0x1A400;
	s26 =	simm.s32 $0x1CC00;
	s0 =	simm.s32 $0x17A00  }
.LBB2_1:
0x17: {  	s6 =	simm.s32 $0x0;
	s8 =	rddreg [dreg:$0x4]  }
0x18: {  	[tilespmem:s18], [sflag:$0x4] =	stream.linear.gather [hbm4b:s8+s6], $0x1F80, $0x38;
	[tilespmem:$0x1F400] =	vst v63  }
0x19: {  	_ =	swait.ge [sflag:s19], $0x1F80  }
0x1a: {  	[sflag:s19] =	ssyncset.done $0x0  }
0x1b: {  	s11 =	rddreg [dreg:$0x5];
	[sflag:s19] =	ssyncadd.s32 $0xFFFFE080  }
0x1c: {  	[tilespmem:s20], [sflag:$0x4] =	stream.linear.gather [hbm4b:s11+s6], $0x1F80, $0x38;
	[tilespmem:$0x1F400] =	vst v63  }
0x1d: {  	_ =	swait.ge [sflag:s19], $0x1F80  }
0x1e: {  	[sflag:s19] =	ssyncset.done $0x0  }
0x1f: {  	[sflag:s19] =	ssyncadd.s32 $0xFFFFE080  }
0x20: {  	[tilespmem:s22], [sflag:$0x1] =	stream.indirect.gather [hbm4b:s1+s21], $0x80, s18, s21, $0xb8;
	[tilespmem:$0x1F400] =	vst v63  }
0x21: {  	s8 =	simm.s32 $0x200;
	s6 =	simm.s32 $0x0  }
0x22: {  	[tilespmem:s25], [sflag:$0x2] =	stream.indirect.gather [hbm4b:s1+s21], $0x80, s23, s21, $0xb8;
	[tilespmem:$0x1F400] =	vst v63  }
.LBB2_2:
0x23: {  	p0 =	sne.s32 s8, $0x9E00;
	[tilespmem:s6+$0x1CC70] =	vst v0  }
0x24: {  	[tilespmem:s6+$0x1CC00] =	vst v0  }
0x25: {  	[tilespmem:s6+$0x1CC10] =	vst v0  }
.Ltmp0:
0x26: {  	[tilespmem:s6+$0x1CC20] =	vst v0;
	(pc) =	sbr.rel @p0 .LBB2_2-.Ltmp0, $4  }
0x27: {  	[tilespmem:s6+$0x1CC30] =	vst v0  }
0x28: {  	[tilespmem:s6+$0x1CC40] =	vst v0  }
0x29: {  	[tilespmem:s6+$0x1CC50] =	vst v0  }
0x2a: {  	[tilespmem:s6+$0x1CC60] =	vst v0;
	s6 =	sshra.s32 s8, $0x2;
	s8 =	sadd.s32 $0x200, s8  }
0x2b: {  	[tilespmem:s6+$0x1CC70] =	vst v0  }
0x2c: {  	[tilespmem:s6+$0x1CC00] =	vst v0  }
0x2d: {  	[tilespmem:s6+$0x1CC10] =	vst v0  }
0x2e: {  	[tilespmem:s6+$0x1CC20] =	vst v0  }
0x2f: {  	[tilespmem:s6+$0x1CC30] =	vst v0  }
0x30: {  	[tilespmem:s6+$0x1CC40] =	vst v0  }
0x31: {  	[tilespmem:s6+$0x1CC50] =	vst v0  }
0x32: {  	[tilespmem:s6+$0x1CC60] =	vst v0  }
0x33: {  	[spmem:s7] =	stream.linear.scatter [tilespmem:s26], [sflag:$0x4], $0x2800, $0x38;
	[tilespmem:$0x1F400] =	vst v63  }
0x34: {  	_ =	swait.ge [sflag:s19], $0x2800  }
0x35: {  	[sflag:s19] =	ssyncset.done $0x0  }
0x36: {  	s10 =	rddreg [dreg:$0x6];
	[sflag:s19] =	ssyncadd.s32 $0xFFFFD800  }
0x37: {  	[spmem:s10] =	stream.linear.scatter [tilespmem:s26], [sflag:$0x4], $0x2800, $0x38;
	[tilespmem:$0x1F400] =	vst v63  }
0x38: {  	_ =	swait.ge [sflag:s19], $0x2800  }
0x39: {  	[sflag:s19] =	ssyncset.done $0x0  }
0x3a: {  	s11 =	rddreg [dreg:$0x7];
	[sflag:s19] =	ssyncadd.s32 $0xFFFFD800  }
0x3b: {  	[spmem:s11] =	stream.linear.scatter [tilespmem:s26], [sflag:$0x4], $0x2800, $0x38;
	[tilespmem:$0x1F400] =	vst v63  }
0x3c: {  	_ =	swait.ge [sflag:s19], $0x2800  }
0x3d: {  	[sflag:s19] =	ssyncset.done $0x0  }
0x3e: {  	s8 =	rddreg [dreg:$0x8];
	[sflag:s19] =	ssyncadd.s32 $0xFFFFD800  }
0x3f: {  	[spmem:s8] =	stream.linear.scatter [tilespmem:s26], [sflag:$0x4], $0x2800, $0x38;
	[tilespmem:$0x1F400] =	vst v63  }
0x40: {  	_ =	swait.ge [sflag:s19], $0x2800  }
0x41: {  	[sflag:s19] =	ssyncset.done $0x0  }
0x42: {  	s9 =	rddreg [dreg:$0x9];
	[sflag:s19] =	ssyncadd.s32 $0xFFFFD800  }
0x43: {  	[spmem:s9] =	stream.linear.scatter [tilespmem:s26], [sflag:$0x4], $0x2800, $0x38;
	[tilespmem:$0x1F400] =	vst v63  }
0x44: {  	_ =	swait.ge [sflag:s19], $0x2800  }
0x45: {  	[sflag:s19] =	ssyncset.done $0x0  }
0x46: {  	[sflag:s19] =	ssyncadd.s32 $0xFFFFD800  }
0x47: {  	[spmem:s12] =	stream.linear.scatter [tilespmem:s26], [sflag:$0x4], $0x2800, $0x38;
	[tilespmem:$0x1F400] =	vst v63  }
0x48: {  	_ =	swait.ge [sflag:s19], $0x2800  }
0x49: {  	[sflag:s19] =	ssyncset.done $0x0  }
0x4a: {  	[sflag:s19] =	ssyncadd.s32 $0xFFFFD800  }
0x4b: {  	[spmem:s13] =	stream.linear.scatter [tilespmem:s26], [sflag:$0x4], $0x2800, $0x38;
	[tilespmem:$0x1F400] =	vst v63  }
0x4c: {  	_ =	swait.ge [sflag:s19], $0x2800  }
0x4d: {  	[sflag:s19] =	ssyncset.done $0x0  }
0x4e: {  	[sflag:s19] =	ssyncadd.s32 $0xFFFFD800  }
0x4f: {  	[spmem:s14] =	stream.linear.scatter [tilespmem:s26], [sflag:$0x4], $0x2400, $0x38;
	[tilespmem:$0x1F400] =	vst v63  }
0x50: {  	_ =	swait.ge [sflag:s19], $0x2400  }
0x51: {  	[sflag:s19] =	ssyncset.done $0x0  }
0x52: {  	[sflag:s19] =	ssyncadd.s32 $0xFFFFDC00  }
0x53: {  	s10 =	simm.s32 $0x13D00;
	[bflag:$0x0] =	sbarrier.arrive $0xFFFF  }
0x54: {  	[tilespmem:s26], [sflag:$0x3] =	stream.indirect.gather [hbm4b:s1+s21], $0x80, s10, s21, $0xb8;
	[tilespmem:$0x1F400] =	vst v63  }
0x55: {  	_ =	swait.ge [sflag:s28], $0x2800  }
0x56: {  	[sflag:s28] =	ssyncset.done $0x0  }
0x57: {  	s11 =	simm.s32 $0x15C00;
	[sflag:s28] =	ssyncadd.s32 $0xFFFFD800  }
0x58: {  	[spmem:s2] =	stream.indirect.scatter.add.f32 [tilespmem:s22], [sflag:$0x4], $0x80, s11, s21, $0xb8;
	[tilespmem:$0x1F400] =	vst v63  }
0x59: {  	_ =	swait.ge [sflag:s19], $0x2800  }
0x5a: {  	[sflag:s19] =	ssyncset.done $0x0  }
0x5b: {  	s8 =	simm.s32 $0x13D80;
	[sflag:s19] =	ssyncadd.s32 $0xFFFFD800  }
0x5c: {  	[tilespmem:s22], [sflag:$0x1] =	stream.indirect.gather [hbm4b:s1+s21], $0x80, s8, s21, $0xb8;
	[tilespmem:$0x1F400] =	vst v63  }
0x5d: {  	_ =	swait.ge [sflag:s29], $0x2800  }
0x5e: {  	[sflag:s29] =	ssyncset.done $0x0  }
0x5f: {  	s9 =	simm.s32 $0x15C80;
	[sflag:s29] =	ssyncadd.s32 $0xFFFFD800  }
0x60: {  	[spmem:s2] =	stream.indirect.scatter.add.f32 [tilespmem:s25], [sflag:$0x4], $0x80, s9, s21, $0xb8;
	[tilespmem:$0x1F400] =	vst v63  }
0x61: {  	_ =	swait.ge [sflag:s19], $0x2800  }
0x62: {  	[sflag:s19] =	ssyncset.done $0x0  }
0x63: {  	s10 =	simm.s32 $0x13E00;
	[sflag:s19] =	ssyncadd.s32 $0xFFFFD800  }
0x64: {  	[tilespmem:s25], [sflag:$0x2] =	stream.indirect.gather [hbm4b:s1+s21], $0x80, s10, s21, $0xb8;
	[tilespmem:$0x1F400] =	vst v63  }
0x65: {  	_ =	swait.ge [sflag:s30], $0x2800  }
0x66: {  	[sflag:s30] =	ssyncset.done $0x0  }
0x67: {  	s11 =	simm.s32 $0x15D00;
	[sflag:s30] =	ssyncadd.s32 $0xFFFFD800  }
0x68: {  	[spmem:s2] =	stream.indirect.scatter.add.f32 [tilespmem:s26], [sflag:$0x4], $0x80, s11, s21, $0xb8;
	[tilespmem:$0x1F400] =	vst v63  }
0x69: {  	_ =	swait.ge [sflag:s19], $0x2800  }
0x6a: {  	s6 =	simm.s32 $0x180;
	s8 =	simm.s32 $0xC00;
	[sflag:s19] =	ssyncset.done $0x0  }
.LBB2_4:
0x6b: {  	s9 =	sadd.s32 $0x13D00, s6  }
0x6c: {  	[sflag:s19] =	ssyncadd.s32 $0xFFFFD800;
	s10 =	smov.u32 s8;
	s11 =	sadd.s32 $0x600, s8  }
0x6d: {  	[tilespmem:s26], [sflag:$0x3] =	stream.indirect.gather [hbm4b:s1+s21], $0x80, s9, s21, $0xb8;
	[tilespmem:$0x1F400] =	vst v63  }
0x6e: {  	p0 =	sne.s32 s8, $0x7200;
	_ =	swait.ge [sflag:s28], $0x2800  }
0x6f: {  	[sflag:s28] =	ssyncset.done $0x0  }
0x70: {  	s8 =	sadd.s32 $0x15C00, s6;
	[sflag:s28] =	ssyncadd.s32 $0xFFFFD800  }
0x71: {  	[spmem:s2] =	stream.indirect.scatter.add.f32 [tilespmem:s22], [sflag:$0x4], $0x80, s8, s21, $0xb8;
	[tilespmem:$0x1F400] =	vst v63  }
0x72: {  	_ =	swait.ge [sflag:s19], $0x2800  }
0x73: {  	[sflag:s19] =	ssyncset.done $0x0  }
0x74: {  	s8 =	sadd.s32 $0x13D80, s6;
	[sflag:s19] =	ssyncadd.s32 $0xFFFFD800  }
0x75: {  	[tilespmem:s22], [sflag:$0x1] =	stream.indirect.gather [hbm4b:s1+s21], $0x80, s8, s21, $0xb8;
	[tilespmem:$0x1F400] =	vst v63  }
0x76: {  	_ =	swait.ge [sflag:s29], $0x2800  }
0x77: {  	[sflag:s29] =	ssyncset.done $0x0  }
0x78: {  	s8 =	sadd.s32 $0x15C80, s6;
	[sflag:s29] =	ssyncadd.s32 $0xFFFFD800  }
0x79: {  	[spmem:s2] =	stream.indirect.scatter.add.f32 [tilespmem:s25], [sflag:$0x4], $0x80, s8, s21, $0xb8;
	[tilespmem:$0x1F400] =	vst v63  }
0x7a: {  	_ =	swait.ge [sflag:s19], $0x2800  }
0x7b: {  	[sflag:s19] =	ssyncset.done $0x0  }
0x7c: {  	s8 =	sadd.s32 $0x13E00, s6;
	[sflag:s19] =	ssyncadd.s32 $0xFFFFD800  }
0x7d: {  	[tilespmem:s25], [sflag:$0x2] =	stream.indirect.gather [hbm4b:s1+s21], $0x80, s8, s21, $0xb8;
	[tilespmem:$0x1F400] =	vst v63  }
0x7e: {  	_ =	swait.ge [sflag:s30], $0x2800  }
.Ltmp1:
0x7f: {  	[sflag:s30] =	ssyncset.done $0x0;
	(pc) =	sbr.rel @p0 .LBB2_4-.Ltmp1, $4  }
0x80: {  	s6 =	sadd.s32 $0x15D00, s6;
	[sflag:s30] =	ssyncadd.s32 $0xFFFFD800  }
0x81: {  	[spmem:s2] =	stream.indirect.scatter.add.f32 [tilespmem:s26], [sflag:$0x4], $0x80, s6, s21, $0xb8;
	[tilespmem:$0x1F400] =	vst v63  }
0x82: {  	_ =	swait.ge [sflag:s19], $0x2800  }
0x83: {  	s8 =	smov.u32 s11;
	s6 =	sshra.s32 s10, $0x2;
	[sflag:s19] =	ssyncset.done $0x0  }
0x84: {  	s8 =	sadd.s32 $0x13D00, s6;
	[sflag:s19] =	ssyncadd.s32 $0xFFFFD800  }
0x85: {  	[tilespmem:s26], [sflag:$0x3] =	stream.indirect.gather [hbm4b:s1+s21], $0x80, s8, s21, $0xb8;
	[tilespmem:$0x1F400] =	vst v63  }
0x86: {  	_ =	swait.ge [sflag:s28], $0x2800  }
0x87: {  	[sflag:s28] =	ssyncset.done $0x0  }
0x88: {  	s11 =	sadd.s32 $0x15C00, s6;
	[sflag:s28] =	ssyncadd.s32 $0xFFFFD800  }
0x89: {  	[spmem:s2] =	stream.indirect.scatter.add.f32 [tilespmem:s22], [sflag:$0x4], $0x80, s11, s21, $0xb8;
	[tilespmem:$0x1F400] =	vst v63  }
0x8a: {  	_ =	swait.ge [sflag:s19], $0x2800  }
0x8b: {  	[sflag:s19] =	ssyncset.done $0x0  }
0x8c: {  	s9 =	sadd.s32 $0x13D80, s6;
	[sflag:s19] =	ssyncadd.s32 $0xFFFFD800  }
0x8d: {  	[tilespmem:s22], [sflag:$0x1] =	stream.indirect.gather [hbm4b:s1+s21], $0x80, s9, s21, $0xb8;
	[tilespmem:$0x1F400] =	vst v63  }
0x8e: {  	_ =	swait.ge [sflag:s29], $0x2800  }
0x8f: {  	[sflag:s29] =	ssyncset.done $0x0  }
0x90: {  	s10 =	sadd.s32 $0x15C80, s6;
	[sflag:s29] =	ssyncadd.s32 $0xFFFFD800  }
0x91: {  	[spmem:s2] =	stream.indirect.scatter.add.f32 [tilespmem:s25], [sflag:$0x4], $0x80, s10, s21, $0xb8;
	[tilespmem:$0x1F400] =	vst v63  }
0x92: {  	_ =	swait.ge [sflag:s19], $0x2800  }
0x93: {  	[sflag:s19] =	ssyncset.done $0x0  }
0x94: {  	s11 =	sadd.s32 $0x13E00, s6;
	[sflag:s19] =	ssyncadd.s32 $0xFFFFD800  }
0x95: {  	[tilespmem:s25], [sflag:$0x2] =	stream.indirect.gather [hbm4b:s1+s21], $0x80, s11, s21, $0xb8;
	[tilespmem:$0x1F400] =	vst v63  }
0x96: {  	_ =	swait.ge [sflag:s30], $0x2800  }
0x97: {  	[sflag:s30] =	ssyncset.done $0x0  }
0x98: {  	s8 =	sadd.s32 $0x15D00, s6;
	[sflag:s30] =	ssyncadd.s32 $0xFFFFD800  }
0x99: {  	[spmem:s2] =	stream.indirect.scatter.add.f32 [tilespmem:s26], [sflag:$0x4], $0x80, s8, s21, $0xb8;
	[tilespmem:$0x1F400] =	vst v63  }
0x9a: {  	_ =	swait.ge [sflag:s19], $0x2800  }
0x9b: {  	[sflag:s19] =	ssyncset.done $0x0  }
0x9c: {  	[sflag:s19] =	ssyncadd.s32 $0xFFFFD800  }
0x9d: {  	[tilespmem:s26], [sflag:$0x3] =	stream.indirect.gather [hbm4b:s1+s21], $0x80, s31, s21, $0xb8;
	[tilespmem:$0x1F400] =	vst v63  }
0x9e: {  	_ =	swait.ge [sflag:s28], $0x2800  }
0x9f: {  	[sflag:s28] =	ssyncset.done $0x0  }
0xa0: {  	[sflag:s28] =	ssyncadd.s32 $0xFFFFD800  }
0xa1: {  	[spmem:s2] =	stream.indirect.scatter.add.f32 [tilespmem:s22], [sflag:$0x4], $0x80, s0, s21, $0xb8;
	[tilespmem:$0x1F400] =	vst v63  }
0xa2: {  	_ =	swait.ge [sflag:s19], $0x2800  }
0xa3: {  	[sflag:s19] =	ssyncset.done $0x0  }
0xa4: {  	[sflag:s19] =	ssyncadd.s32 $0xFFFFD800  }
0xa5: {  	[tilespmem:s22], [sflag:$0x1] =	stream.indirect.gather [hbm4b:s1+s21], $0x80, s31, s21, $0xb8;
	[tilespmem:$0x1F400] =	vst v63  }
0xa6: {  	_ =	swait.ge [sflag:s29], $0x2800  }
0xa7: {  	[sflag:s29] =	ssyncset.done $0x0  }
0xa8: {  	[sflag:s29] =	ssyncadd.s32 $0xFFFFD800  }
0xa9: {  	[spmem:s2] =	stream.indirect.scatter.add.f32 [tilespmem:s25], [sflag:$0x4], $0x80, s4, s21, $0xb8;
	[tilespmem:$0x1F400] =	vst v63  }
0xaa: {  	_ =	swait.ge [sflag:s19], $0x2800  }
0xab: {  	[sflag:s19] =	ssyncset.done $0x0  }
0xac: {  	[sflag:s19] =	ssyncadd.s32 $0xFFFFD800  }
0xad: {  	[tilespmem:s25], [sflag:$0x2] =	stream.indirect.gather [hbm4b:s1+s21], $0x80, s31, s21, $0xb8;
	[tilespmem:$0x1F400] =	vst v63  }
0xae: {  	_ =	swait.ge [sflag:s30], $0x2800  }
0xaf: {  	[sflag:s30] =	ssyncset.done $0x0  }
0xb0: {  	[sflag:s30] =	ssyncadd.s32 $0xFFFFD800  }
0xb1: {  	[spmem:s2] =	stream.indirect.scatter.add.f32 [tilespmem:s26], [sflag:$0x4], $0x80, s3, s21, $0xb8;
	[tilespmem:$0x1F400] =	vst v63  }
0xb2: {  	_ =	swait.ge [sflag:s19], $0x2800  }
0xb3: {  	[sflag:s19] =	ssyncset.done $0x0  }
0xb4: {  	[sflag:s19] =	ssyncadd.s32 $0xFFFFD800  }
0xb5: {  	_ =	swait.ge [sflag:s28], $0x2800  }
0xb6: {  	[sflag:s28] =	ssyncset.done $0x0  }
0xb7: {  	[sflag:s28] =	ssyncadd.s32 $0xFFFFD800  }
0xb8: {  	_ =	swait.ge [sflag:s29], $0x2800  }
0xb9: {  	[sflag:s29] =	ssyncset.done $0x0  }
0xba: {  	s9 =	simm.s32 $0x0;
	[sflag:s29] =	ssyncadd.s32 $0xFFFFD800  }
0xbb: {  	[tilespmem:s18], [sflag:$0x4] =	stream.linear.gather [hbm4b:s15+s9], $0x1F80, $0x38;
	[tilespmem:$0x1F400] =	vst v63  }
0xbc: {  	_ =	swait.ge [sflag:s19], $0x1F80  }
0xbd: {  	[sflag:s19] =	ssyncset.done $0x0  }
0xbe: {  	[sflag:s19] =	ssyncadd.s32 $0xFFFFE080  }
0xbf: {  	[tilespmem:s20], [sflag:$0x4] =	stream.linear.gather [hbm4b:s16+s9], $0x1F80, $0x38;
	[tilespmem:$0x1F400] =	vst v63  }
0xc0: {  	_ =	swait.ge [sflag:s19], $0x1F80  }
0xc1: {  	[sflag:s19] =	ssyncset.done $0x0  }
0xc2: {  	[sflag:s19] =	ssyncadd.s32 $0xFFFFE080  }
0xc3: {  	[tilespmem:s22], [sflag:$0x1] =	stream.indirect.gather [hbm4b:s1+s21], $0x80, s18, s21, $0xb8;
	[tilespmem:$0x1F400] =	vst v63  }
0xc4: {  	_ = 	snop  }
0xc5: {  	[tilespmem:s25], [sflag:$0x2] =	stream.indirect.gather [hbm4b:s1+s21], $0x80, s23, s21, $0xb8;
	[tilespmem:$0x1F400] =	vst v63  }
0xc6: {  	s10 =	simm.s32 $0x13D00  }
0xc7: {  	[tilespmem:s26], [sflag:$0x3] =	stream.indirect.gather [hbm4b:s1+s21], $0x80, s10, s21, $0xb8;
	[tilespmem:$0x1F400] =	vst v63  }
0xc8: {  	_ =	swait.ge [sflag:s28], $0x2800  }
0xc9: {  	[sflag:s28] =	ssyncset.done $0x0  }
0xca: {  	s11 =	simm.s32 $0x15C00;
	[sflag:s28] =	ssyncadd.s32 $0xFFFFD800  }
0xcb: {  	[spmem:s2] =	stream.indirect.scatter.add.f32 [tilespmem:s22], [sflag:$0x4], $0x80, s11, s21, $0xb8;
	[tilespmem:$0x1F400] =	vst v63  }
0xcc: {  	_ =	swait.ge [sflag:s19], $0x2800  }
0xcd: {  	[sflag:s19] =	ssyncset.done $0x0  }
0xce: {  	s8 =	simm.s32 $0x13D80;
	[sflag:s19] =	ssyncadd.s32 $0xFFFFD800  }
0xcf: {  	[tilespmem:s22], [sflag:$0x1] =	stream.indirect.gather [hbm4b:s1+s21], $0x80, s8, s21, $0xb8;
	[tilespmem:$0x1F400] =	vst v63  }
0xd0: {  	_ =	swait.ge [sflag:s29], $0x2800  }
0xd1: {  	[sflag:s29] =	ssyncset.done $0x0  }
0xd2: {  	s9 =	simm.s32 $0x15C80;
	[sflag:s29] =	ssyncadd.s32 $0xFFFFD800  }
0xd3: {  	[spmem:s2] =	stream.indirect.scatter.add.f32 [tilespmem:s25], [sflag:$0x4], $0x80, s9, s21, $0xb8;
	[tilespmem:$0x1F400] =	vst v63  }
0xd4: {  	_ =	swait.ge [sflag:s19], $0x2800  }
0xd5: {  	[sflag:s19] =	ssyncset.done $0x0  }
0xd6: {  	s10 =	simm.s32 $0x13E00;
	[sflag:s19] =	ssyncadd.s32 $0xFFFFD800  }
0xd7: {  	[tilespmem:s25], [sflag:$0x2] =	stream.indirect.gather [hbm4b:s1+s21], $0x80, s10, s21, $0xb8;
	[tilespmem:$0x1F400] =	vst v63  }
0xd8: {  	_ =	swait.ge [sflag:s30], $0x2800  }
0xd9: {  	[sflag:s30] =	ssyncset.done $0x0  }
0xda: {  	s11 =	simm.s32 $0x15D00;
	[sflag:s30] =	ssyncadd.s32 $0xFFFFD800  }
0xdb: {  	[spmem:s2] =	stream.indirect.scatter.add.f32 [tilespmem:s26], [sflag:$0x4], $0x80, s11, s21, $0xb8;
	[tilespmem:$0x1F400] =	vst v63  }
0xdc: {  	_ =	swait.ge [sflag:s19], $0x2800  }
0xdd: {  	s6 =	simm.s32 $0x180;
	s8 =	simm.s32 $0xC00;
	[sflag:s19] =	ssyncset.done $0x0  }
.LBB2_6:
0xde: {  	s9 =	sadd.s32 $0x13D00, s6  }
0xdf: {  	[sflag:s19] =	ssyncadd.s32 $0xFFFFD800;
	s10 =	smov.u32 s8;
	s11 =	sadd.s32 $0x600, s8  }
0xe0: {  	[tilespmem:s26], [sflag:$0x3] =	stream.indirect.gather [hbm4b:s1+s21], $0x80, s9, s21, $0xb8;
	[tilespmem:$0x1F400] =	vst v63  }
0xe1: {  	p0 =	sne.s32 s8, $0x7200;
	_ =	swait.ge [sflag:s28], $0x2800  }
0xe2: {  	[sflag:s28] =	ssyncset.done $0x0  }
0xe3: {  	s8 =	sadd.s32 $0x15C00, s6;
	[sflag:s28] =	ssyncadd.s32 $0xFFFFD800  }
0xe4: {  	[spmem:s2] =	stream.indirect.scatter.add.f32 [tilespmem:s22], [sflag:$0x4], $0x80, s8, s21, $0xb8;
	[tilespmem:$0x1F400] =	vst v63  }
0xe5: {  	_ =	swait.ge [sflag:s19], $0x2800  }
0xe6: {  	[sflag:s19] =	ssyncset.done $0x0  }
0xe7: {  	s8 =	sadd.s32 $0x13D80, s6;
	[sflag:s19] =	ssyncadd.s32 $0xFFFFD800  }
0xe8: {  	[tilespmem:s22], [sflag:$0x1] =	stream.indirect.gather [hbm4b:s1+s21], $0x80, s8, s21, $0xb8;
	[tilespmem:$0x1F400] =	vst v63  }
0xe9: {  	_ =	swait.ge [sflag:s29], $0x2800  }
0xea: {  	[sflag:s29] =	ssyncset.done $0x0  }
0xeb: {  	s8 =	sadd.s32 $0x15C80, s6;
	[sflag:s29] =	ssyncadd.s32 $0xFFFFD800  }
0xec: {  	[spmem:s2] =	stream.indirect.scatter.add.f32 [tilespmem:s25], [sflag:$0x4], $0x80, s8, s21, $0xb8;
	[tilespmem:$0x1F400] =	vst v63  }
0xed: {  	_ =	swait.ge [sflag:s19], $0x2800  }
0xee: {  	[sflag:s19] =	ssyncset.done $0x0  }
0xef: {  	s8 =	sadd.s32 $0x13E00, s6;
	[sflag:s19] =	ssyncadd.s32 $0xFFFFD800  }
0xf0: {  	[tilespmem:s25], [sflag:$0x2] =	stream.indirect.gather [hbm4b:s1+s21], $0x80, s8, s21, $0xb8;
	[tilespmem:$0x1F400] =	vst v63  }
0xf1: {  	_ =	swait.ge [sflag:s30], $0x2800  }
.Ltmp2:
0xf2: {  	[sflag:s30] =	ssyncset.done $0x0;
	(pc) =	sbr.rel @p0 .LBB2_6-.Ltmp2, $4  }
0xf3: {  	s6 =	sadd.s32 $0x15D00, s6;
	[sflag:s30] =	ssyncadd.s32 $0xFFFFD800  }
0xf4: {  	[spmem:s2] =	stream.indirect.scatter.add.f32 [tilespmem:s26], [sflag:$0x4], $0x80, s6, s21, $0xb8;
	[tilespmem:$0x1F400] =	vst v63  }
0xf5: {  	_ =	swait.ge [sflag:s19], $0x2800  }
0xf6: {  	s8 =	smov.u32 s11;
	s6 =	sshra.s32 s10, $0x2;
	[sflag:s19] =	ssyncset.done $0x0  }
0xf7: {  	s8 =	sadd.s32 $0x13D00, s6;
	[sflag:s19] =	ssyncadd.s32 $0xFFFFD800  }
0xf8: {  	[tilespmem:s26], [sflag:$0x3] =	stream.indirect.gather [hbm4b:s1+s21], $0x80, s8, s21, $0xb8;
	[tilespmem:$0x1F400] =	vst v63  }
0xf9: {  	_ =	swait.ge [sflag:s28], $0x2800  }
0xfa: {  	[sflag:s28] =	ssyncset.done $0x0  }
0xfb: {  	s11 =	sadd.s32 $0x15C00, s6;
	[sflag:s28] =	ssyncadd.s32 $0xFFFFD800  }
0xfc: {  	[spmem:s2] =	stream.indirect.scatter.add.f32 [tilespmem:s22], [sflag:$0x4], $0x80, s11, s21, $0xb8;
	[tilespmem:$0x1F400] =	vst v63  }
0xfd: {  	_ =	swait.ge [sflag:s19], $0x2800  }
0xfe: {  	[sflag:s19] =	ssyncset.done $0x0  }
0xff: {  	s9 =	sadd.s32 $0x13D80, s6;
	[sflag:s19] =	ssyncadd.s32 $0xFFFFD800  }
0x100: {  	[tilespmem:s22], [sflag:$0x1] =	stream.indirect.gather [hbm4b:s1+s21], $0x80, s9, s21, $0xb8;
	[tilespmem:$0x1F400] =	vst v63  }
0x101: {  	_ =	swait.ge [sflag:s29], $0x2800  }
0x102: {  	[sflag:s29] =	ssyncset.done $0x0  }
0x103: {  	s10 =	sadd.s32 $0x15C80, s6;
	[sflag:s29] =	ssyncadd.s32 $0xFFFFD800  }
0x104: {  	[spmem:s2] =	stream.indirect.scatter.add.f32 [tilespmem:s25], [sflag:$0x4], $0x80, s10, s21, $0xb8;
	[tilespmem:$0x1F400] =	vst v63  }
0x105: {  	_ =	swait.ge [sflag:s19], $0x2800  }
0x106: {  	[sflag:s19] =	ssyncset.done $0x0  }
0x107: {  	s11 =	sadd.s32 $0x13E00, s6;
	[sflag:s19] =	ssyncadd.s32 $0xFFFFD800  }
0x108: {  	[tilespmem:s25], [sflag:$0x2] =	stream.indirect.gather [hbm4b:s1+s21], $0x80, s11, s21, $0xb8;
	[tilespmem:$0x1F400] =	vst v63  }
0x109: {  	_ =	swait.ge [sflag:s30], $0x2800  }
0x10a: {  	[sflag:s30] =	ssyncset.done $0x0  }
0x10b: {  	s9 =	sadd.s32 $0x15D00, s6;
	[sflag:s30] =	ssyncadd.s32 $0xFFFFD800  }
0x10c: {  	[spmem:s2] =	stream.indirect.scatter.add.f32 [tilespmem:s26], [sflag:$0x4], $0x80, s9, s21, $0xb8;
	[tilespmem:$0x1F400] =	vst v63  }
0x10d: {  	_ =	swait.ge [sflag:s19], $0x2800  }
0x10e: {  	[sflag:s19] =	ssyncset.done $0x0  }
0x10f: {  	[sflag:s19] =	ssyncadd.s32 $0xFFFFD800  }
0x110: {  	[tilespmem:s26], [sflag:$0x3] =	stream.indirect.gather [hbm4b:s1+s21], $0x80, s31, s21, $0xb8;
	[tilespmem:$0x1F400] =	vst v63  }
0x111: {  	_ =	swait.ge [sflag:s28], $0x2800  }
0x112: {  	[sflag:s28] =	ssyncset.done $0x0  }
0x113: {  	[sflag:s28] =	ssyncadd.s32 $0xFFFFD800  }
0x114: {  	[spmem:s2] =	stream.indirect.scatter.add.f32 [tilespmem:s22], [sflag:$0x4], $0x80, s0, s21, $0xb8;
	[tilespmem:$0x1F400] =	vst v63  }
0x115: {  	_ =	swait.ge [sflag:s19], $0x2800  }
0x116: {  	[sflag:s19] =	ssyncset.done $0x0  }
0x117: {  	[sflag:s19] =	ssyncadd.s32 $0xFFFFD800  }
0x118: {  	[tilespmem:s22], [sflag:$0x1] =	stream.indirect.gather [hbm4b:s1+s21], $0x80, s31, s21, $0xb8;
	[tilespmem:$0x1F400] =	vst v63  }
0x119: {  	_ =	swait.ge [sflag:s29], $0x2800  }
0x11a: {  	[sflag:s29] =	ssyncset.done $0x0  }
0x11b: {  	[sflag:s29] =	ssyncadd.s32 $0xFFFFD800  }
0x11c: {  	[spmem:s2] =	stream.indirect.scatter.add.f32 [tilespmem:s25], [sflag:$0x4], $0x80, s4, s21, $0xb8;
	[tilespmem:$0x1F400] =	vst v63  }
0x11d: {  	_ =	swait.ge [sflag:s19], $0x2800  }
0x11e: {  	[sflag:s19] =	ssyncset.done $0x0  }
0x11f: {  	[sflag:s19] =	ssyncadd.s32 $0xFFFFD800  }
0x120: {  	[tilespmem:s25], [sflag:$0x2] =	stream.indirect.gather [hbm4b:s1+s21], $0x80, s31, s21, $0xb8;
	[tilespmem:$0x1F400] =	vst v63  }
0x121: {  	_ =	swait.ge [sflag:s30], $0x2800  }
0x122: {  	[sflag:s30] =	ssyncset.done $0x0  }
0x123: {  	[sflag:s30] =	ssyncadd.s32 $0xFFFFD800  }
0x124: {  	[spmem:s2] =	stream.indirect.scatter.add.f32 [tilespmem:s26], [sflag:$0x4], $0x80, s3, s21, $0xb8;
	[tilespmem:$0x1F400] =	vst v63  }
0x125: {  	_ =	swait.ge [sflag:s19], $0x2800  }
0x126: {  	[sflag:s19] =	ssyncset.done $0x0  }
0x127: {  	[sflag:s19] =	ssyncadd.s32 $0xFFFFD800  }
0x128: {  	_ =	swait.ge [sflag:s28], $0x2800  }
0x129: {  	[sflag:s28] =	ssyncset.done $0x0  }
0x12a: {  	[sflag:s28] =	ssyncadd.s32 $0xFFFFD800  }
0x12b: {  	s10 =	stileid.u32;
	_ =	swait.ge [sflag:s29], $0x2800  }
0x12c: {  	s5 =	sadd.s32 $0x1, s5;
	s6 =	sshll.u32 s10, $0x6;
	[sflag:s29] =	ssyncset.done $0x0  }
0x12d: {  	p0 =	sne.s32 s5, s17;
	s6 =	sor.u32 $0x1C04, s6;
	[sflag:s29] =	ssyncadd.s32 $0xFFFFD800  }
.Ltmp3:
0x12e: {  	s11 =	sshrl.u32 s7, $0x3;
	[bflag:$0x0] =	sbarrier.arrive $0xFFFF;
	(pc) =	sbr.rel @p0 .LBB2_1-.Ltmp3, $4  }
0x12f: {  	[hbm:s24], [sflag:s6] =	dma.local [spmem:s11], $0x2780  }
0x130: {  	_ =	swait.ge [sflag:s19], $0x2780  }
0x131: {  	[sflag:s19] =	ssyncset.done $0x0  }
0x132: {  	[sflag:s19] =	ssyncadd.s32 $0xFFFFD880  }
0x133: {  	_ =	sfence.sel $0x180000  }
0x134: {  	[bflag:$0x0] =	sbarrier.arrive $0xFFFF  }
0x135: {  	_ =	strace $0x9000004A  }
0x136: {  	s0 =	stileid.u32;
	[bflag:$0x2] =	sbarrier.arrive $0xFFFF  }
0x137: {  	p0 =	sne.s32 s0, $0x0;
	s0 =	rddreg [dreg:$0x3]  }
0x138: {  	s0 =	sadd.s32 @!p0 $0x100000, s0  }
0x139: {  	[sflag:s0] =	ssyncadd.tile.s32 @!p0 $0x1;
	_ =	shalt  }
.Lfunc_end2:
_tile_overlayer_lowered:
.L_overlay_start_2:
0x13a: {  	(tag) =	ssettag $0x2  }
0x13b: {  	s0 =	rddreg [dreg:$0x0];
	s2 =	stileid.u32  }
0x13c: {  	s1 =	rddreg [dreg:$0x1];
	p0 =	sne.s32 s2, $0x0  }
0x13d: {  	s3 =	rddreg [dreg:$0x2];
	[bflag:$0x3] =	sbarrier.arrive $0xFFFF;
	s2 =	simm.s32 @!p0 $0x1C04  }
0x13e: {  	[timem:s3], [sflag:s2] =	dma.local @!p0 [hbm:s0], s1  }
0x13f: {  	s0 =	simm.s32 @!p0 $0x4  }
0x140: {  	_ =	swait.ge @!p0 [sflag:s0], s1  }
0x141: {  	s1 =	ssub.s32 @!p0 $0x0, s1;
	[sflag:s0] =	ssyncset.done @!p0 $0x0  }
0x142: {  	[sflag:s0] =	ssyncadd.s32 @!p0 s1  }
0x143: {  	[bflag:$0x3] =	sbarrier.arrive $0xFFFF  }
0x144: {  	_ =	shalt  }

// kernel: sage_sc_aggregate.7.cloned.1.call-start
scs
__scs_entry_jumppad:
0x0: {  	(pc) =	sbr.rel $0x88, $3  }
0x1: {  	(tag) =	ssettag $0x0;
	lr =	simm.s32 $0x1  }
0x2: {  	[smem:$0x3F99] =	sst lr;
	_ =	strace $0xD0000000  }
0x3: {  	_ = 	snop  }
0x4: {  	_ = 	snop  }
0x5: {  	_ = 	snop  }
0x6: {  	_ = 	snop  }
0x7: {  	_ = 	snop  }
__scs_overlays_trampoline_lowered:
0x8: {  	[smem:$0x3FA8] =	sst s0  }
0x9: {  	[smem:$0x3FA9] =	sst s1  }
0xa: {  	[smem:$0x3FAA] =	sst s2  }
0xb: {  	[smem:$0x3FAB] =	sst s3  }
0xc: {  	[smem:$0x3FAC] =	sst s4  }
0xd: {  	[smem:$0x3FAD] =	sst s5  }
0xe: {  	[smem:$0x3FAE] =	sst s6  }
0xf: {  	[smem:$0x3FAF] =	sst s7  }
0x10: {  	[smem:$0x3FB0] =	sst s8  }
0x11: {  	[smem:$0x3FB1] =	sst s9;
	s0 =	simm.s32 @!p0 $0x0  }
0x12: {  	s1 =	sld [smem:$0x3F97];
	s0 =	simm.s32 @p0 $0x1  }
0x13: {  	[smem:$0x3FB2] =	sst s0;
	s0 =	simm.s32 @!p1 $0x0  }
0x14: {  	s2 =	sld [smem:$0x3F96];
	s0 =	simm.s32 @p1 $0x1  }
0x15: {  	[smem:$0x3FB3] =	sst s0;
	s0 =	simm.s32 @!p2 $0x0  }
0x16: {  	s3 =	sld [smem:$0x3FDB];
	s0 =	simm.s32 @p2 $0x1  }
0x17: {  	s4 =	simm.s32 $0x1BF5;
	[smem:$0x3FB5] =	sst s0  }
0x18: {  	s0 =	sld [smem:$0x3F98];
	_ =	swait.ge [sflag:s4], $0x0  }
0x19: {  	s7 =	sld [smem:$0x3F99]  }
0x1a: {  	s8 =	sadd.s32 $0xFFFFE003, lr  }
0x1b: {  	s9 =	sadd.s32 $0xFFFFFEF7, lr;
	s5 =	simm.s32 $0xFFFFFFFF;
	p2 =	slt.u32 s8, $0xFFFFF086  }
0x1c: {  	p1 =	slt.u32 s9, $0xF7A;
	s5 =	simm.s32 @!p2 $0x0  }
0x1d: {  	s5 =	simm.s32 @p1 $0x1;
	p0 =	seq.s32 s7, s2  }
0x1e: {  	s7 =	smul.u32 @!p0 $0xF7A, s2;
	p2 =	seq.s32 @!p0 s5, $0x0  }
0x1f: {  	s9 =	smul.u32 $0xF7A, s1;
	s8 =	simm.s32 @!p0 $0x1BF5;
	p2 =	por !p2, p0  }
0x20: {  	[sflag:s8] =	ssyncset.s32 @!p0 $0xFFFFF086;
	s6 =	sadd.s32 @!p0 s3, s7;
	s7 =	simm.s32 @!p0 $0x108  }
0x21: {  	s3 =	sadd.s32 s3, s9;
	s6 =	sadd.s32 @!p0 $0x88, s6;
	s7 =	simm.s32 @p2 $0x1082  }
0x22: {  	[simem:s7], [sflag:s8] =	dma.local @!p0 [hbm:s6], $0xF7A  }
0x23: {  	s9 =	sor.u32 $0xD0000000, s2;
	s6 =	simm.s32 $0x108;
	_ =	swait.ge @!p0 [sflag:s8], $0x0  }
0x24: {  	s3 =	sadd.s32 $0x88, s3;
	s6 =	simm.s32 @!p1 $0x1082;
	[sflag:s4] =	ssyncset.s32 $0xFFFFF086  }
0x25: {  	[simem:s6], [sflag:s4] =	dma.local [hbm:s3], $0xF7A  }
0x26: {  	[smem:$0x3F99] =	sst s1;
	(tag) =	ssettag s2;
	_ =	strace s9  }
0x27: {  	s1 =	sld [smem:$0x3FA9]  }
0x28: {  	s2 =	sld [smem:$0x3FAA]  }
0x29: {  	s4 =	sld [smem:$0x3FAC]  }
0x2a: {  	p0 =	seq.s32 s5, $0x0;
	s5 =	sld [smem:$0x3FAD]  }
0x2b: {  	s6 =	sld [smem:$0x3FAE]  }
0x2c: {  	s7 =	sld [smem:$0x3FAF]  }
0x2d: {  	s3 =	simm.s32 $0x108;
	s8 =	sld [smem:$0x3FB0]  }
0x2e: {  	s3 =	simm.s32 @!p0 $0x1082;
	s9 =	sld [smem:$0x3FB1]  }
0x2f: {  	lr =	sadd.s32 s0, s3;
	s0 =	sld [smem:$0x3FA8]  }
0x30: {  	s3 =	sld [smem:$0x3FAB]  }
0x31: {  	[smem:$0x3FB4] =	sst s10  }
0x32: {  	s10 =	sld [smem:$0x3FB2];
	_ =	sdelay $0x3  }
0x33: {  	p0 =	seq.s32 s10, $0x1;
	s10 =	sld [smem:$0x3FB4];
	_ =	sdelay $0x3  }
0x34: {  	[smem:$0x3FB4] =	sst s10  }
0x35: {  	s10 =	sld [smem:$0x3FB3];
	_ =	sdelay $0x3  }
0x36: {  	p1 =	seq.s32 s10, $0x1;
	s10 =	sld [smem:$0x3FB4];
	_ =	sdelay $0x3  }
0x37: {  	[smem:$0x3FB4] =	sst s10  }
0x38: {  	s10 =	sld [smem:$0x3FB5]  }
0x39: {  	_ = 	snop;
	(pc) =	sbr.ind lr, $3  }
0x3a: {  	_ = 	snop  }
0x3b: {  	_ = 	snop  }
0x3c: {  	p2 =	seq.s32 s10, $0x1;
	s10 =	sld [smem:$0x3FB4]  }
0x3d: {  	_ =	shalt  }
0x3e: {  	_ =	shalt  }
0x3f: {  	_ =	shalt  }
0x40: {  	_ =	shalt  }
0x41: {  	_ =	shalt  }
0x42: {  	_ =	shalt  }
0x43: {  	_ =	shalt  }
0x44: {  	_ =	shalt  }
0x45: {  	_ =	shalt  }
0x46: {  	_ =	shalt  }
0x47: {  	_ =	shalt  }
0x48: {  	_ =	shalt  }
0x49: {  	_ =	shalt  }
0x4a: {  	_ =	shalt  }
0x4b: {  	_ =	shalt  }
0x4c: {  	_ =	shalt  }
0x4d: {  	_ =	shalt  }
0x4e: {  	_ =	shalt  }
0x4f: {  	_ =	shalt  }
0x50: {  	_ =	shalt  }
0x51: {  	_ =	shalt  }
0x52: {  	_ =	shalt  }
0x53: {  	_ =	shalt  }
0x54: {  	_ =	shalt  }
0x55: {  	_ =	shalt  }
0x56: {  	_ =	shalt  }
0x57: {  	_ =	shalt  }
0x58: {  	_ =	shalt  }
0x59: {  	_ =	shalt  }
0x5a: {  	_ =	shalt  }
0x5b: {  	_ =	shalt  }
0x5c: {  	_ =	shalt  }
0x5d: {  	_ =	shalt  }
0x5e: {  	_ =	shalt  }
0x5f: {  	_ =	shalt  }
0x60: {  	_ =	shalt  }
0x61: {  	_ =	shalt  }
0x62: {  	_ =	shalt  }
0x63: {  	_ =	shalt  }
0x64: {  	_ =	shalt  }
0x65: {  	_ =	shalt  }
0x66: {  	_ =	shalt  }
0x67: {  	_ =	shalt  }
0x68: {  	_ =	shalt  }
0x69: {  	_ =	shalt  }
0x6a: {  	_ =	shalt  }
0x6b: {  	_ =	shalt  }
0x6c: {  	_ =	shalt  }
0x6d: {  	_ =	shalt  }
0x6e: {  	_ =	shalt  }
0x6f: {  	_ =	shalt  }
0x70: {  	_ =	shalt  }
0x71: {  	_ =	shalt  }
0x72: {  	_ =	shalt  }
0x73: {  	_ =	shalt  }
0x74: {  	_ =	shalt  }
0x75: {  	_ =	shalt  }
0x76: {  	_ =	shalt  }
0x77: {  	_ =	shalt  }
0x78: {  	_ =	shalt  }
0x79: {  	_ =	shalt  }
0x7a: {  	_ =	shalt  }
0x7b: {  	_ =	shalt  }
0x7c: {  	_ =	shalt  }
0x7d: {  	_ =	shalt  }
0x7e: {  	_ =	shalt  }
0x7f: {  	_ =	shalt  }
0x80: {  	_ =	shalt  }
0x81: {  	_ =	shalt  }
0x82: {  	_ =	shalt  }
0x83: {  	_ =	shalt  }
0x84: {  	_ =	shalt  }
0x85: {  	_ =	shalt  }
0x86: {  	_ =	shalt  }
0x87: {  	_ =	shalt  }
.Lfunc_end0:
.L_simem_size_0:
called_computation.2_lowered:
.L_overlay_start_0:
0x88: {  	s2 =	sld [smem:$0x3FD9]  }
0x89: {  	s3 =	sld [smem:$0x3FFE];
	_ =	sdelay $0x1  }
0x8a: {  	s1 =	srdreg.scid  }
0x8b: {  	s0 =	sand.u32 $0x1, s1  }
0x8c: {  	s17 =	sshll.u32 s0, $0xA;
	s2 =	sadd.s32 s3, s2  }
0x8d: {  	s2 =	sadd.s32 s2, s17  }
0x8e: {  	[smem:$0x3FC0] =	sst s2  }
0x8f: {  	_ = 	snop  }
0x90: {  	s2 =	sld [smem:$0x3FD0];
	(tm) =	ssettm $0x1  }
0x91: {  	s18 =	sld [smem:$0x3FFB];
	_ =	sdelay $0x3  }
0x92: {  	_ =	strace s18  }
0x93: {  	s3 =	sld [smem:$0x3FFC];
	_ =	sdelay $0x3  }
0x94: {  	_ =	strace s3  }
0x95: {  	s3 =	sld [smem:$0x3FFD];
	_ =	sdelay $0x3  }
0x96: {  	_ =	strace s3  }
0x97: {  	_ =	strace $0x8FFFFFFF  }
0x98: {  	s19 =	sld [smem:$0x3FDB];
	_ =	sdelay $0x1  }
0x99: {  	s4 =	simm.s32 $_scs_section_size  }
0x9a: {  	s5 =	simm.s32 $_size__tile_overlayer_lowered;
	s6 =	simm.s32 $_tile_overlayer_lowered  }
0x9b: {  	s22 =	simm.s32 $0x1BFF;
	s21 =	sshll.u32 s6, $0x1;
	s3 =	sadd.s32 s4, s19  }
0x9c: {  	s7 =	simm.s32 $0x0;
	s20 =	sshll.u32 s5, $0x1;
	s5 =	sadd.s32 s21, s3  }
0x9d: {  	[timem:s7], [sflag:s22] =	dma.local [hbm:s5], s20  }
0x9e: {  	_ =	swait.ge [sflag:s22], s20  }
0x9f: {  	s4 =	ssub.s32 $0x0, s20;
	[sflag:s22] =	ssyncset.done $0x0  }
0xa0: {  	[sflag:s22] =	ssyncadd.s32 s4;
	_ =	sdelay $0x1  }
0xa1: {  	s23 =	simm.s32 $0x1B8B  }
0xa2: {  	_ =	swait.ge [sflag:s23], $0x1  }
0xa3: {  	[sflag:s23] =	ssyncset.done $0x0  }
0xa4: {  	s25 =	simm.s32 $0x1B8E;
	s24 =	sld [smem:$0x3FFE];
	[sflag:s23] =	ssyncadd.s32 $0xFFFFFFFF  }
0xa5: {  	s26 =	simm.s32 $execute0_lowered;
	[smem:$0x3FD2] =	sst s25  }
0xa6: {  	s5 =	sshll.u32 s26, $0x1;
	_ =	strace $0x8000004C;
	[dreg:$0x1] =	wrdreg $0xFFFFFFFF  }
0xa7: {  	s28 =	simm.s32 $_size_execute0_lowered;
	s3 =	sadd.s32 s3, s5;
	[dreg:$0x0] =	wrdreg $0x0  }
0xa8: {  	s5 =	sshll.u32 s28, $0x1;
	[dreg:$0x2] =	wrdreg s3  }
0xa9: {  	[dreg:$0x3] =	wrdreg s5  }
0xaa: {  	[dreg:$0x4] =	wrdreg $0xC0  }
0xab: {  	_ =	task [dreg:s7], $0x5FFFF  }
0xac: {  	[dreg:$0x1] =	wrdreg $0xFFFFFFFF  }
0xad: {  	[dreg:$0x0] =	wrdreg $0x60  }
0xae: {  	[dreg:$0x2] =	wrdreg s2  }
0xaf: {  	[dreg:$0x3] =	wrdreg s24  }
0xb0: {  	[dreg:$0x4] =	wrdreg $0x0  }
0xb1: {  	[dreg:$0x5] =	wrdreg $0x9  }
0xb2: {  	_ =	task.clear_ibuf [dreg:s7], $0x6FFFF;
	_ =	strace $0x9000004C  }
0xb3: {  	s29 =	simm.s32 $0x9;
	_ =	strace $0x8000004E  }
0xb4: {  	_ =	swait.ge [sflag:s29], $0x1  }
0xb5: {  	[sflag:s29] =	ssyncadd.s32 $0xFFFFFFFF  }
0xb6: {  	_ =	strace $0x9000004E  }
0xb7: {  	_ =	sfence  }
0xb8: {  	s30 =	sld [smem:$0x0];
	_ =	sdelay $0x2  }
0xb9: {  	s31 =	sshll.u32 s1, $0xD;
	s1 =	sshrl.u32 s1, $0x2  }
0xba: {  	s3 =	sand.u32 $0x4000, s31;
	s1 =	sadd.s32 s1, s30  }
0xbb: {  	s0 =	sor.u32 s3, s0;
	s1 =	sshll.u32 s1, $0x11  }
0xbc: {  	s0 =	sor.u32 s1, s0  }
0xbd: {  	s0 =	sadd.s32 $0x8F2B, s0  }
0xbe: {  	[sflag:s0] =	ssyncadd.remote.s32 $0x1  }
0xbf: {  	_ =	sfence.sel $0xFFFF  }
0xc0: {  	[dreg:$0x0] =	wrdreg $0xFFFFFFFF;
	(pc) =	sbr.abs _section_cstart, $3  }
0xc1: {  	[dreg:$0x1] =	wrdreg $0xFFFFFFFF  }
0xc2: {  	_ =	task.clear_ibuf [dreg:s7], $0x2FFFF;
	_ =	strace $0x9FFFFFFF  }
0xc3: {  	(tm) =	ssettm $0x7FFFFFFF  }
tec
execute0_lowered:
.L_overlay_start_1:
0x0: {  	(tag) =	ssettag $0x1  }
0x1: {  	s1 =	rddreg [dreg:$0x0]  }
0x2: {  	s0 =	rddreg [dreg:$0x1]  }
0x3: {  	s2 =	rddreg [dreg:$0x2]  }
0x4: {  	s4 =	simm.s32 $0x0;
	s3 =	srdreg.scid;
	s10 =	stileid.u32  }
0x5: {  	s28 =	simm.s32 $0x1;
	s29 =	simm.s32 $0x2;
	s30 =	simm.s32 $0x3  }
0x6: {  	s31 =	simm.s32 $0x15B00;
	[smem:$0x7FF] =	sst s4;
	s3 =	sand.u32 $0x1, s3  }
0x7: {  	s5 =	sadd.s32 $0x12200, s0;
	s6 =	sadd.s32 $0x2200, s0;
	s7 =	smul.u32 $0x4F000, s10  }
0x8: {  	s9 =	sshll.u32 s10, $0xB;
	s26 =	smul.u32 $0x2780, s10;
	_ =	strace $0x8000004D  }
0x9: {  	s18 =	smul.u32 $0x27800, s3;
	s19 =	ssub.s32 $0x2, s3;
	s3 =	sshll.u32 s3, $0xF  }
0xa: {  	s8 =	sshrl.u32 s19, $0x1;
	s3 =	sor.u32 s9, s3;
	s7 =	sshrl.u32 s7, $0x2  }
0xb: {  	s0 =	sadd.s32 s18, s0;
	s4 =	ssub.s32 s19, s8;
	s20 =	sadd.s32 s5, s3  }
0xc: {  	s21 =	sadd.s32 s6, s3;
	s7 =	sadd.s32 s7, s2;
	s3 =	sor.u32 $0x400, s3  }
0xd: {  	s18 =	simm.s32 $0x13C00;
	s19 =	simm.s32 $0x4;
	[dreg:$0x4] =	wrdreg s20  }
0xe: {  	[dreg:$0x5] =	wrdreg s21;
	s22 =	sadd.s32 $0x2800, s7;
	s23 =	sadd.s32 $0x5000, s7  }
0xf: {  	s24 =	sadd.s32 $0x7800, s7;
	s25 =	sadd.s32 $0xA000, s7;
	s12 =	sadd.s32 $0xC800, s7  }
0x10: {  	s13 =	sadd.s32 $0xF000, s7;
	s14 =	sadd.s32 $0x11800, s7;
	s15 =	sadd.s32 s5, s3  }
0x11: {  	s16 =	sadd.s32 s6, s3;
	s0 =	sadd.s32 $0x22200, s0;
	[dreg:$0x6] =	wrdreg s22  }
0x12: {  	s17 =	smax.u32 s4, $0x1;
	s20 =	simm.s32 $0x15C00;
	[dreg:$0x7] =	wrdreg s23  }
0x13: {  	s21 =	simm.s32 $0x50;
	s4 =	simm.s32 $0x17A80;
	[dreg:$0x8] =	wrdreg s24  }
0x14: {  	s3 =	simm.s32 $0x17B00;
	s5 =	simm.s32 $0x0;
	[dreg:$0x9] =	wrdreg s25  }
0x15: {  	s22 =	simm.s32 $0x17C00;
	s23 =	simm.s32 $0x13C80;
	s24 =	sadd.s32 s26, s0  }
0x16: {  	v0 =	vimm.f32 $0.0e+00;
	s25 =	simm.s32 $0x1A400;
	s26 =	simm.s32 $0x1CC00;
	s0 =	simm.s32 $0x17A00  }
.LBB2_1:
0x17: {  	s6 =	simm.s32 $0x0;
	s8 =	rddreg [dreg:$0x4]  }
0x18: {  	[tilespmem:s18], [sflag:$0x4] =	stream.linear.gather [hbm4b:s8+s6], $0x1F80, $0x38;
	[tilespmem:$0x1F400] =	vst v63  }
0x19: {  	_ =	swait.ge [sflag:s19], $0x1F80  }
0x1a: {  	[sflag:s19] =	ssyncset.done $0x0  }
0x1b: {  	s11 =	rddreg [dreg:$0x5];
	[sflag:s19] =	ssyncadd.s32 $0xFFFFE080  }
0x1c: {  	[tilespmem:s20], [sflag:$0x4] =	stream.linear.gather [hbm4b:s11+s6], $0x1F80, $0x38;
	[tilespmem:$0x1F400] =	vst v63  }
0x1d: {  	_ =	swait.ge [sflag:s19], $0x1F80  }
0x1e: {  	[sflag:s19] =	ssyncset.done $0x0  }
0x1f: {  	[sflag:s19] =	ssyncadd.s32 $0xFFFFE080  }
0x20: {  	[tilespmem:s22], [sflag:$0x1] =	stream.indirect.gather [hbm4b:s1+s21], $0x80, s18, s21, $0xb8;
	[tilespmem:$0x1F400] =	vst v63  }
0x21: {  	s8 =	simm.s32 $0x200;
	s6 =	simm.s32 $0x0  }
0x22: {  	[tilespmem:s25], [sflag:$0x2] =	stream.indirect.gather [hbm4b:s1+s21], $0x80, s23, s21, $0xb8;
	[tilespmem:$0x1F400] =	vst v63  }
.LBB2_2:
0x23: {  	p0 =	sne.s32 s8, $0x9E00;
	[tilespmem:s6+$0x1CC70] =	vst v0  }
0x24: {  	[tilespmem:s6+$0x1CC00] =	vst v0  }
0x25: {  	[tilespmem:s6+$0x1CC10] =	vst v0  }
.Ltmp0:
0x26: {  	[tilespmem:s6+$0x1CC20] =	vst v0;
	(pc) =	sbr.rel @p0 .LBB2_2-.Ltmp0, $4  }
0x27: {  	[tilespmem:s6+$0x1CC30] =	vst v0  }
0x28: {  	[tilespmem:s6+$0x1CC40] =	vst v0  }
0x29: {  	[tilespmem:s6+$0x1CC50] =	vst v0  }
0x2a: {  	[tilespmem:s6+$0x1CC60] =	vst v0;
	s6 =	sshra.s32 s8, $0x2;
	s8 =	sadd.s32 $0x200, s8  }
0x2b: {  	[tilespmem:s6+$0x1CC70] =	vst v0  }
0x2c: {  	[tilespmem:s6+$0x1CC00] =	vst v0  }
0x2d: {  	[tilespmem:s6+$0x1CC10] =	vst v0  }
0x2e: {  	[tilespmem:s6+$0x1CC20] =	vst v0  }
0x2f: {  	[tilespmem:s6+$0x1CC30] =	vst v0  }
0x30: {  	[tilespmem:s6+$0x1CC40] =	vst v0  }
0x31: {  	[tilespmem:s6+$0x1CC50] =	vst v0  }
0x32: {  	[tilespmem:s6+$0x1CC60] =	vst v0  }
0x33: {  	[spmem:s7] =	stream.linear.scatter [tilespmem:s26], [sflag:$0x4], $0x2800, $0x38;
	[tilespmem:$0x1F400] =	vst v63  }
0x34: {  	_ =	swait.ge [sflag:s19], $0x2800  }
0x35: {  	[sflag:s19] =	ssyncset.done $0x0  }
0x36: {  	s10 =	rddreg [dreg:$0x6];
	[sflag:s19] =	ssyncadd.s32 $0xFFFFD800  }
0x37: {  	[spmem:s10] =	stream.linear.scatter [tilespmem:s26], [sflag:$0x4], $0x2800, $0x38;
	[tilespmem:$0x1F400] =	vst v63  }
0x38: {  	_ =	swait.ge [sflag:s19], $0x2800  }
0x39: {  	[sflag:s19] =	ssyncset.done $0x0  }
0x3a: {  	s11 =	rddreg [dreg:$0x7];
	[sflag:s19] =	ssyncadd.s32 $0xFFFFD800  }
0x3b: {  	[spmem:s11] =	stream.linear.scatter [tilespmem:s26], [sflag:$0x4], $0x2800, $0x38;
	[tilespmem:$0x1F400] =	vst v63  }
0x3c: {  	_ =	swait.ge [sflag:s19], $0x2800  }
0x3d: {  	[sflag:s19] =	ssyncset.done $0x0  }
0x3e: {  	s8 =	rddreg [dreg:$0x8];
	[sflag:s19] =	ssyncadd.s32 $0xFFFFD800  }
0x3f: {  	[spmem:s8] =	stream.linear.scatter [tilespmem:s26], [sflag:$0x4], $0x2800, $0x38;
	[tilespmem:$0x1F400] =	vst v63  }
0x40: {  	_ =	swait.ge [sflag:s19], $0x2800  }
0x41: {  	[sflag:s19] =	ssyncset.done $0x0  }
0x42: {  	s9 =	rddreg [dreg:$0x9];
	[sflag:s19] =	ssyncadd.s32 $0xFFFFD800  }
0x43: {  	[spmem:s9] =	stream.linear.scatter [tilespmem:s26], [sflag:$0x4], $0x2800, $0x38;
	[tilespmem:$0x1F400] =	vst v63  }
0x44: {  	_ =	swait.ge [sflag:s19], $0x2800  }
0x45: {  	[sflag:s19] =	ssyncset.done $0x0  }
0x46: {  	[sflag:s19] =	ssyncadd.s32 $0xFFFFD800  }
0x47: {  	[spmem:s12] =	stream.linear.scatter [tilespmem:s26], [sflag:$0x4], $0x2800, $0x38;
	[tilespmem:$0x1F400] =	vst v63  }
0x48: {  	_ =	swait.ge [sflag:s19], $0x2800  }
0x49: {  	[sflag:s19] =	ssyncset.done $0x0  }
0x4a: {  	[sflag:s19] =	ssyncadd.s32 $0xFFFFD800  }
0x4b: {  	[spmem:s13] =	stream.linear.scatter [tilespmem:s26], [sflag:$0x4], $0x2800, $0x38;
	[tilespmem:$0x1F400] =	vst v63  }
0x4c: {  	_ =	swait.ge [sflag:s19], $0x2800  }
0x4d: {  	[sflag:s19] =	ssyncset.done $0x0  }
0x4e: {  	[sflag:s19] =	ssyncadd.s32 $0xFFFFD800  }
0x4f: {  	[spmem:s14] =	stream.linear.scatter [tilespmem:s26], [sflag:$0x4], $0x2400, $0x38;
	[tilespmem:$0x1F400] =	vst v63  }
0x50: {  	_ =	swait.ge [sflag:s19], $0x2400  }
0x51: {  	[sflag:s19] =	ssyncset.done $0x0  }
0x52: {  	[sflag:s19] =	ssyncadd.s32 $0xFFFFDC00  }
0x53: {  	s10 =	simm.s32 $0x13D00;
	[bflag:$0x0] =	sbarrier.arrive $0xFFFF  }
0x54: {  	[tilespmem:s26], [sflag:$0x3] =	stream.indirect.gather [hbm4b:s1+s21], $0x80, s10, s21, $0xb8;
	[tilespmem:$0x1F400] =	vst v63  }
0x55: {  	_ =	swait.ge [sflag:s28], $0x2800  }
0x56: {  	[sflag:s28] =	ssyncset.done $0x0  }
0x57: {  	s11 =	simm.s32 $0x15C00;
	[sflag:s28] =	ssyncadd.s32 $0xFFFFD800  }
0x58: {  	[spmem:s2] =	stream.indirect.scatter.add.f32 [tilespmem:s22], [sflag:$0x4], $0x80, s11, s21, $0xb8;
	[tilespmem:$0x1F400] =	vst v63  }
0x59: {  	_ =	swait.ge [sflag:s19], $0x2800  }
0x5a: {  	[sflag:s19] =	ssyncset.done $0x0  }
0x5b: {  	s8 =	simm.s32 $0x13D80;
	[sflag:s19] =	ssyncadd.s32 $0xFFFFD800  }
0x5c: {  	[tilespmem:s22], [sflag:$0x1] =	stream.indirect.gather [hbm4b:s1+s21], $0x80, s8, s21, $0xb8;
	[tilespmem:$0x1F400] =	vst v63  }
0x5d: {  	_ =	swait.ge [sflag:s29], $0x2800  }
0x5e: {  	[sflag:s29] =	ssyncset.done $0x0  }
0x5f: {  	s9 =	simm.s32 $0x15C80;
	[sflag:s29] =	ssyncadd.s32 $0xFFFFD800  }
0x60: {  	[spmem:s2] =	stream.indirect.scatter.add.f32 [tilespmem:s25], [sflag:$0x4], $0x80, s9, s21, $0xb8;
	[tilespmem:$0x1F400] =	vst v63  }
0x61: {  	_ =	swait.ge [sflag:s19], $0x2800  }
0x62: {  	[sflag:s19] =	ssyncset.done $0x0  }
0x63: {  	s10 =	simm.s32 $0x13E00;
	[sflag:s19] =	ssyncadd.s32 $0xFFFFD800  }
0x64: {  	[tilespmem:s25], [sflag:$0x2] =	stream.indirect.gather [hbm4b:s1+s21], $0x80, s10, s21, $0xb8;
	[tilespmem:$0x1F400] =	vst v63  }
0x65: {  	_ =	swait.ge [sflag:s30], $0x2800  }
0x66: {  	[sflag:s30] =	ssyncset.done $0x0  }
0x67: {  	s11 =	simm.s32 $0x15D00;
	[sflag:s30] =	ssyncadd.s32 $0xFFFFD800  }
0x68: {  	[spmem:s2] =	stream.indirect.scatter.add.f32 [tilespmem:s26], [sflag:$0x4], $0x80, s11, s21, $0xb8;
	[tilespmem:$0x1F400] =	vst v63  }
0x69: {  	_ =	swait.ge [sflag:s19], $0x2800  }
0x6a: {  	s6 =	simm.s32 $0x180;
	s8 =	simm.s32 $0xC00;
	[sflag:s19] =	ssyncset.done $0x0  }
.LBB2_4:
0x6b: {  	s9 =	sadd.s32 $0x13D00, s6  }
0x6c: {  	[sflag:s19] =	ssyncadd.s32 $0xFFFFD800;
	s10 =	smov.u32 s8;
	s11 =	sadd.s32 $0x600, s8  }
0x6d: {  	[tilespmem:s26], [sflag:$0x3] =	stream.indirect.gather [hbm4b:s1+s21], $0x80, s9, s21, $0xb8;
	[tilespmem:$0x1F400] =	vst v63  }
0x6e: {  	p0 =	sne.s32 s8, $0x7200;
	_ =	swait.ge [sflag:s28], $0x2800  }
0x6f: {  	[sflag:s28] =	ssyncset.done $0x0  }
0x70: {  	s8 =	sadd.s32 $0x15C00, s6;
	[sflag:s28] =	ssyncadd.s32 $0xFFFFD800  }
0x71: {  	[spmem:s2] =	stream.indirect.scatter.add.f32 [tilespmem:s22], [sflag:$0x4], $0x80, s8, s21, $0xb8;
	[tilespmem:$0x1F400] =	vst v63  }
0x72: {  	_ =	swait.ge [sflag:s19], $0x2800  }
0x73: {  	[sflag:s19] =	ssyncset.done $0x0  }
0x74: {  	s8 =	sadd.s32 $0x13D80, s6;
	[sflag:s19] =	ssyncadd.s32 $0xFFFFD800  }
0x75: {  	[tilespmem:s22], [sflag:$0x1] =	stream.indirect.gather [hbm4b:s1+s21], $0x80, s8, s21, $0xb8;
	[tilespmem:$0x1F400] =	vst v63  }
0x76: {  	_ =	swait.ge [sflag:s29], $0x2800  }
0x77: {  	[sflag:s29] =	ssyncset.done $0x0  }
0x78: {  	s8 =	sadd.s32 $0x15C80, s6;
	[sflag:s29] =	ssyncadd.s32 $0xFFFFD800  }
0x79: {  	[spmem:s2] =	stream.indirect.scatter.add.f32 [tilespmem:s25], [sflag:$0x4], $0x80, s8, s21, $0xb8;
	[tilespmem:$0x1F400] =	vst v63  }
0x7a: {  	_ =	swait.ge [sflag:s19], $0x2800  }
0x7b: {  	[sflag:s19] =	ssyncset.done $0x0  }
0x7c: {  	s8 =	sadd.s32 $0x13E00, s6;
	[sflag:s19] =	ssyncadd.s32 $0xFFFFD800  }
0x7d: {  	[tilespmem:s25], [sflag:$0x2] =	stream.indirect.gather [hbm4b:s1+s21], $0x80, s8, s21, $0xb8;
	[tilespmem:$0x1F400] =	vst v63  }
0x7e: {  	_ =	swait.ge [sflag:s30], $0x2800  }
.Ltmp1:
0x7f: {  	[sflag:s30] =	ssyncset.done $0x0;
	(pc) =	sbr.rel @p0 .LBB2_4-.Ltmp1, $4  }
0x80: {  	s6 =	sadd.s32 $0x15D00, s6;
	[sflag:s30] =	ssyncadd.s32 $0xFFFFD800  }
0x81: {  	[spmem:s2] =	stream.indirect.scatter.add.f32 [tilespmem:s26], [sflag:$0x4], $0x80, s6, s21, $0xb8;
	[tilespmem:$0x1F400] =	vst v63  }
0x82: {  	_ =	swait.ge [sflag:s19], $0x2800  }
0x83: {  	s8 =	smov.u32 s11;
	s6 =	sshra.s32 s10, $0x2;
	[sflag:s19] =	ssyncset.done $0x0  }
0x84: {  	s8 =	sadd.s32 $0x13D00, s6;
	[sflag:s19] =	ssyncadd.s32 $0xFFFFD800  }
0x85: {  	[tilespmem:s26], [sflag:$0x3] =	stream.indirect.gather [hbm4b:s1+s21], $0x80, s8, s21, $0xb8;
	[tilespmem:$0x1F400] =	vst v63  }
0x86: {  	_ =	swait.ge [sflag:s28], $0x2800  }
0x87: {  	[sflag:s28] =	ssyncset.done $0x0  }
0x88: {  	s11 =	sadd.s32 $0x15C00, s6;
	[sflag:s28] =	ssyncadd.s32 $0xFFFFD800  }
0x89: {  	[spmem:s2] =	stream.indirect.scatter.add.f32 [tilespmem:s22], [sflag:$0x4], $0x80, s11, s21, $0xb8;
	[tilespmem:$0x1F400] =	vst v63  }
0x8a: {  	_ =	swait.ge [sflag:s19], $0x2800  }
0x8b: {  	[sflag:s19] =	ssyncset.done $0x0  }
0x8c: {  	s9 =	sadd.s32 $0x13D80, s6;
	[sflag:s19] =	ssyncadd.s32 $0xFFFFD800  }
0x8d: {  	[tilespmem:s22], [sflag:$0x1] =	stream.indirect.gather [hbm4b:s1+s21], $0x80, s9, s21, $0xb8;
	[tilespmem:$0x1F400] =	vst v63  }
0x8e: {  	_ =	swait.ge [sflag:s29], $0x2800  }
0x8f: {  	[sflag:s29] =	ssyncset.done $0x0  }
0x90: {  	s10 =	sadd.s32 $0x15C80, s6;
	[sflag:s29] =	ssyncadd.s32 $0xFFFFD800  }
0x91: {  	[spmem:s2] =	stream.indirect.scatter.add.f32 [tilespmem:s25], [sflag:$0x4], $0x80, s10, s21, $0xb8;
	[tilespmem:$0x1F400] =	vst v63  }
0x92: {  	_ =	swait.ge [sflag:s19], $0x2800  }
0x93: {  	[sflag:s19] =	ssyncset.done $0x0  }
0x94: {  	s11 =	sadd.s32 $0x13E00, s6;
	[sflag:s19] =	ssyncadd.s32 $0xFFFFD800  }
0x95: {  	[tilespmem:s25], [sflag:$0x2] =	stream.indirect.gather [hbm4b:s1+s21], $0x80, s11, s21, $0xb8;
	[tilespmem:$0x1F400] =	vst v63  }
0x96: {  	_ =	swait.ge [sflag:s30], $0x2800  }
0x97: {  	[sflag:s30] =	ssyncset.done $0x0  }
0x98: {  	s8 =	sadd.s32 $0x15D00, s6;
	[sflag:s30] =	ssyncadd.s32 $0xFFFFD800  }
0x99: {  	[spmem:s2] =	stream.indirect.scatter.add.f32 [tilespmem:s26], [sflag:$0x4], $0x80, s8, s21, $0xb8;
	[tilespmem:$0x1F400] =	vst v63  }
0x9a: {  	_ =	swait.ge [sflag:s19], $0x2800  }
0x9b: {  	[sflag:s19] =	ssyncset.done $0x0  }
0x9c: {  	[sflag:s19] =	ssyncadd.s32 $0xFFFFD800  }
0x9d: {  	[tilespmem:s26], [sflag:$0x3] =	stream.indirect.gather [hbm4b:s1+s21], $0x80, s31, s21, $0xb8;
	[tilespmem:$0x1F400] =	vst v63  }
0x9e: {  	_ =	swait.ge [sflag:s28], $0x2800  }
0x9f: {  	[sflag:s28] =	ssyncset.done $0x0  }
0xa0: {  	[sflag:s28] =	ssyncadd.s32 $0xFFFFD800  }
0xa1: {  	[spmem:s2] =	stream.indirect.scatter.add.f32 [tilespmem:s22], [sflag:$0x4], $0x80, s0, s21, $0xb8;
	[tilespmem:$0x1F400] =	vst v63  }
0xa2: {  	_ =	swait.ge [sflag:s19], $0x2800  }
0xa3: {  	[sflag:s19] =	ssyncset.done $0x0  }
0xa4: {  	[sflag:s19] =	ssyncadd.s32 $0xFFFFD800  }
0xa5: {  	[tilespmem:s22], [sflag:$0x1] =	stream.indirect.gather [hbm4b:s1+s21], $0x80, s31, s21, $0xb8;
	[tilespmem:$0x1F400] =	vst v63  }
0xa6: {  	_ =	swait.ge [sflag:s29], $0x2800  }
0xa7: {  	[sflag:s29] =	ssyncset.done $0x0  }
0xa8: {  	[sflag:s29] =	ssyncadd.s32 $0xFFFFD800  }
0xa9: {  	[spmem:s2] =	stream.indirect.scatter.add.f32 [tilespmem:s25], [sflag:$0x4], $0x80, s4, s21, $0xb8;
	[tilespmem:$0x1F400] =	vst v63  }
0xaa: {  	_ =	swait.ge [sflag:s19], $0x2800  }
0xab: {  	[sflag:s19] =	ssyncset.done $0x0  }
0xac: {  	[sflag:s19] =	ssyncadd.s32 $0xFFFFD800  }
0xad: {  	[tilespmem:s25], [sflag:$0x2] =	stream.indirect.gather [hbm4b:s1+s21], $0x80, s31, s21, $0xb8;
	[tilespmem:$0x1F400] =	vst v63  }
0xae: {  	_ =	swait.ge [sflag:s30], $0x2800  }
0xaf: {  	[sflag:s30] =	ssyncset.done $0x0  }
0xb0: {  	[sflag:s30] =	ssyncadd.s32 $0xFFFFD800  }
0xb1: {  	[spmem:s2] =	stream.indirect.scatter.add.f32 [tilespmem:s26], [sflag:$0x4], $0x80, s3, s21, $0xb8;
	[tilespmem:$0x1F400] =	vst v63  }
0xb2: {  	_ =	swait.ge [sflag:s19], $0x2800  }
0xb3: {  	[sflag:s19] =	ssyncset.done $0x0  }
0xb4: {  	[sflag:s19] =	ssyncadd.s32 $0xFFFFD800  }
0xb5: {  	_ =	swait.ge [sflag:s28], $0x2800  }
0xb6: {  	[sflag:s28] =	ssyncset.done $0x0  }
0xb7: {  	[sflag:s28] =	ssyncadd.s32 $0xFFFFD800  }
0xb8: {  	_ =	swait.ge [sflag:s29], $0x2800  }
0xb9: {  	[sflag:s29] =	ssyncset.done $0x0  }
0xba: {  	s9 =	simm.s32 $0x0;
	[sflag:s29] =	ssyncadd.s32 $0xFFFFD800  }
0xbb: {  	[tilespmem:s18], [sflag:$0x4] =	stream.linear.gather [hbm4b:s15+s9], $0x1F80, $0x38;
	[tilespmem:$0x1F400] =	vst v63  }
0xbc: {  	_ =	swait.ge [sflag:s19], $0x1F80  }
0xbd: {  	[sflag:s19] =	ssyncset.done $0x0  }
0xbe: {  	[sflag:s19] =	ssyncadd.s32 $0xFFFFE080  }
0xbf: {  	[tilespmem:s20], [sflag:$0x4] =	stream.linear.gather [hbm4b:s16+s9], $0x1F80, $0x38;
	[tilespmem:$0x1F400] =	vst v63  }
0xc0: {  	_ =	swait.ge [sflag:s19], $0x1F80  }
0xc1: {  	[sflag:s19] =	ssyncset.done $0x0  }
0xc2: {  	[sflag:s19] =	ssyncadd.s32 $0xFFFFE080  }
0xc3: {  	[tilespmem:s22], [sflag:$0x1] =	stream.indirect.gather [hbm4b:s1+s21], $0x80, s18, s21, $0xb8;
	[tilespmem:$0x1F400] =	vst v63  }
0xc4: {  	_ = 	snop  }
0xc5: {  	[tilespmem:s25], [sflag:$0x2] =	stream.indirect.gather [hbm4b:s1+s21], $0x80, s23, s21, $0xb8;
	[tilespmem:$0x1F400] =	vst v63  }
0xc6: {  	s10 =	simm.s32 $0x13D00  }
0xc7: {  	[tilespmem:s26], [sflag:$0x3] =	stream.indirect.gather [hbm4b:s1+s21], $0x80, s10, s21, $0xb8;
	[tilespmem:$0x1F400] =	vst v63  }
0xc8: {  	_ =	swait.ge [sflag:s28], $0x2800  }
0xc9: {  	[sflag:s28] =	ssyncset.done $0x0  }
0xca: {  	s11 =	simm.s32 $0x15C00;
	[sflag:s28] =	ssyncadd.s32 $0xFFFFD800  }
0xcb: {  	[spmem:s2] =	stream.indirect.scatter.add.f32 [tilespmem:s22], [sflag:$0x4], $0x80, s11, s21, $0xb8;
	[tilespmem:$0x1F400] =	vst v63  }
0xcc: {  	_ =	swait.ge [sflag:s19], $0x2800  }
0xcd: {  	[sflag:s19] =	ssyncset.done $0x0  }
0xce: {  	s8 =	simm.s32 $0x13D80;
	[sflag:s19] =	ssyncadd.s32 $0xFFFFD800  }
0xcf: {  	[tilespmem:s22], [sflag:$0x1] =	stream.indirect.gather [hbm4b:s1+s21], $0x80, s8, s21, $0xb8;
	[tilespmem:$0x1F400] =	vst v63  }
0xd0: {  	_ =	swait.ge [sflag:s29], $0x2800  }
0xd1: {  	[sflag:s29] =	ssyncset.done $0x0  }
0xd2: {  	s9 =	simm.s32 $0x15C80;
	[sflag:s29] =	ssyncadd.s32 $0xFFFFD800  }
0xd3: {  	[spmem:s2] =	stream.indirect.scatter.add.f32 [tilespmem:s25], [sflag:$0x4], $0x80, s9, s21, $0xb8;
	[tilespmem:$0x1F400] =	vst v63  }
0xd4: {  	_ =	swait.ge [sflag:s19], $0x2800  }
0xd5: {  	[sflag:s19] =	ssyncset.done $0x0  }
0xd6: {  	s10 =	simm.s32 $0x13E00;
	[sflag:s19] =	ssyncadd.s32 $0xFFFFD800  }
0xd7: {  	[tilespmem:s25], [sflag:$0x2] =	stream.indirect.gather [hbm4b:s1+s21], $0x80, s10, s21, $0xb8;
	[tilespmem:$0x1F400] =	vst v63  }
0xd8: {  	_ =	swait.ge [sflag:s30], $0x2800  }
0xd9: {  	[sflag:s30] =	ssyncset.done $0x0  }
0xda: {  	s11 =	simm.s32 $0x15D00;
	[sflag:s30] =	ssyncadd.s32 $0xFFFFD800  }
0xdb: {  	[spmem:s2] =	stream.indirect.scatter.add.f32 [tilespmem:s26], [sflag:$0x4], $0x80, s11, s21, $0xb8;
	[tilespmem:$0x1F400] =	vst v63  }
0xdc: {  	_ =	swait.ge [sflag:s19], $0x2800  }
0xdd: {  	s6 =	simm.s32 $0x180;
	s8 =	simm.s32 $0xC00;
	[sflag:s19] =	ssyncset.done $0x0  }
.LBB2_6:
0xde: {  	s9 =	sadd.s32 $0x13D00, s6  }
0xdf: {  	[sflag:s19] =	ssyncadd.s32 $0xFFFFD800;
	s10 =	smov.u32 s8;
	s11 =	sadd.s32 $0x600, s8  }
0xe0: {  	[tilespmem:s26], [sflag:$0x3] =	stream.indirect.gather [hbm4b:s1+s21], $0x80, s9, s21, $0xb8;
	[tilespmem:$0x1F400] =	vst v63  }
0xe1: {  	p0 =	sne.s32 s8, $0x7200;
	_ =	swait.ge [sflag:s28], $0x2800  }
0xe2: {  	[sflag:s28] =	ssyncset.done $0x0  }
0xe3: {  	s8 =	sadd.s32 $0x15C00, s6;
	[sflag:s28] =	ssyncadd.s32 $0xFFFFD800  }
0xe4: {  	[spmem:s2] =	stream.indirect.scatter.add.f32 [tilespmem:s22], [sflag:$0x4], $0x80, s8, s21, $0xb8;
	[tilespmem:$0x1F400] =	vst v63  }
0xe5: {  	_ =	swait.ge [sflag:s19], $0x2800  }
0xe6: {  	[sflag:s19] =	ssyncset.done $0x0  }
0xe7: {  	s8 =	sadd.s32 $0x13D80, s6;
	[sflag:s19] =	ssyncadd.s32 $0xFFFFD800  }
0xe8: {  	[tilespmem:s22], [sflag:$0x1] =	stream.indirect.gather [hbm4b:s1+s21], $0x80, s8, s21, $0xb8;
	[tilespmem:$0x1F400] =	vst v63  }
0xe9: {  	_ =	swait.ge [sflag:s29], $0x2800  }
0xea: {  	[sflag:s29] =	ssyncset.done $0x0  }
0xeb: {  	s8 =	sadd.s32 $0x15C80, s6;
	[sflag:s29] =	ssyncadd.s32 $0xFFFFD800  }
0xec: {  	[spmem:s2] =	stream.indirect.scatter.add.f32 [tilespmem:s25], [sflag:$0x4], $0x80, s8, s21, $0xb8;
	[tilespmem:$0x1F400] =	vst v63  }
0xed: {  	_ =	swait.ge [sflag:s19], $0x2800  }
0xee: {  	[sflag:s19] =	ssyncset.done $0x0  }
0xef: {  	s8 =	sadd.s32 $0x13E00, s6;
	[sflag:s19] =	ssyncadd.s32 $0xFFFFD800  }
0xf0: {  	[tilespmem:s25], [sflag:$0x2] =	stream.indirect.gather [hbm4b:s1+s21], $0x80, s8, s21, $0xb8;
	[tilespmem:$0x1F400] =	vst v63  }
0xf1: {  	_ =	swait.ge [sflag:s30], $0x2800  }
.Ltmp2:
0xf2: {  	[sflag:s30] =	ssyncset.done $0x0;
	(pc) =	sbr.rel @p0 .LBB2_6-.Ltmp2, $4  }
0xf3: {  	s6 =	sadd.s32 $0x15D00, s6;
	[sflag:s30] =	ssyncadd.s32 $0xFFFFD800  }
0xf4: {  	[spmem:s2] =	stream.indirect.scatter.add.f32 [tilespmem:s26], [sflag:$0x4], $0x80, s6, s21, $0xb8;
	[tilespmem:$0x1F400] =	vst v63  }
0xf5: {  	_ =	swait.ge [sflag:s19], $0x2800  }
0xf6: {  	s8 =	smov.u32 s11;
	s6 =	sshra.s32 s10, $0x2;
	[sflag:s19] =	ssyncset.done $0x0  }
0xf7: {  	s8 =	sadd.s32 $0x13D00, s6;
	[sflag:s19] =	ssyncadd.s32 $0xFFFFD800  }
0xf8: {  	[tilespmem:s26], [sflag:$0x3] =	stream.indirect.gather [hbm4b:s1+s21], $0x80, s8, s21, $0xb8;
	[tilespmem:$0x1F400] =	vst v63  }
0xf9: {  	_ =	swait.ge [sflag:s28], $0x2800  }
0xfa: {  	[sflag:s28] =	ssyncset.done $0x0  }
0xfb: {  	s11 =	sadd.s32 $0x15C00, s6;
	[sflag:s28] =	ssyncadd.s32 $0xFFFFD800  }
0xfc: {  	[spmem:s2] =	stream.indirect.scatter.add.f32 [tilespmem:s22], [sflag:$0x4], $0x80, s11, s21, $0xb8;
	[tilespmem:$0x1F400] =	vst v63  }
0xfd: {  	_ =	swait.ge [sflag:s19], $0x2800  }
0xfe: {  	[sflag:s19] =	ssyncset.done $0x0  }
0xff: {  	s9 =	sadd.s32 $0x13D80, s6;
	[sflag:s19] =	ssyncadd.s32 $0xFFFFD800  }
0x100: {  	[tilespmem:s22], [sflag:$0x1] =	stream.indirect.gather [hbm4b:s1+s21], $0x80, s9, s21, $0xb8;
	[tilespmem:$0x1F400] =	vst v63  }
0x101: {  	_ =	swait.ge [sflag:s29], $0x2800  }
0x102: {  	[sflag:s29] =	ssyncset.done $0x0  }
0x103: {  	s10 =	sadd.s32 $0x15C80, s6;
	[sflag:s29] =	ssyncadd.s32 $0xFFFFD800  }
0x104: {  	[spmem:s2] =	stream.indirect.scatter.add.f32 [tilespmem:s25], [sflag:$0x4], $0x80, s10, s21, $0xb8;
	[tilespmem:$0x1F400] =	vst v63  }
0x105: {  	_ =	swait.ge [sflag:s19], $0x2800  }
0x106: {  	[sflag:s19] =	ssyncset.done $0x0  }
0x107: {  	s11 =	sadd.s32 $0x13E00, s6;
	[sflag:s19] =	ssyncadd.s32 $0xFFFFD800  }
0x108: {  	[tilespmem:s25], [sflag:$0x2] =	stream.indirect.gather [hbm4b:s1+s21], $0x80, s11, s21, $0xb8;
	[tilespmem:$0x1F400] =	vst v63  }
0x109: {  	_ =	swait.ge [sflag:s30], $0x2800  }
0x10a: {  	[sflag:s30] =	ssyncset.done $0x0  }
0x10b: {  	s9 =	sadd.s32 $0x15D00, s6;
	[sflag:s30] =	ssyncadd.s32 $0xFFFFD800  }
0x10c: {  	[spmem:s2] =	stream.indirect.scatter.add.f32 [tilespmem:s26], [sflag:$0x4], $0x80, s9, s21, $0xb8;
	[tilespmem:$0x1F400] =	vst v63  }
0x10d: {  	_ =	swait.ge [sflag:s19], $0x2800  }
0x10e: {  	[sflag:s19] =	ssyncset.done $0x0  }
0x10f: {  	[sflag:s19] =	ssyncadd.s32 $0xFFFFD800  }
0x110: {  	[tilespmem:s26], [sflag:$0x3] =	stream.indirect.gather [hbm4b:s1+s21], $0x80, s31, s21, $0xb8;
	[tilespmem:$0x1F400] =	vst v63  }
0x111: {  	_ =	swait.ge [sflag:s28], $0x2800  }
0x112: {  	[sflag:s28] =	ssyncset.done $0x0  }
0x113: {  	[sflag:s28] =	ssyncadd.s32 $0xFFFFD800  }
0x114: {  	[spmem:s2] =	stream.indirect.scatter.add.f32 [tilespmem:s22], [sflag:$0x4], $0x80, s0, s21, $0xb8;
	[tilespmem:$0x1F400] =	vst v63  }
0x115: {  	_ =	swait.ge [sflag:s19], $0x2800  }
0x116: {  	[sflag:s19] =	ssyncset.done $0x0  }
0x117: {  	[sflag:s19] =	ssyncadd.s32 $0xFFFFD800  }
0x118: {  	[tilespmem:s22], [sflag:$0x1] =	stream.indirect.gather [hbm4b:s1+s21], $0x80, s31, s21, $0xb8;
	[tilespmem:$0x1F400] =	vst v63  }
0x119: {  	_ =	swait.ge [sflag:s29], $0x2800  }
0x11a: {  	[sflag:s29] =	ssyncset.done $0x0  }
0x11b: {  	[sflag:s29] =	ssyncadd.s32 $0xFFFFD800  }
0x11c: {  	[spmem:s2] =	stream.indirect.scatter.add.f32 [tilespmem:s25], [sflag:$0x4], $0x80, s4, s21, $0xb8;
	[tilespmem:$0x1F400] =	vst v63  }
0x11d: {  	_ =	swait.ge [sflag:s19], $0x2800  }
0x11e: {  	[sflag:s19] =	ssyncset.done $0x0  }
0x11f: {  	[sflag:s19] =	ssyncadd.s32 $0xFFFFD800  }
0x120: {  	[tilespmem:s25], [sflag:$0x2] =	stream.indirect.gather [hbm4b:s1+s21], $0x80, s31, s21, $0xb8;
	[tilespmem:$0x1F400] =	vst v63  }
0x121: {  	_ =	swait.ge [sflag:s30], $0x2800  }
0x122: {  	[sflag:s30] =	ssyncset.done $0x0  }
0x123: {  	[sflag:s30] =	ssyncadd.s32 $0xFFFFD800  }
0x124: {  	[spmem:s2] =	stream.indirect.scatter.add.f32 [tilespmem:s26], [sflag:$0x4], $0x80, s3, s21, $0xb8;
	[tilespmem:$0x1F400] =	vst v63  }
0x125: {  	_ =	swait.ge [sflag:s19], $0x2800  }
0x126: {  	[sflag:s19] =	ssyncset.done $0x0  }
0x127: {  	[sflag:s19] =	ssyncadd.s32 $0xFFFFD800  }
0x128: {  	_ =	swait.ge [sflag:s28], $0x2800  }
0x129: {  	[sflag:s28] =	ssyncset.done $0x0  }
0x12a: {  	[sflag:s28] =	ssyncadd.s32 $0xFFFFD800  }
0x12b: {  	s10 =	stileid.u32;
	_ =	swait.ge [sflag:s29], $0x2800  }
0x12c: {  	s5 =	sadd.s32 $0x1, s5;
	s6 =	sshll.u32 s10, $0x6;
	[sflag:s29] =	ssyncset.done $0x0  }
0x12d: {  	p0 =	sne.s32 s5, s17;
	s6 =	sor.u32 $0x1C04, s6;
	[sflag:s29] =	ssyncadd.s32 $0xFFFFD800  }
.Ltmp3:
0x12e: {  	s11 =	sshrl.u32 s7, $0x3;
	[bflag:$0x0] =	sbarrier.arrive $0xFFFF;
	(pc) =	sbr.rel @p0 .LBB2_1-.Ltmp3, $4  }
0x12f: {  	[hbm:s24], [sflag:s6] =	dma.local [spmem:s11], $0x2780  }
0x130: {  	_ =	swait.ge [sflag:s19], $0x2780  }
0x131: {  	[sflag:s19] =	ssyncset.done $0x0  }
0x132: {  	[sflag:s19] =	ssyncadd.s32 $0xFFFFD880  }
0x133: {  	_ =	sfence.sel $0x180000  }
0x134: {  	[bflag:$0x0] =	sbarrier.arrive $0xFFFF  }
0x135: {  	_ =	strace $0x9000004D  }
0x136: {  	s0 =	stileid.u32;
	[bflag:$0x2] =	sbarrier.arrive $0xFFFF  }
0x137: {  	p0 =	sne.s32 s0, $0x0;
	s0 =	rddreg [dreg:$0x3]  }
0x138: {  	s0 =	sadd.s32 @!p0 $0x100000, s0  }
0x139: {  	[sflag:s0] =	ssyncadd.tile.s32 @!p0 $0x1;
	_ =	shalt  }
.Lfunc_end2:
_tile_overlayer_lowered:
.L_overlay_start_2:
0x13a: {  	(tag) =	ssettag $0x2  }
0x13b: {  	s0 =	rddreg [dreg:$0x0];
	s2 =	stileid.u32  }
0x13c: {  	s1 =	rddreg [dreg:$0x1];
	p0 =	sne.s32 s2, $0x0  }
0x13d: {  	s3 =	rddreg [dreg:$0x2];
	[bflag:$0x3] =	sbarrier.arrive $0xFFFF;
	s2 =	simm.s32 @!p0 $0x1C04  }
0x13e: {  	[timem:s3], [sflag:s2] =	dma.local @!p0 [hbm:s0], s1  }
0x13f: {  	s0 =	simm.s32 @!p0 $0x4  }
0x140: {  	_ =	swait.ge @!p0 [sflag:s0], s1  }
0x141: {  	s1 =	ssub.s32 @!p0 $0x0, s1;
	[sflag:s0] =	ssyncset.done @!p0 $0x0  }
0x142: {  	[sflag:s0] =	ssyncadd.s32 @!p0 s1  }
0x143: {  	[bflag:$0x3] =	sbarrier.arrive $0xFFFF  }
0x144: {  	_ =	shalt  }

// kernel: sage_sc_counts.3.cloned.1.call-start
scs
__scs_entry_jumppad:
0x0: {  	(pc) =	sbr.rel $0x88, $3  }
0x1: {  	(tag) =	ssettag $0x0;
	lr =	simm.s32 $0x1  }
0x2: {  	[smem:$0x3F99] =	sst lr;
	_ =	strace $0xD0000000  }
0x3: {  	_ = 	snop  }
0x4: {  	_ = 	snop  }
0x5: {  	_ = 	snop  }
0x6: {  	_ = 	snop  }
0x7: {  	_ = 	snop  }
__scs_overlays_trampoline_lowered:
0x8: {  	[smem:$0x3FA8] =	sst s0  }
0x9: {  	[smem:$0x3FA9] =	sst s1  }
0xa: {  	[smem:$0x3FAA] =	sst s2  }
0xb: {  	[smem:$0x3FAB] =	sst s3  }
0xc: {  	[smem:$0x3FAC] =	sst s4  }
0xd: {  	[smem:$0x3FAD] =	sst s5  }
0xe: {  	[smem:$0x3FAE] =	sst s6  }
0xf: {  	[smem:$0x3FAF] =	sst s7  }
0x10: {  	[smem:$0x3FB0] =	sst s8  }
0x11: {  	[smem:$0x3FB1] =	sst s9;
	s0 =	simm.s32 @!p0 $0x0  }
0x12: {  	s1 =	sld [smem:$0x3F97];
	s0 =	simm.s32 @p0 $0x1  }
0x13: {  	[smem:$0x3FB2] =	sst s0;
	s0 =	simm.s32 @!p1 $0x0  }
0x14: {  	s2 =	sld [smem:$0x3F96];
	s0 =	simm.s32 @p1 $0x1  }
0x15: {  	[smem:$0x3FB3] =	sst s0;
	s0 =	simm.s32 @!p2 $0x0  }
0x16: {  	s3 =	sld [smem:$0x3FDB];
	s0 =	simm.s32 @p2 $0x1  }
0x17: {  	s4 =	simm.s32 $0x1BF5;
	[smem:$0x3FB5] =	sst s0  }
0x18: {  	s0 =	sld [smem:$0x3F98];
	_ =	swait.ge [sflag:s4], $0x0  }
0x19: {  	s7 =	sld [smem:$0x3F99]  }
0x1a: {  	s8 =	sadd.s32 $0xFFFFE003, lr  }
0x1b: {  	s9 =	sadd.s32 $0xFFFFFEF7, lr;
	s5 =	simm.s32 $0xFFFFFFFF;
	p2 =	slt.u32 s8, $0xFFFFF086  }
0x1c: {  	p1 =	slt.u32 s9, $0xF7A;
	s5 =	simm.s32 @!p2 $0x0  }
0x1d: {  	s5 =	simm.s32 @p1 $0x1;
	p0 =	seq.s32 s7, s2  }
0x1e: {  	s7 =	smul.u32 @!p0 $0xF7A, s2;
	p2 =	seq.s32 @!p0 s5, $0x0  }
0x1f: {  	s9 =	smul.u32 $0xF7A, s1;
	s8 =	simm.s32 @!p0 $0x1BF5;
	p2 =	por !p2, p0  }
0x20: {  	[sflag:s8] =	ssyncset.s32 @!p0 $0xFFFFF086;
	s6 =	sadd.s32 @!p0 s3, s7;
	s7 =	simm.s32 @!p0 $0x108  }
0x21: {  	s3 =	sadd.s32 s3, s9;
	s6 =	sadd.s32 @!p0 $0x88, s6;
	s7 =	simm.s32 @p2 $0x1082  }
0x22: {  	[simem:s7], [sflag:s8] =	dma.local @!p0 [hbm:s6], $0xF7A  }
0x23: {  	s9 =	sor.u32 $0xD0000000, s2;
	s6 =	simm.s32 $0x108;
	_ =	swait.ge @!p0 [sflag:s8], $0x0  }
0x24: {  	s3 =	sadd.s32 $0x88, s3;
	s6 =	simm.s32 @!p1 $0x1082;
	[sflag:s4] =	ssyncset.s32 $0xFFFFF086  }
0x25: {  	[simem:s6], [sflag:s4] =	dma.local [hbm:s3], $0xF7A  }
0x26: {  	[smem:$0x3F99] =	sst s1;
	(tag) =	ssettag s2;
	_ =	strace s9  }
0x27: {  	s1 =	sld [smem:$0x3FA9]  }
0x28: {  	s2 =	sld [smem:$0x3FAA]  }
0x29: {  	s4 =	sld [smem:$0x3FAC]  }
0x2a: {  	p0 =	seq.s32 s5, $0x0;
	s5 =	sld [smem:$0x3FAD]  }
0x2b: {  	s6 =	sld [smem:$0x3FAE]  }
0x2c: {  	s7 =	sld [smem:$0x3FAF]  }
0x2d: {  	s3 =	simm.s32 $0x108;
	s8 =	sld [smem:$0x3FB0]  }
0x2e: {  	s3 =	simm.s32 @!p0 $0x1082;
	s9 =	sld [smem:$0x3FB1]  }
0x2f: {  	lr =	sadd.s32 s0, s3;
	s0 =	sld [smem:$0x3FA8]  }
0x30: {  	s3 =	sld [smem:$0x3FAB]  }
0x31: {  	[smem:$0x3FB4] =	sst s10  }
0x32: {  	s10 =	sld [smem:$0x3FB2];
	_ =	sdelay $0x3  }
0x33: {  	p0 =	seq.s32 s10, $0x1;
	s10 =	sld [smem:$0x3FB4];
	_ =	sdelay $0x3  }
0x34: {  	[smem:$0x3FB4] =	sst s10  }
0x35: {  	s10 =	sld [smem:$0x3FB3];
	_ =	sdelay $0x3  }
0x36: {  	p1 =	seq.s32 s10, $0x1;
	s10 =	sld [smem:$0x3FB4];
	_ =	sdelay $0x3  }
0x37: {  	[smem:$0x3FB4] =	sst s10  }
0x38: {  	s10 =	sld [smem:$0x3FB5]  }
0x39: {  	_ = 	snop;
	(pc) =	sbr.ind lr, $3  }
0x3a: {  	_ = 	snop  }
0x3b: {  	_ = 	snop  }
0x3c: {  	p2 =	seq.s32 s10, $0x1;
	s10 =	sld [smem:$0x3FB4]  }
0x3d: {  	_ =	shalt  }
0x3e: {  	_ =	shalt  }
0x3f: {  	_ =	shalt  }
0x40: {  	_ =	shalt  }
0x41: {  	_ =	shalt  }
0x42: {  	_ =	shalt  }
0x43: {  	_ =	shalt  }
0x44: {  	_ =	shalt  }
0x45: {  	_ =	shalt  }
0x46: {  	_ =	shalt  }
0x47: {  	_ =	shalt  }
0x48: {  	_ =	shalt  }
0x49: {  	_ =	shalt  }
0x4a: {  	_ =	shalt  }
0x4b: {  	_ =	shalt  }
0x4c: {  	_ =	shalt  }
0x4d: {  	_ =	shalt  }
0x4e: {  	_ =	shalt  }
0x4f: {  	_ =	shalt  }
0x50: {  	_ =	shalt  }
0x51: {  	_ =	shalt  }
0x52: {  	_ =	shalt  }
0x53: {  	_ =	shalt  }
0x54: {  	_ =	shalt  }
0x55: {  	_ =	shalt  }
0x56: {  	_ =	shalt  }
0x57: {  	_ =	shalt  }
0x58: {  	_ =	shalt  }
0x59: {  	_ =	shalt  }
0x5a: {  	_ =	shalt  }
0x5b: {  	_ =	shalt  }
0x5c: {  	_ =	shalt  }
0x5d: {  	_ =	shalt  }
0x5e: {  	_ =	shalt  }
0x5f: {  	_ =	shalt  }
0x60: {  	_ =	shalt  }
0x61: {  	_ =	shalt  }
0x62: {  	_ =	shalt  }
0x63: {  	_ =	shalt  }
0x64: {  	_ =	shalt  }
0x65: {  	_ =	shalt  }
0x66: {  	_ =	shalt  }
0x67: {  	_ =	shalt  }
0x68: {  	_ =	shalt  }
0x69: {  	_ =	shalt  }
0x6a: {  	_ =	shalt  }
0x6b: {  	_ =	shalt  }
0x6c: {  	_ =	shalt  }
0x6d: {  	_ =	shalt  }
0x6e: {  	_ =	shalt  }
0x6f: {  	_ =	shalt  }
0x70: {  	_ =	shalt  }
0x71: {  	_ =	shalt  }
0x72: {  	_ =	shalt  }
0x73: {  	_ =	shalt  }
0x74: {  	_ =	shalt  }
0x75: {  	_ =	shalt  }
0x76: {  	_ =	shalt  }
0x77: {  	_ =	shalt  }
0x78: {  	_ =	shalt  }
0x79: {  	_ =	shalt  }
0x7a: {  	_ =	shalt  }
0x7b: {  	_ =	shalt  }
0x7c: {  	_ =	shalt  }
0x7d: {  	_ =	shalt  }
0x7e: {  	_ =	shalt  }
0x7f: {  	_ =	shalt  }
0x80: {  	_ =	shalt  }
0x81: {  	_ =	shalt  }
0x82: {  	_ =	shalt  }
0x83: {  	_ =	shalt  }
0x84: {  	_ =	shalt  }
0x85: {  	_ =	shalt  }
0x86: {  	_ =	shalt  }
0x87: {  	_ =	shalt  }
.Lfunc_end0:
.L_simem_size_0:
called_computation_lowered:
.L_overlay_start_0:
0x88: {  	s2 =	sld [smem:$0x3FD9]  }
0x89: {  	s3 =	sld [smem:$0x3FFE];
	_ =	sdelay $0x1  }
0x8a: {  	s1 =	srdreg.scid  }
0x8b: {  	s0 =	sand.u32 $0x1, s1  }
0x8c: {  	s17 =	sshll.u32 s0, $0xA;
	s2 =	sadd.s32 s3, s2  }
0x8d: {  	s2 =	sadd.s32 s2, s17  }
0x8e: {  	[smem:$0x3FC0] =	sst s2  }
0x8f: {  	_ = 	snop  }
0x90: {  	s2 =	sld [smem:$0x3FD0];
	(tm) =	ssettm $0x1  }
0x91: {  	s18 =	sld [smem:$0x3FFB];
	_ =	sdelay $0x3  }
0x92: {  	_ =	strace s18  }
0x93: {  	s3 =	sld [smem:$0x3FFC];
	_ =	sdelay $0x3  }
0x94: {  	_ =	strace s3  }
0x95: {  	s3 =	sld [smem:$0x3FFD];
	_ =	sdelay $0x3  }
0x96: {  	_ =	strace s3  }
0x97: {  	_ =	strace $0x8FFFFFFF  }
0x98: {  	s19 =	sld [smem:$0x3FDB];
	_ =	sdelay $0x1  }
0x99: {  	s4 =	simm.s32 $_scs_section_size  }
0x9a: {  	s5 =	simm.s32 $_size__tile_overlayer_lowered;
	s6 =	simm.s32 $_tile_overlayer_lowered  }
0x9b: {  	s22 =	simm.s32 $0x1BFF;
	s21 =	sshll.u32 s6, $0x1;
	s3 =	sadd.s32 s4, s19  }
0x9c: {  	s7 =	simm.s32 $0x0;
	s20 =	sshll.u32 s5, $0x1;
	s5 =	sadd.s32 s21, s3  }
0x9d: {  	[timem:s7], [sflag:s22] =	dma.local [hbm:s5], s20  }
0x9e: {  	_ =	swait.ge [sflag:s22], s20  }
0x9f: {  	s4 =	ssub.s32 $0x0, s20;
	[sflag:s22] =	ssyncset.done $0x0  }
0xa0: {  	[sflag:s22] =	ssyncadd.s32 s4;
	_ =	sdelay $0x1  }
0xa1: {  	s23 =	simm.s32 $0x1B8B  }
0xa2: {  	_ =	swait.ge [sflag:s23], $0x1  }
0xa3: {  	[sflag:s23] =	ssyncset.done $0x0  }
0xa4: {  	s25 =	simm.s32 $0x1B8E;
	s24 =	sld [smem:$0x3FFE];
	[sflag:s23] =	ssyncadd.s32 $0xFFFFFFFF  }
0xa5: {  	s26 =	simm.s32 $execute0_lowered;
	[smem:$0x3FD2] =	sst s25  }
0xa6: {  	s5 =	sshll.u32 s26, $0x1;
	_ =	strace $0x80000046;
	[dreg:$0x1] =	wrdreg $0xFFFFFFFF  }
0xa7: {  	s28 =	simm.s32 $_size_execute0_lowered;
	s3 =	sadd.s32 s3, s5;
	[dreg:$0x0] =	wrdreg $0x0  }
0xa8: {  	s5 =	sshll.u32 s28, $0x1;
	[dreg:$0x2] =	wrdreg s3  }
0xa9: {  	[dreg:$0x3] =	wrdreg s5  }
0xaa: {  	[dreg:$0x4] =	wrdreg $0xC0  }
0xab: {  	_ =	task [dreg:s7], $0x5FFFF  }
0xac: {  	[dreg:$0x1] =	wrdreg $0xFFFFFFFF  }
0xad: {  	[dreg:$0x0] =	wrdreg $0x60  }
0xae: {  	[dreg:$0x2] =	wrdreg s24  }
0xaf: {  	[dreg:$0x3] =	wrdreg s2  }
0xb0: {  	[dreg:$0x4] =	wrdreg $0x9  }
0xb1: {  	_ =	task.clear_ibuf [dreg:s7], $0x5FFFF;
	_ =	strace $0x90000046  }
0xb2: {  	s29 =	simm.s32 $0x9;
	_ =	strace $0x80000048  }
0xb3: {  	_ =	swait.ge [sflag:s29], $0x1  }
0xb4: {  	[sflag:s29] =	ssyncadd.s32 $0xFFFFFFFF  }
0xb5: {  	_ =	strace $0x90000048  }
0xb6: {  	_ =	sfence  }
0xb7: {  	s30 =	sld [smem:$0x0];
	_ =	sdelay $0x2  }
0xb8: {  	s31 =	sshll.u32 s1, $0xD;
	s1 =	sshrl.u32 s1, $0x2  }
0xb9: {  	s3 =	sand.u32 $0x4000, s31;
	s1 =	sadd.s32 s1, s30  }
0xba: {  	s0 =	sor.u32 s3, s0;
	s1 =	sshll.u32 s1, $0x11  }
0xbb: {  	s0 =	sor.u32 s1, s0  }
0xbc: {  	s0 =	sadd.s32 $0x8F2B, s0  }
0xbd: {  	[sflag:s0] =	ssyncadd.remote.s32 $0x1  }
0xbe: {  	_ =	sfence.sel $0xFFFF  }
0xbf: {  	[dreg:$0x0] =	wrdreg $0xFFFFFFFF;
	(pc) =	sbr.abs _section_cstart, $3  }
0xc0: {  	[dreg:$0x1] =	wrdreg $0xFFFFFFFF  }
0xc1: {  	_ =	task.clear_ibuf [dreg:s7], $0x2FFFF;
	_ =	strace $0x9FFFFFFF  }
0xc2: {  	(tm) =	ssettm $0x7FFFFFFF  }
0xc3: {  	_ =	shalt  }
tec
execute0_lowered:
.L_overlay_start_1:
0x0: {  	(tag) =	ssettag $0x1  }
0x1: {  	s3 =	rddreg [dreg:$0x0]  }
0x2: {  	s5 =	rddreg [dreg:$0x1]  }
0x3: {  	s0 =	rddreg [dreg:$0x2]  }
0x4: {  	s2 =	simm.s32 $0x0;
	s4 =	srdreg.scid;
	s1 =	stileid.u32  }
0x5: {  	s11 =	simm.s32 $0x80;
	s12 =	simm.s32 $0x400;
	s13 =	simm.s32 $0x3  }
0x6: {  	s14 =	simm.s32 $0x0;
	[smem:$0x7FF] =	sst s2;
	s4 =	sand.u32 $0x1, s4  }
0x7: {  	s7 =	sshrl.u32 s1, $0x2;
	s8 =	sshll.u32 s1, $0x8;
	s10 =	sshll.u32 s1, $0xB  }
0x8: {  	_ =	strace $0x80000047;
	s6 =	sshll.u32 s4, $0xF;
	s7 =	smul.u32 $0x13C00, s7  }
0x9: {  	s9 =	sshll.u32 s4, $0x7;
	s8 =	sand.u32 $0x300, s8;
	s4 =	ssub.s32 $0x2, s4  }
0xa: {  	s8 =	sor.u32 s9, s8;
	s6 =	sor.u32 s10, s6;
	s30 =	sshrl.u32 s4, $0x1  }
0xb: {  	s9 =	simm.s32 $0x4000;
	s10 =	simm.s32 $0x2;
	s7 =	sor.u32 s7, s8  }
0xc: {  	s6 =	sadd.s32 s6, s3;
	s31 =	ssub.s32 s4, s30;
	s8 =	simm.s32 $0x2000  }
0xd: {  	s7 =	sshrl.u32 s7, $0x3;
	s3 =	sadd.s32 $0x2200, s6;
	s4 =	sadd.s32 $0x2600, s6  }
0xe: {  	v0 =	vimm.f32 $0.0e+00;
	v1 =	vimm.f32 $1.000000000e+00;
	s6 =	smax.u32 s31, $0x1;
	s5 =	sadd.s32 s5, s7;
	s7 =	simm.s32 $0x1  }
.LBB2_1:
0xf: {  	[tilespmem:s2], [sflag:$0x1] =	stream.linear.gather [hbm4b:s3+s2], $0x1F80, $0x38;
	[tilespmem:$0x6780] =	vst v63  }
0x10: {  	s15 =	simm.s32 $0x40;
	s16 =	simm.s32 $0x0  }
.LBB2_2:
0x11: {  	p0 =	sne.s32 s15, $0x9DC0;
	[tilespmem:s16+$0x4000] =	vst v0;
	s16 =	smov.u32 s15;
	s15 =	sadd.s32 $0x40, s15  }
.Ltmp0:
0x12: {  	(pc) =	sbr.rel @p0 .LBB2_2-.Ltmp0, $2  }
0x13: {  	_ =	sdelay $0x2  }
0x14: {  	s16 =	sshra.s32 s16, $0x2  }
0x15: {  	s15 =	simm.s32 $0x0  }
0x16: {  	[tilespmem:s16+$0x4000] =	vst v0;
	s29 =	smul.u32 $0xCCCD, s15  }
0x17: {  	_ =	swait.ge [sflag:s7], $0x1F80  }
0x18: {  	[sflag:s7] =	ssyncset.done $0x0;
	s16 =	sshrl.u32 s29, $0x12  }
0x19: {  	[sflag:s7] =	ssyncadd.s32 $0xFFFFE080;
	s17 =	smul.u32 $0x5, s16  }
0x1a: {  	[tilespmem:s8], [sflag:$0x2] =	stream.linear.gather [hbm4b:s4+s15], $0x1F80, $0x38;
	[tilespmem:$0x6780] =	vst v63  }
0x1b: {  	s30 =	ssub.s32 $0x0, s17  }
0x1c: {  	s15 =	sand.u32 $0xFFFF, s30  }
0x1d: {  	s16 =	sshll.u32 s16, $0x7;
	s31 =	sshll.u32 s15, $0x4  }
0x1e: {  	s15 =	simm.s32 $0x1;
	s18 =	sor.u32 s31, s16  }
0x1f: {  	s17 =	smul.u32 $0xCCCD, s15;
	s16 =	simm.s32 $0x2;
	v2 =	vld [tilespmem:s18+$0x0]  }
.LBB2_4:
0x20: {  	p0 =	sne.s32 s16, $0x13A  }
0x21: {  	s17 =	sshrl.u32 s17, $0x12  }
0x22: {  	s18 =	smul.u32 $0x5, s17;
	_ =	sdelay $0x1  }
.Ltmp1:
0x23: {  	s18 =	ssub.s32 s15, s18;
	s15 =	smov.u32 s16;
	(pc) =	sbr.rel @p0 .LBB2_4-.Ltmp1, $4  }
0x24: {  	s18 =	sand.u32 $0xFFFF, s18  }
0x25: {  	s17 =	sshll.u32 s17, $0x7;
	s18 =	sshll.u32 s18, $0x4  }
0x26: {  	s18 =	sor.u32 s18, s17;
	[tilespmem:v2+s9+$0x0] =	vst.idx.add.f32.msk $0xffff, v1  }
0x27: {  	s16 =	sadd.s32 $0x1, s16;
	s17 =	smul.u32 $0xCCCD, s15;
	v2 =	vld [tilespmem:s18+$0x0]  }
0x28: {  	_ =	sdelay $0x1  }
0x29: {  	s16 =	sshrl.u32 s17, $0x12  }
0x2a: {  	s17 =	smul.u32 $0x5, s16;
	_ =	sdelay $0x1  }
0x2b: {  	s15 =	ssub.s32 s15, s17  }
0x2c: {  	s15 =	sand.u32 $0xFFFF, s15  }
0x2d: {  	s16 =	sshll.u32 s16, $0x7;
	s15 =	sshll.u32 s15, $0x4  }
0x2e: {  	[tilespmem:v2+s9+$0x0] =	vst.idx.add.f32.msk $0xffff, v1;
	s15 =	sor.u32 s15, s16  }
0x2f: {  	v2 =	vld [tilespmem:s15+$0x0];
	_ =	sdelay $0x1  }
0x30: {  	s29 =	simm.s32 $0x0  }
0x31: {  	s15 =	smul.u32 $0xCCCD, s29;
	_ =	sdelay $0x1  }
0x32: {  	s15 =	sshrl.u32 s15, $0x12  }
0x33: {  	s30 =	smul.u32 $0x5, s15;
	_ =	sdelay $0x1  }
0x34: {  	s16 =	ssub.s32 $0x0, s30;
	[tilespmem:v2+s9+$0x0] =	vst.idx.add.f32.msk $0xffff, v1  }
0x35: {  	s16 =	sand.u32 $0xFFFF, s16;
	_ =	swait.ge [sflag:s10], $0x1F80  }
0x36: {  	s31 =	sshll.u32 s15, $0x7;
	s16 =	sshll.u32 s16, $0x4;
	[sflag:s10] =	ssyncset.done $0x0  }
0x37: {  	s15 =	simm.s32 $0x1;
	s18 =	sor.u32 s16, s31;
	[sflag:s10] =	ssyncadd.s32 $0xFFFFE080  }
0x38: {  	s17 =	smul.u32 $0xCCCD, s15;
	s16 =	simm.s32 $0x2;
	v2 =	vld [tilespmem:s18+$0x2000]  }
.LBB2_6:
0x39: {  	p0 =	sne.s32 s16, $0x13A  }
0x3a: {  	s17 =	sshrl.u32 s17, $0x12  }
0x3b: {  	s18 =	smul.u32 $0x5, s17;
	_ =	sdelay $0x1  }
.Ltmp2:
0x3c: {  	s18 =	ssub.s32 s15, s18;
	s15 =	smov.u32 s16;
	(pc) =	sbr.rel @p0 .LBB2_6-.Ltmp2, $4  }
0x3d: {  	s18 =	sand.u32 $0xFFFF, s18  }
0x3e: {  	s17 =	sshll.u32 s17, $0x7;
	s18 =	sshll.u32 s18, $0x4  }
0x3f: {  	s18 =	sor.u32 s18, s17;
	[tilespmem:v2+s9+$0x0] =	vst.idx.add.f32.msk $0xffff, v1  }
0x40: {  	s16 =	sadd.s32 $0x1, s16;
	s17 =	smul.u32 $0xCCCD, s15;
	v2 =	vld [tilespmem:s18+$0x2000]  }
0x41: {  	_ =	sdelay $0x1  }
0x42: {  	s16 =	sshrl.u32 s17, $0x12  }
0x43: {  	s17 =	smul.u32 $0x5, s16;
	_ =	sdelay $0x1  }
0x44: {  	s15 =	ssub.s32 s15, s17  }
0x45: {  	s15 =	sand.u32 $0xFFFF, s15  }
0x46: {  	s16 =	sshll.u32 s16, $0x7;
	s15 =	sshll.u32 s15, $0x4  }
0x47: {  	[tilespmem:v2+s9+$0x0] =	vst.idx.add.f32.msk $0xffff, v1;
	s15 =	sor.u32 s15, s16  }
0x48: {  	v2 =	vld [tilespmem:s15+$0x2000];
	_ =	sdelay $0x5  }
0x49: {  	s14 =	sadd.s32 $0x1, s14  }
0x4a: {  	p0 =	sne.s32 s14, s6  }
.Ltmp3:
0x4b: {  	[tilespmem:v2+s9+$0x0] =	vst.idx.add.f32.msk $0xffff, v1;
	(pc) =	sbr.rel @p0 .LBB2_1-.Ltmp3, $4  }
0x4c: {  	[hbm4b:s5+s11] =	stream.strided.scatter [tilespmem:s9], [sflag:$0x3], $0x2780, s12, s11, $0x38;
	[tilespmem:$0x6780] =	vst v63  }
0x4d: {  	_ =	swait.ge [sflag:s13], $0x2780  }
0x4e: {  	[sflag:s13] =	ssyncset.done $0x0  }
0x4f: {  	[sflag:s13] =	ssyncadd.s32 $0xFFFFD880  }
0x50: {  	_ =	sfence.sel $0x180000  }
0x51: {  	[bflag:$0x0] =	sbarrier.arrive $0xFFFF  }
0x52: {  	p0 =	sne.s32 s1, $0x0;
	_ =	strace $0x90000047  }
0x53: {  	s0 =	sadd.s32 @!p0 $0x100000, s0;
	[bflag:$0x2] =	sbarrier.arrive $0xFFFF  }
0x54: {  	[sflag:s0] =	ssyncadd.tile.s32 @!p0 $0x1;
	_ =	shalt  }
.Lfunc_end2:
_tile_overlayer_lowered:
.L_overlay_start_2:
0x55: {  	(tag) =	ssettag $0x2  }
0x56: {  	s0 =	rddreg [dreg:$0x0];
	s2 =	stileid.u32  }
0x57: {  	s1 =	rddreg [dreg:$0x1];
	p0 =	sne.s32 s2, $0x0  }
0x58: {  	s3 =	rddreg [dreg:$0x2];
	[bflag:$0x3] =	sbarrier.arrive $0xFFFF;
	s2 =	simm.s32 @!p0 $0x1C03  }
0x59: {  	[timem:s3], [sflag:s2] =	dma.local @!p0 [hbm:s0], s1  }
0x5a: {  	s0 =	simm.s32 @!p0 $0x3  }
0x5b: {  	_ =	swait.ge @!p0 [sflag:s0], s1  }
0x5c: {  	s1 =	ssub.s32 @!p0 $0x0, s1;
	[sflag:s0] =	ssyncset.done @!p0 $0x0  }
0x5d: {  	[sflag:s0] =	ssyncadd.s32 @!p0 s1  }
0x5e: {  	[bflag:$0x3] =	sbarrier.arrive $0xFFFF  }
0x5f: {  	_ =	shalt  }

</sc_bundles>
